<compile_context>
chip_gen: v7x
topology: tpu7x:2x2x1
jax: 0.10.2.dev20260603
libtpu: 0.0.44.dev20260713+nightly
codegen_flags: <defaults>
</compile_context>

<pallas_src>
import jax
import jax.numpy as jnp
import numpy as np
from jax import lax
from jax.experimental import pallas as pl
from jax.experimental.pallas import tpu as pltpu
from jax.experimental.pallas import tpu_sc as plsc

CFG_SCALE = 2.0
TEMPERATURE = 0.85
TOP_P = 0.9
AUDIO_START_ID = 151669
AUDIO_END_ID = 215669
EOS_TOKEN_ID = 151645
SAMPLE_SEED = 1
B = 8
V = 1000000

W0 = 151552
WW = 65536
EOS_I = EOS_TOKEN_ID - W0
A0_I = AUDIO_START_ID - W0
A1_I = AUDIO_END_ID - W0
HH = WW // 2
NV = WW // 16
UNROLL = 8
NEG = float(np.finfo(np.float32).min)



def _lane_reduce(vec, op):
    acc = vec[0]
    for j in range(1, 16):
        acc = op(acc, vec[j])
    return acc


def _ukey(z):
    bits = lax.bitcast_convert_type(z, jnp.int32) | np.int32(-2147483648)
    return bits ^ np.int32(-1)


def _walk(hist, sums, rem, nvreg):
    f32 = jnp.float32

    def suma_body(i, _):
        sums[i] = plsc.cumsum(hist[pl.ds(i * 16, 16)])[15]
        return 0

    lax.fori_loop(0, nvreg, suma_body, 0)

    if rem is None:
        def tot_body(i, t):
            return t + sums[i]
        rem = f32(TOP_P) * lax.fori_loop(0, nvreg, tot_body, f32(0.0))

    def walk_body(i, carry):
        sel, above, run = carry
        j = np.int32(nvreg - 1) - i
        run2 = run + sums[j]
        cross = (run2 > rem) & (sel < 0)
        sel = jnp.where(cross, j, sel)
        above = jnp.where(cross, run, above)
        return sel, above, run2

    sel, above, _ = lax.fori_loop(0, nvreg, walk_body,
                                  (jnp.int32(-1), f32(0.0), f32(0.0)))
    sel = jnp.maximum(sel, 0)
    rem2 = rem - above

    v = hist[pl.ds(sel * 16, 16)]
    rv = lax.rev(v, (0,))
    cs = plsc.cumsum(rv)
    cond = cs > rem2
    cnt = _lane_reduce(jnp.where(cond, jnp.int32(1), jnp.int32(0)),
                       lambda a, b: a + b)
    cnt = jnp.maximum(cnt, 1)
    binv = sel * 16 + (cnt - 1)
    above2 = _lane_reduce(jnp.where(cond, f32(0.0), rv), lambda a, b: a + b)
    return binv, rem2 - above2


def _zero_hist(hist, nvreg):
    def body(i, _):
        hist[pl.ds(i * 16, 16)] = jnp.zeros((16,), jnp.float32)
        return 0
    lax.fori_loop(0, nvreg, body, 0)


ZCH = 28672
TAIL0 = 999936
_ZERO_RANGES = []
for _off in range(0, W0, ZCH):
    _ZERO_RANGES.append((_off, min(ZCH, W0 - _off)))
for _off in range(W0 + WW, TAIL0, ZCH):
    _ZERO_RANGES.append((_off, min(ZCH, TAIL0 - _off)))


def _sc_body(cond_hbm, uncond_hbm, probs_hbm, bprobs_hbm, arr, ub, zbuf, hist,
             sums, zsem):
    f32 = jnp.float32
    wid = lax.axis_index("s") * 2 + lax.axis_index("c")

    @pl.when(wid < B)
    def _row():
        row = wid
        iota = lax.iota(jnp.int32, 16)
        inv_t = f32(1.0 / TEMPERATURE)

        def zb_body(off):
            zbuf[pl.ds(off, 16)] = jnp.zeros((16,), f32)

        plsc.parallel_loop(0, ZCH, 16, unroll=UNROLL)(zb_body)

        pltpu.sync_copy(cond_hbm.at[row], arr)

        def pa_half(h, mx):
            pltpu.sync_copy(uncond_hbm.at[row, pl.ds(h * HH, HH)], ub)

            def body(off, mxi):
                cvec = arr[pl.ds(h * HH + off, 16)]
                uvec = ub[pl.ds(off, 16)]
                cfg = uvec + f32(CFG_SCALE) * (cvec - uvec)
                col = iota + (h * HH + off)
                act = (col == EOS_I) | ((col >= A0_I) & (col < A1_I))
                cfgm = jnp.where(act, cfg, f32(NEG))
                arr[pl.ds(h * HH + off, 16)] = cfgm
                return jnp.maximum(mxi, cfgm)

            return plsc.parallel_loop(0, HH, 16, unroll=UNROLL, carry=mx)(body)

        mxv = lax.fori_loop(0, 2, pa_half, jnp.full((16,), NEG, f32))
        m = _lane_reduce(mxv, jnp.maximum)

        zcopies = [
            pltpu.async_copy(zbuf.at[pl.ds(0, size)],
                             probs_hbm.at[row, pl.ds(start, size)], zsem)
            for start, size in _ZERO_RANGES
        ]

        _zero_hist(hist, 64)

        def pb_body(off):
            zvv = arr[pl.ds(off, 16)] - m
            arr[pl.ds(off, 16)] = zvv
            pv = jnp.exp(zvv)
            idx = lax.shift_right_logical(_ukey(zvv), np.int32(21))
            plsc.addupdate_scatter(hist, [idx], pv)

        plsc.parallel_loop(0, WW, 16, unroll=UNROLL)(pb_body)
        b1, rem = _walk(hist, sums, None, 64)

        _zero_hist(hist, 64)

        def r2_body(off):
            uk = _ukey(arr[pl.ds(off, 16)])
            pv = jnp.exp(arr[pl.ds(off, 16)])
            msk = lax.shift_right_logical(uk, np.int32(21)) == b1
            idx = lax.shift_right_logical(uk, np.int32(11)) & np.int32(0x3FF)
            plsc.addupdate_scatter(hist, [idx], pv, mask=msk)

        plsc.parallel_loop(0, WW, 16, unroll=UNROLL)(r2_body)
        b2, rem = _walk(hist, sums, rem, 64)

        pre = lax.shift_left(b1, np.int32(10)) | b2
        _zero_hist(hist, 128)

        def r3_body(off):
            uk = _ukey(arr[pl.ds(off, 16)])
            pv = jnp.exp(arr[pl.ds(off, 16)])
            msk = lax.shift_right_logical(uk, np.int32(11)) == pre
            idx = uk & np.int32(0x7FF)
            plsc.addupdate_scatter(hist, [idx], pv, mask=msk)

        plsc.parallel_loop(0, WW, 16, unroll=UNROLL)(r3_body)
        b3, _ = _walk(hist, sums, rem, 128)
        thr = (lax.shift_left(b1, np.int32(21))
               | lax.shift_left(b2, np.int32(11)) | b3)

        def pc_body(off):
            zvv = arr[pl.ds(off, 16)]
            keep = _ukey(zvv) >= thr
            p2 = jnp.where(keep, jnp.exp(zvv * inv_t), f32(0.0))
            arr[pl.ds(off, 16)] = p2

        plsc.parallel_loop(0, WW, 16, unroll=UNROLL)(pc_body)
        pltpu.sync_copy(arr, bprobs_hbm.at[row])
        pltpu.sync_copy(arr, probs_hbm.at[row, pl.ds(W0, WW)])
        for d in zcopies:
            d.wait()


def _sc_topp(cond_w, uncond_w):
    mesh = plsc.VectorSubcoreMesh(core_axis_name="c", subcore_axis_name="s",
                                  num_cores=2, num_subcores=16)
    fn = pl.kernel(
        _sc_body,
        compiler_params=pltpu.CompilerParams(needs_layout_passes=False),
        out_type=[
            jax.ShapeDtypeStruct((B, V), jnp.float32),
            jax.ShapeDtypeStruct((B, WW), jnp.float32),
        ],
        mesh=mesh,
        scratch_types=[
            pltpu.VMEM((WW,), jnp.float32),
            pltpu.VMEM((HH,), jnp.float32),
            pltpu.VMEM((ZCH,), jnp.float32),
            pltpu.VMEM((2048,), jnp.float32),
            pltpu.SMEM((128,), jnp.float32),
            pltpu.SemaphoreType.DMA,
        ],
    )
    return fn(cond_w, uncond_w)



def _rotl(x, d):
    return lax.shift_left(x, np.int32(d)) | lax.shift_right_logical(x, np.int32(32 - d))


def _threefry(x0, x1):
    ks0 = np.int32(0)
    ks1 = np.int32(SAMPLE_SEED)
    ks2 = np.int32(ks0 ^ ks1 ^ np.int32(0x1BD11BDA))
    rot1 = (13, 15, 26, 6)
    rot2 = (17, 29, 16, 24)
    x0 = x0 + ks0
    x1 = x1 + ks1
    for r in rot1:
        x0 = x0 + x1; x1 = _rotl(x1, r); x1 = x0 ^ x1
    x0 = x0 + ks1; x1 = x1 + ks2 + np.int32(1)
    for r in rot2:
        x0 = x0 + x1; x1 = _rotl(x1, r); x1 = x0 ^ x1
    x0 = x0 + ks2; x1 = x1 + ks0 + np.int32(2)
    for r in rot1:
        x0 = x0 + x1; x1 = _rotl(x1, r); x1 = x0 ^ x1
    x0 = x0 + ks0; x1 = x1 + ks1 + np.int32(3)
    for r in rot2:
        x0 = x0 + x1; x1 = _rotl(x1, r); x1 = x0 ^ x1
    x0 = x0 + ks1; x1 = x1 + ks2 + np.int32(4)
    for r in rot1:
        x0 = x0 + x1; x1 = _rotl(x1, r); x1 = x0 ^ x1
    x0 = x0 + ks2; x1 = x1 + ks0 + np.int32(5)
    return x0, x1


def _gumbel_window():
    row = lax.broadcasted_iota(jnp.int32, (B, WW), 0)
    col = lax.broadcasted_iota(jnp.int32, (B, WW), 1)
    flat = row * np.int32(V) + (col + np.int32(W0))
    o1, o2 = _threefry(jnp.zeros((B, WW), jnp.int32), flat)
    bits = o1 ^ o2
    fb = lax.shift_right_logical(bits, np.int32(9)) | np.int32(0x3F800000)
    f = lax.bitcast_convert_type(fb, jnp.float32) - jnp.float32(1.0)
    tiny = jnp.float32(np.finfo(np.float32).tiny)
    u = jnp.maximum(tiny, f * (jnp.float32(1.0) - tiny) + tiny)
    return -jnp.log(-jnp.log(u))


def _tc_kernel(zbuf_ref, cond_ref, uncond_ref, bprobs_ref, probs_ref, ntok_ref,
               band_vmem, tail_vmem):
    del zbuf_ref
    col = lax.broadcasted_iota(jnp.int32, (B, WW), 1)
    p2 = bprobs_ref[...]
    keep = p2 > 0.0
    z2 = jnp.sum(p2, axis=1, keepdims=True)
    band_vmem[...] = p2 / z2
    pltpu.sync_copy(band_vmem, probs_ref.at[:, pl.ds(W0, WW)])
    tail_vmem[...] = jnp.zeros((B, V - TAIL0), jnp.float32)
    pltpu.sync_copy(tail_vmem, probs_ref.at[:, pl.ds(TAIL0, V - TAIL0)])

    cw = cond_ref[...]
    uw = uncond_ref[...]
    cfg2 = (uw + jnp.float32(CFG_SCALE) * (cw - uw)) / jnp.float32(TEMPERATURE)
    g = _gumbel_window()
    score = jnp.where(keep, cfg2 + g, -jnp.inf)
    smax = jnp.max(score, axis=1, keepdims=True)
    win = jnp.where(score == smax, col, np.int32(2 * WW))
    idx = jnp.min(win, axis=1, keepdims=True) + np.int32(W0)
    ntok_ref[...] = jnp.broadcast_to(idx, (B, 128))


def kernel(cond_logits, uncond_logits):
    cond_w = lax.slice(cond_logits, (0, W0), (B, W0 + WW))
    uncond_w = lax.slice(uncond_logits, (0, W0), (B, W0 + WW))
    zbuf, bprobs = _sc_topp(cond_w, uncond_w)
    probs, ntok = pl.pallas_call(
        _tc_kernel,
        in_specs=[
            pl.BlockSpec(memory_space=pl.ANY),
            pl.BlockSpec((B, WW), lambda: (0, 0)),
            pl.BlockSpec((B, WW), lambda: (0, 0)),
            pl.BlockSpec((B, WW), lambda: (0, 0)),
        ],
        out_specs=[
            pl.BlockSpec(memory_space=pl.ANY),
            pl.BlockSpec((B, 128), lambda: (0, 0)),
        ],
        out_shape=[
            jax.ShapeDtypeStruct((B, V), jnp.float32),
            jax.ShapeDtypeStruct((B, 128), jnp.int32),
        ],
        scratch_shapes=[pltpu.VMEM((B, WW), jnp.float32),
                        pltpu.VMEM((B, V - TAIL0), jnp.float32)],
        input_output_aliases={0: 0},
    )(zbuf, cond_w, uncond_w, bprobs)
    return probs, ntok[:, 0]

# --- scband reference (transcript-rebuilt; emitter-appended) ---
"""Pipeline reference for scband-ace15-temodel-91104846283468 (READ-ONLY COPY).

The authoritative reference and input builder live on the scoring server;
editing this copy changes nothing except your own understanding.
"""

import jax, jax.numpy as jnp
import numpy as np

CFG_SCALE = 2.0
TEMPERATURE = 0.85
TOP_P = 0.9
AUDIO_START_ID = 151669
AUDIO_END_ID = 215669
EOS_TOKEN_ID = 151645
SEED = 1
B = 8
V = 1000000


def setup_inputs(seed: int = 0) -> dict:
    key = jax.random.key(seed)
    k1, k2 = jax.random.split(key)
    cond = jax.random.normal(k1, (B, V), dtype=jnp.float32)
    uncond = jax.random.normal(k2, (B, V), dtype=jnp.float32)
    return {"cond_logits": cond, "uncond_logits": uncond}


def _process_logits(cond, uncond):
    # classifier-free guidance combine
    cfg = uncond + CFG_SCALE * (cond - uncond)
    neg = jnp.finfo(cfg.dtype).min
    # preserve eos score (eos_token_id < audio_start_id, min_tokens < step)
    eos_score = cfg[:, EOS_TOKEN_ID]
    # mask everything outside [audio_start_id, audio_end_id)
    ar = jnp.arange(cfg.shape[-1])
    outside = (ar < AUDIO_START_ID) | (ar >= AUDIO_END_ID)
    cfg = jnp.where(outside[None, :], neg, cfg)
    # restore eos score
    cfg = cfg.at[:, EOS_TOKEN_ID].set(eos_score)
    # top_k = 0 -> disabled (matches generate_audio_codes default)
    # top_p nucleus filtering
    order = jnp.argsort(-cfg, axis=-1)
    sorted_logits = jnp.take_along_axis(cfg, order, axis=-1)
    cumulative_probs = jnp.cumsum(jax.nn.softmax(sorted_logits, axis=-1), axis=-1)
    sorted_to_remove = cumulative_probs > TOP_P
    # shift right so at least the top token is kept
    sorted_to_remove = jnp.concatenate(
        [jnp.zeros_like(sorted_to_remove[:, :1]), sorted_to_remove[:, :-1]], axis=-1
    )
    rows = jnp.arange(cfg.shape[0])[:, None]
    remove_mask = jnp.zeros(cfg.shape, dtype=bool).at[rows, order].set(sorted_to_remove)
    cfg = jnp.where(remove_mask, neg, cfg)
    # temperature
    cfg = cfg / TEMPERATURE
    probs = jax.nn.softmax(cfg, axis=-1)
    return probs, cfg


def reference(cond_logits, uncond_logits):
    probs, cfg = _process_logits(cond_logits, uncond_logits)
    # multinomial(probs, 1) == categorical over the processed logits
    next_token = jax.random.categorical(jax.random.key(SEED), cfg, axis=-1)
    return probs, next_token

if __name__ == "__main__":
    import jax
    _d = setup_inputs()
    print(jax.jit(kernel)(*tuple(_d.values())))

</pallas_src>

<mosaic_0001>
#map = affine_map<(d0, d1) -> (0, 0)>
module attributes {stable_mosaic.version = 14 : i64} {
  func.func @_sc_body(%arg0: i32, %arg1: i32, %arg2: memref<8x65536xf32, #tpu.memory_space<hbm>>, %arg3: memref<8x65536xf32, #tpu.memory_space<hbm>>, %arg4: memref<8x1000000xf32, #tpu.memory_space<hbm>>, %arg5: memref<8x65536xf32, #tpu.memory_space<hbm>>, %arg6: memref<65536xf32, #tpu.memory_space<vmem>>, %arg7: memref<32768xf32, #tpu.memory_space<vmem>>, %arg8: memref<28672xf32, #tpu.memory_space<vmem>>, %arg9: memref<2048xf32, #tpu.memory_space<vmem>>, %arg10: memref<128xf32, #tpu.memory_space<smem>>, %arg11: memref<!tpu.dma_semaphore, #tpu.memory_space<semaphore_mem>>) attributes {dimension_semantics = [#tpu.dimension_semantics<core_parallel>, #tpu.dimension_semantics<subcore_parallel>], iteration_bounds = array<i64: 2, 16>, scalar_prefetch = 0 : i64, scratch_operands = 6 : i64, tpu.core_type = #tpu.core_type<sc_vector_subcore>, window_params = [{transform_indices = #map}, {transform_indices = #map}, {transform_indices = #map}, {transform_indices = #map}]} {
    %mul3A = arith.constant 2 : i32
    %mul3A_0 = arith.muli %arg1, %mul3A : i32
    %add3A = arith.addi %mul3A_0, %arg0 : i32
    %lt3A = arith.constant 8 : i32
    %lt3A_1 = arith.cmpi slt, %add3A, %lt3A : i32
    %convert_element_type3A = arith.extui %lt3A_1 : i1 to i32
    %cond3A = arith.constant 0 : i32
    %cond3A_2 = arith.cmpi ne, %convert_element_type3A, %cond3A : i32
    scf.if %cond3A_2 {
      %iota3A = tpu.iota {dimensions = array<i32: 0>} : vector<16xi32>
      %parallel_loop3A = arith.constant 0 : i32
      %parallel_loop3A_3 = arith.constant 28672 : i32
      %parallel_loop3A_4 = arith.constant 16 : i32
      scf.for %parallel_loop3A_1205 = %parallel_loop3A to %parallel_loop3A_3 step %parallel_loop3A_4  : i32 {
        %parallel_loop3A_1206 = arith.constant 0.000000e+00 : f32
        %parallel_loop3A_1207 = vector.broadcast %parallel_loop3A_1206 : f32 to vector<16xf32>
        %parallel_loop3A_1208 = arith.index_cast %parallel_loop3A_1205 : i32 to index
        %parallel_loop3A_1209 = tpu.vector_load %arg8[%parallel_loop3A_1208] {strides = array<i32>} : memref<28672xf32, #tpu.memory_space<vmem>>, vector<16xf32>,
        tpu.vector_store %arg8[%parallel_loop3A_1208], %parallel_loop3A_1207 {strides = array<i32>} : memref<28672xf32, #tpu.memory_space<vmem>>, vector<16xf32>,
      } {sc.loop_unroll_factor = 8 : i64, sc.parallel_access}
      "tpu.region"() ({
        %run_scoped3A = tpu.sem_alloc : memref<!tpu.dma_semaphore, #tpu.memory_space<semaphore_mem>>
        %dma_start3A_1205 = arith.constant 0 : i32
        %dma_start3A_1206 = tpu.memref_slice %arg2[%add3A, %dma_start3A_1205] : memref<8x65536xf32, #tpu.memory_space<hbm>> -> memref<1x65536xf32, #tpu.memory_space<hbm>>
        %dma_start3A_1207 = tpu.memref_squeeze %dma_start3A_1206 : memref<1x65536xf32, #tpu.memory_space<hbm>> -> memref<65536xf32, #tpu.memory_space<hbm>>
        %dma_start3A_1208 = arith.constant 0 : i32
        %dma_start3A_1209 = tpu.memref_slice %arg2[%add3A, %dma_start3A_1208] : memref<8x65536xf32, #tpu.memory_space<hbm>> -> memref<1x65536xf32, #tpu.memory_space<hbm>>
        %dma_start3A_1210 = tpu.memref_squeeze %dma_start3A_1209 : memref<1x65536xf32, #tpu.memory_space<hbm>> -> memref<65536xf32, #tpu.memory_space<hbm>>
        tpu.enqueue_dma source(%dma_start3A_1210 : memref<65536xf32, #tpu.memory_space<hbm>>) target(%arg6 : memref<65536xf32, #tpu.memory_space<vmem>>) target_semaphore(%run_scoped3A : memref<!tpu.dma_semaphore, #tpu.memory_space<semaphore_mem>>)
        %dma_wait3A_1211 = arith.constant 0 : i32
        %dma_wait3A_1212 = tpu.memref_slice %arg2[%add3A, %dma_wait3A_1211] : memref<8x65536xf32, #tpu.memory_space<hbm>> -> memref<1x65536xf32, #tpu.memory_space<hbm>>
        %dma_wait3A_1213 = tpu.memref_squeeze %dma_wait3A_1212 : memref<1x65536xf32, #tpu.memory_space<hbm>> -> memref<65536xf32, #tpu.memory_space<hbm>>
        %dma_wait3A_1214 = arith.constant 0 : i32
        %dma_wait3A_1215 = tpu.memref_slice %arg2[%add3A, %dma_wait3A_1214] : memref<8x65536xf32, #tpu.memory_space<hbm>> -> memref<1x65536xf32, #tpu.memory_space<hbm>>
        %dma_wait3A_1216 = tpu.memref_squeeze %dma_wait3A_1215 : memref<1x65536xf32, #tpu.memory_space<hbm>> -> memref<65536xf32, #tpu.memory_space<hbm>>
        tpu.wait_dma2 semaphore(%run_scoped3A : memref<!tpu.dma_semaphore, #tpu.memory_space<semaphore_mem>>) src(%dma_wait3A_1216 : memref<65536xf32, #tpu.memory_space<hbm>>) dst(%arg6 : memref<65536xf32, #tpu.memory_space<vmem>>)
        tpu.yield
      }) : () -> ()
      %broadcast_in_dim3A = arith.constant -3.40282347E+38 : f32
      %broadcast_in_dim3A_5 = vector.broadcast %broadcast_in_dim3A : f32 to vector<16xf32>
      %scan3A = arith.constant 0 : i32
      %scan3A_6 = arith.constant 2 : i32
      %scan3A_7 = arith.addi %scan3A, %scan3A_6 : i32
      %scan3A_8 = arith.constant 1 : i32
      %scan3A_9 = scf.for %scan3A_1205 = %scan3A to %scan3A_7 step %scan3A_8 iter_args(%scan3A_1206 = %broadcast_in_dim3A_5) -> (vector<16xf32>)  : i32 {
        %mul3A_1207 = arith.constant 32768 : i32
        %mul3A_1208 = arith.muli %scan3A_1205, %mul3A_1207 : i32
        "tpu.region"() ({
          %run_scoped3A = tpu.sem_alloc : memref<!tpu.dma_semaphore, #tpu.memory_space<semaphore_mem>>
          %dma_start3A_1213 = tpu.memref_slice %arg3[%add3A, %mul3A_1208] : memref<8x65536xf32, #tpu.memory_space<hbm>> -> memref<1x32768xf32, #tpu.memory_space<hbm>>
          %dma_start3A_1214 = tpu.memref_squeeze %dma_start3A_1213 : memref<1x32768xf32, #tpu.memory_space<hbm>> -> memref<32768xf32, #tpu.memory_space<hbm>>
          %dma_start3A_1215 = tpu.memref_slice %arg3[%add3A, %mul3A_1208] : memref<8x65536xf32, #tpu.memory_space<hbm>> -> memref<1x32768xf32, #tpu.memory_space<hbm>>
          %dma_start3A_1216 = tpu.memref_squeeze %dma_start3A_1215 : memref<1x32768xf32, #tpu.memory_space<hbm>> -> memref<32768xf32, #tpu.memory_space<hbm>>
          tpu.enqueue_dma source(%dma_start3A_1216 : memref<32768xf32, #tpu.memory_space<hbm>>) target(%arg7 : memref<32768xf32, #tpu.memory_space<vmem>>) target_semaphore(%run_scoped3A : memref<!tpu.dma_semaphore, #tpu.memory_space<semaphore_mem>>)
          %dma_wait3A_1217 = tpu.memref_slice %arg3[%add3A, %mul3A_1208] : memref<8x65536xf32, #tpu.memory_space<hbm>> -> memref<1x32768xf32, #tpu.memory_space<hbm>>
          %dma_wait3A_1218 = tpu.memref_squeeze %dma_wait3A_1217 : memref<1x32768xf32, #tpu.memory_space<hbm>> -> memref<32768xf32, #tpu.memory_space<hbm>>
          %dma_wait3A_1219 = tpu.memref_slice %arg3[%add3A, %mul3A_1208] : memref<8x65536xf32, #tpu.memory_space<hbm>> -> memref<1x32768xf32, #tpu.memory_space<hbm>>
          %dma_wait3A_1220 = tpu.memref_squeeze %dma_wait3A_1219 : memref<1x32768xf32, #tpu.memory_space<hbm>> -> memref<32768xf32, #tpu.memory_space<hbm>>
          tpu.wait_dma2 semaphore(%run_scoped3A : memref<!tpu.dma_semaphore, #tpu.memory_space<semaphore_mem>>) src(%dma_wait3A_1220 : memref<32768xf32, #tpu.memory_space<hbm>>) dst(%arg7 : memref<32768xf32, #tpu.memory_space<vmem>>)
          tpu.yield
        }) : () -> ()
        %parallel_loop3A_1209 = arith.constant 0 : i32
        %parallel_loop3A_1210 = arith.constant 32768 : i32
        %parallel_loop3A_1211 = arith.constant 16 : i32
        %parallel_loop3A_1212 = scf.for %parallel_loop3A_1213 = %parallel_loop3A_1209 to %parallel_loop3A_1210 step %parallel_loop3A_1211 iter_args(%parallel_loop3A_1214 = %scan3A_1206) -> (vector<16xf32>)  : i32 {
          %parallel_loop3A_1215 = arith.constant 32768 : i32
          %parallel_loop3A_1216 = arith.muli %scan3A_1205, %parallel_loop3A_1215 : i32
          %parallel_loop3A_1217 = arith.addi %parallel_loop3A_1216, %parallel_loop3A_1213 : i32
          %parallel_loop3A_1218 = arith.index_cast %parallel_loop3A_1217 : i32 to index
          %parallel_loop3A_1219 = tpu.vector_load %arg6[%parallel_loop3A_1218] {strides = array<i32>} : memref<65536xf32, #tpu.memory_space<vmem>>, vector<16xf32>,
          %parallel_loop3A_1220 = arith.index_cast %parallel_loop3A_1213 : i32 to index
          %parallel_loop3A_1221 = tpu.vector_load %arg7[%parallel_loop3A_1220] {strides = array<i32>} : memref<32768xf32, #tpu.memory_space<vmem>>, vector<16xf32>,
          %parallel_loop3A_1222 = arith.subf %parallel_loop3A_1219, %parallel_loop3A_1221 : vector<16xf32>
          %parallel_loop3A_1223 = arith.constant 2.000000e+00 : f32
          %parallel_loop3A_1224 = vector.broadcast %parallel_loop3A_1223 : f32 to vector<16xf32>
          %parallel_loop3A_1225 = arith.mulf %parallel_loop3A_1224, %parallel_loop3A_1222 : vector<16xf32>
          %parallel_loop3A_1226 = arith.addf %parallel_loop3A_1221, %parallel_loop3A_1225 : vector<16xf32>
          %parallel_loop3A_1227 = arith.constant 32768 : i32
          %parallel_loop3A_1228 = arith.muli %scan3A_1205, %parallel_loop3A_1227 : i32
          %parallel_loop3A_1229 = arith.addi %parallel_loop3A_1228, %parallel_loop3A_1213 : i32
          %parallel_loop3A_1230 = vector.broadcast %parallel_loop3A_1229 : i32 to vector<16xi32>
          %parallel_loop3A_1231 = arith.addi %iota3A, %parallel_loop3A_1230 : vector<16xi32>
          %parallel_loop3A_1232 = arith.constant 93 : i32
          %parallel_loop3A_1233 = vector.broadcast %parallel_loop3A_1232 : i32 to vector<16xi32>
          %parallel_loop3A_1234 = arith.cmpi eq, %parallel_loop3A_1231, %parallel_loop3A_1233 : vector<16xi32>
          %parallel_loop3A_1235 = arith.constant 117 : i32
          %parallel_loop3A_1236 = vector.broadcast %parallel_loop3A_1235 : i32 to vector<16xi32>
          %parallel_loop3A_1237 = arith.cmpi sge, %parallel_loop3A_1231, %parallel_loop3A_1236 : vector<16xi32>
          %parallel_loop3A_1238 = arith.constant 64117 : i32
          %parallel_loop3A_1239 = vector.broadcast %parallel_loop3A_1238 : i32 to vector<16xi32>
          %parallel_loop3A_1240 = arith.cmpi slt, %parallel_loop3A_1231, %parallel_loop3A_1239 : vector<16xi32>
          %parallel_loop3A_1241 = arith.andi %parallel_loop3A_1237, %parallel_loop3A_1240 : vector<16xi1>
          %parallel_loop3A_1242 = arith.ori %parallel_loop3A_1234, %parallel_loop3A_1241 : vector<16xi1>
          %parallel_loop3A_1243 = arith.constant -3.40282347E+38 : f32
          %parallel_loop3A_1244 = vector.broadcast %parallel_loop3A_1243 : f32 to vector<16xf32>
          %parallel_loop3A_1245 = arith.select %parallel_loop3A_1242, %parallel_loop3A_1226, %parallel_loop3A_1244 : vector<16xi1>, vector<16xf32>
          %parallel_loop3A_1246 = arith.constant 32768 : i32
          %parallel_loop3A_1247 = arith.muli %scan3A_1205, %parallel_loop3A_1246 : i32
          %parallel_loop3A_1248 = arith.addi %parallel_loop3A_1247, %parallel_loop3A_1213 : i32
          %parallel_loop3A_1249 = arith.index_cast %parallel_loop3A_1248 : i32 to index
          %parallel_loop3A_1250 = tpu.vector_load %arg6[%parallel_loop3A_1249] {strides = array<i32>} : memref<65536xf32, #tpu.memory_space<vmem>>, vector<16xf32>,
          tpu.vector_store %arg6[%parallel_loop3A_1249], %parallel_loop3A_1245 {strides = array<i32>} : memref<65536xf32, #tpu.memory_space<vmem>>, vector<16xf32>,
          %parallel_loop3A_1251 = arith.maximumf %parallel_loop3A_1214, %parallel_loop3A_1245 : vector<16xf32>
          scf.yield %parallel_loop3A_1251 : vector<16xf32>
        } {sc.loop_unroll_factor = 8 : i64, sc.parallel_access}
        scf.yield %parallel_loop3A_1212 : vector<16xf32>
      }
      %scan3A_10 = arith.constant 2 : i32
      %slice3A = vector.extract_strided_slice %scan3A_9 {offsets = [0], sizes = [1], strides = [1]} : vector<16xf32> to vector<1xf32>
      %squeeze3A = vector.extract %slice3A[0] : f32 from vector<1xf32>
      %slice3A_11 = vector.extract_strided_slice %scan3A_9 {offsets = [1], sizes = [1], strides = [1]} : vector<16xf32> to vector<1xf32>
      %squeeze3A_12 = vector.extract %slice3A_11[0] : f32 from vector<1xf32>
      %max3A = arith.maximumf %squeeze3A, %squeeze3A_12 : f32
      %slice3A_13 = vector.extract_strided_slice %scan3A_9 {offsets = [2], sizes = [1], strides = [1]} : vector<16xf32> to vector<1xf32>
      %squeeze3A_14 = vector.extract %slice3A_13[0] : f32 from vector<1xf32>
      %max3A_15 = arith.maximumf %max3A, %squeeze3A_14 : f32
      %slice3A_16 = vector.extract_strided_slice %scan3A_9 {offsets = [3], sizes = [1], strides = [1]} : vector<16xf32> to vector<1xf32>
      %squeeze3A_17 = vector.extract %slice3A_16[0] : f32 from vector<1xf32>
      %max3A_18 = arith.maximumf %max3A_15, %squeeze3A_17 : f32
      %slice3A_19 = vector.extract_strided_slice %scan3A_9 {offsets = [4], sizes = [1], strides = [1]} : vector<16xf32> to vector<1xf32>
      %squeeze3A_20 = vector.extract %slice3A_19[0] : f32 from vector<1xf32>
      %max3A_21 = arith.maximumf %max3A_18, %squeeze3A_20 : f32
      %slice3A_22 = vector.extract_strided_slice %scan3A_9 {offsets = [5], sizes = [1], strides = [1]} : vector<16xf32> to vector<1xf32>
      %squeeze3A_23 = vector.extract %slice3A_22[0] : f32 from vector<1xf32>
      %max3A_24 = arith.maximumf %max3A_21, %squeeze3A_23 : f32
      %slice3A_25 = vector.extract_strided_slice %scan3A_9 {offsets = [6], sizes = [1], strides = [1]} : vector<16xf32> to vector<1xf32>
      %squeeze3A_26 = vector.extract %slice3A_25[0] : f32 from vector<1xf32>
      %max3A_27 = arith.maximumf %max3A_24, %squeeze3A_26 : f32
      %slice3A_28 = vector.extract_strided_slice %scan3A_9 {offsets = [7], sizes = [1], strides = [1]} : vector<16xf32> to vector<1xf32>
      %squeeze3A_29 = vector.extract %slice3A_28[0] : f32 from vector<1xf32>
      %max3A_30 = arith.maximumf %max3A_27, %squeeze3A_29 : f32
      %slice3A_31 = vector.extract_strided_slice %scan3A_9 {offsets = [8], sizes = [1], strides = [1]} : vector<16xf32> to vector<1xf32>
      %squeeze3A_32 = vector.extract %slice3A_31[0] : f32 from vector<1xf32>
      %max3A_33 = arith.maximumf %max3A_30, %squeeze3A_32 : f32
      %slice3A_34 = vector.extract_strided_slice %scan3A_9 {offsets = [9], sizes = [1], strides = [1]} : vector<16xf32> to vector<1xf32>
      %squeeze3A_35 = vector.extract %slice3A_34[0] : f32 from vector<1xf32>
      %max3A_36 = arith.maximumf %max3A_33, %squeeze3A_35 : f32
      %slice3A_37 = vector.extract_strided_slice %scan3A_9 {offsets = [10], sizes = [1], strides = [1]} : vector<16xf32> to vector<1xf32>
      %squeeze3A_38 = vector.extract %slice3A_37[0] : f32 from vector<1xf32>
      %max3A_39 = arith.maximumf %max3A_36, %squeeze3A_38 : f32
      %slice3A_40 = vector.extract_strided_slice %scan3A_9 {offsets = [11], sizes = [1], strides = [1]} : vector<16xf32> to vector<1xf32>
      %squeeze3A_41 = vector.extract %slice3A_40[0] : f32 from vector<1xf32>
      %max3A_42 = arith.maximumf %max3A_39, %squeeze3A_41 : f32
      %slice3A_43 = vector.extract_strided_slice %scan3A_9 {offsets = [12], sizes = [1], strides = [1]} : vector<16xf32> to vector<1xf32>
      %squeeze3A_44 = vector.extract %slice3A_43[0] : f32 from vector<1xf32>
      %max3A_45 = arith.maximumf %max3A_42, %squeeze3A_44 : f32
      %slice3A_46 = vector.extract_strided_slice %scan3A_9 {offsets = [13], sizes = [1], strides = [1]} : vector<16xf32> to vector<1xf32>
      %squeeze3A_47 = vector.extract %slice3A_46[0] : f32 from vector<1xf32>
      %max3A_48 = arith.maximumf %max3A_45, %squeeze3A_47 : f32
      %slice3A_49 = vector.extract_strided_slice %scan3A_9 {offsets = [14], sizes = [1], strides = [1]} : vector<16xf32> to vector<1xf32>
      %squeeze3A_50 = vector.extract %slice3A_49[0] : f32 from vector<1xf32>
      %max3A_51 = arith.maximumf %max3A_48, %squeeze3A_50 : f32
      %slice3A_52 = vector.extract_strided_slice %scan3A_9 {offsets = [15], sizes = [1], strides = [1]} : vector<16xf32> to vector<1xf32>
      %squeeze3A_53 = vector.extract %slice3A_52[0] : f32 from vector<1xf32>
      %max3A_54 = arith.maximumf %max3A_51, %squeeze3A_53 : f32
      %dma_start3A = arith.constant 0 : i32
      %dma_start3A_55 = tpu.memref_slice %arg8[%dma_start3A] : memref<28672xf32, #tpu.memory_space<vmem>> -> memref<28672xf32, #tpu.memory_space<vmem>>
      %dma_start3A_56 = arith.constant 0 : i32
      %dma_start3A_57 = tpu.memref_slice %arg4[%add3A, %dma_start3A_56] : memref<8x1000000xf32, #tpu.memory_space<hbm>> -> memref<1x28672xf32, #tpu.memory_space<hbm>>
      %dma_start3A_58 = tpu.memref_squeeze %dma_start3A_57 : memref<1x28672xf32, #tpu.memory_space<hbm>> -> memref<28672xf32, #tpu.memory_space<hbm>>
      %dma_start3A_59 = arith.constant 0 : i32
      %dma_start3A_60 = tpu.memref_slice %arg4[%add3A, %dma_start3A_59] : memref<8x1000000xf32, #tpu.memory_space<hbm>> -> memref<1x28672xf32, #tpu.memory_space<hbm>>
      %dma_start3A_61 = tpu.memref_squeeze %dma_start3A_60 : memref<1x28672xf32, #tpu.memory_space<hbm>> -> memref<28672xf32, #tpu.memory_space<hbm>>
      %dma_start3A_62 = arith.constant 0 : i32
      %dma_start3A_63 = tpu.memref_slice %arg8[%dma_start3A_62] : memref<28672xf32, #tpu.memory_space<vmem>> -> memref<28672xf32, #tpu.memory_space<vmem>>
      tpu.enqueue_dma source(%dma_start3A_63 : memref<28672xf32, #tpu.memory_space<vmem>>) target(%dma_start3A_61 : memref<28672xf32, #tpu.memory_space<hbm>>) target_semaphore(%arg11 : memref<!tpu.dma_semaphore, #tpu.memory_space<semaphore_mem>>)
      %dma_start3A_64 = arith.constant 0 : i32
      %dma_start3A_65 = tpu.memref_slice %arg8[%dma_start3A_64] : memref<28672xf32, #tpu.memory_space<vmem>> -> memref<28672xf32, #tpu.memory_space<vmem>>
      %dma_start3A_66 = arith.constant 28672 : i32
      %dma_start3A_67 = tpu.memref_slice %arg4[%add3A, %dma_start3A_66] : memref<8x1000000xf32, #tpu.memory_space<hbm>> -> memref<1x28672xf32, #tpu.memory_space<hbm>>
      %dma_start3A_68 = tpu.memref_squeeze %dma_start3A_67 : memref<1x28672xf32, #tpu.memory_space<hbm>> -> memref<28672xf32, #tpu.memory_space<hbm>>
      %dma_start3A_69 = arith.constant 28672 : i32
      %dma_start3A_70 = tpu.memref_slice %arg4[%add3A, %dma_start3A_69] : memref<8x1000000xf32, #tpu.memory_space<hbm>> -> memref<1x28672xf32, #tpu.memory_space<hbm>>
      %dma_start3A_71 = tpu.memref_squeeze %dma_start3A_70 : memref<1x28672xf32, #tpu.memory_space<hbm>> -> memref<28672xf32, #tpu.memory_space<hbm>>
      %dma_start3A_72 = arith.constant 0 : i32
      %dma_start3A_73 = tpu.memref_slice %arg8[%dma_start3A_72] : memref<28672xf32, #tpu.memory_space<vmem>> -> memref<28672xf32, #tpu.memory_space<vmem>>
      tpu.enqueue_dma source(%dma_start3A_73 : memref<28672xf32, #tpu.memory_space<vmem>>) target(%dma_start3A_71 : memref<28672xf32, #tpu.memory_space<hbm>>) target_semaphore(%arg11 : memref<!tpu.dma_semaphore, #tpu.memory_space<semaphore_mem>>)
      %dma_start3A_74 = arith.constant 0 : i32
      %dma_start3A_75 = tpu.memref_slice %arg8[%dma_start3A_74] : memref<28672xf32, #tpu.memory_space<vmem>> -> memref<28672xf32, #tpu.memory_space<vmem>>
      %dma_start3A_76 = arith.constant 57344 : i32
      %dma_start3A_77 = tpu.memref_slice %arg4[%add3A, %dma_start3A_76] : memref<8x1000000xf32, #tpu.memory_space<hbm>> -> memref<1x28672xf32, #tpu.memory_space<hbm>>
      %dma_start3A_78 = tpu.memref_squeeze %dma_start3A_77 : memref<1x28672xf32, #tpu.memory_space<hbm>> -> memref<28672xf32, #tpu.memory_space<hbm>>
      %dma_start3A_79 = arith.constant 57344 : i32
      %dma_start3A_80 = tpu.memref_slice %arg4[%add3A, %dma_start3A_79] : memref<8x1000000xf32, #tpu.memory_space<hbm>> -> memref<1x28672xf32, #tpu.memory_space<hbm>>
      %dma_start3A_81 = tpu.memref_squeeze %dma_start3A_80 : memref<1x28672xf32, #tpu.memory_space<hbm>> -> memref<28672xf32, #tpu.memory_space<hbm>>
      %dma_start3A_82 = arith.constant 0 : i32
      %dma_start3A_83 = tpu.memref_slice %arg8[%dma_start3A_82] : memref<28672xf32, #tpu.memory_space<vmem>> -> memref<28672xf32, #tpu.memory_space<vmem>>
      tpu.enqueue_dma source(%dma_start3A_83 : memref<28672xf32, #tpu.memory_space<vmem>>) target(%dma_start3A_81 : memref<28672xf32, #tpu.memory_space<hbm>>) target_semaphore(%arg11 : memref<!tpu.dma_semaphore, #tpu.memory_space<semaphore_mem>>)
      %dma_start3A_84 = arith.constant 0 : i32
      %dma_start3A_85 = tpu.memref_slice %arg8[%dma_start3A_84] : memref<28672xf32, #tpu.memory_space<vmem>> -> memref<28672xf32, #tpu.memory_space<vmem>>
      %dma_start3A_86 = arith.constant 86016 : i32
      %dma_start3A_87 = tpu.memref_slice %arg4[%add3A, %dma_start3A_86] : memref<8x1000000xf32, #tpu.memory_space<hbm>> -> memref<1x28672xf32, #tpu.memory_space<hbm>>
      %dma_start3A_88 = tpu.memref_squeeze %dma_start3A_87 : memref<1x28672xf32, #tpu.memory_space<hbm>> -> memref<28672xf32, #tpu.memory_space<hbm>>
      %dma_start3A_89 = arith.constant 86016 : i32
      %dma_start3A_90 = tpu.memref_slice %arg4[%add3A, %dma_start3A_89] : memref<8x1000000xf32, #tpu.memory_space<hbm>> -> memref<1x28672xf32, #tpu.memory_space<hbm>>
      %dma_start3A_91 = tpu.memref_squeeze %dma_start3A_90 : memref<1x28672xf32, #tpu.memory_space<hbm>> -> memref<28672xf32, #tpu.memory_space<hbm>>
      %dma_start3A_92 = arith.constant 0 : i32
      %dma_start3A_93 = tpu.memref_slice %arg8[%dma_start3A_92] : memref<28672xf32, #tpu.memory_space<vmem>> -> memref<28672xf32, #tpu.memory_space<vmem>>
      tpu.enqueue_dma source(%dma_start3A_93 : memref<28672xf32, #tpu.memory_space<vmem>>) target(%dma_start3A_91 : memref<28672xf32, #tpu.memory_space<hbm>>) target_semaphore(%arg11 : memref<!tpu.dma_semaphore, #tpu.memory_space<semaphore_mem>>)
      %dma_start3A_94 = arith.constant 0 : i32
      %dma_start3A_95 = tpu.memref_slice %arg8[%dma_start3A_94] : memref<28672xf32, #tpu.memory_space<vmem>> -> memref<28672xf32, #tpu.memory_space<vmem>>
      %dma_start3A_96 = arith.constant 114688 : i32
      %dma_start3A_97 = tpu.memref_slice %arg4[%add3A, %dma_start3A_96] : memref<8x1000000xf32, #tpu.memory_space<hbm>> -> memref<1x28672xf32, #tpu.memory_space<hbm>>
      %dma_start3A_98 = tpu.memref_squeeze %dma_start3A_97 : memref<1x28672xf32, #tpu.memory_space<hbm>> -> memref<28672xf32, #tpu.memory_space<hbm>>
      %dma_start3A_99 = arith.constant 114688 : i32
      %dma_start3A_100 = tpu.memref_slice %arg4[%add3A, %dma_start3A_99] : memref<8x1000000xf32, #tpu.memory_space<hbm>> -> memref<1x28672xf32, #tpu.memory_space<hbm>>
      %dma_start3A_101 = tpu.memref_squeeze %dma_start3A_100 : memref<1x28672xf32, #tpu.memory_space<hbm>> -> memref<28672xf32, #tpu.memory_space<hbm>>
      %dma_start3A_102 = arith.constant 0 : i32
      %dma_start3A_103 = tpu.memref_slice %arg8[%dma_start3A_102] : memref<28672xf32, #tpu.memory_space<vmem>> -> memref<28672xf32, #tpu.memory_space<vmem>>
      tpu.enqueue_dma source(%dma_start3A_103 : memref<28672xf32, #tpu.memory_space<vmem>>) target(%dma_start3A_101 : memref<28672xf32, #tpu.memory_space<hbm>>) target_semaphore(%arg11 : memref<!tpu.dma_semaphore, #tpu.memory_space<semaphore_mem>>)
      %dma_start3A_104 = arith.constant 0 : i32
      %dma_start3A_105 = tpu.memref_slice %arg8[%dma_start3A_104] : memref<28672xf32, #tpu.memory_space<vmem>> -> memref<8192xf32, #tpu.memory_space<vmem>>
      %dma_start3A_106 = arith.constant 143360 : i32
      %dma_start3A_107 = tpu.memref_slice %arg4[%add3A, %dma_start3A_106] : memref<8x1000000xf32, #tpu.memory_space<hbm>> -> memref<1x8192xf32, #tpu.memory_space<hbm>>
      %dma_start3A_108 = tpu.memref_squeeze %dma_start3A_107 : memref<1x8192xf32, #tpu.memory_space<hbm>> -> memref<8192xf32, #tpu.memory_space<hbm>>
      %dma_start3A_109 = arith.constant 143360 : i32
      %dma_start3A_110 = tpu.memref_slice %arg4[%add3A, %dma_start3A_109] : memref<8x1000000xf32, #tpu.memory_space<hbm>> -> memref<1x8192xf32, #tpu.memory_space<hbm>>
      %dma_start3A_111 = tpu.memref_squeeze %dma_start3A_110 : memref<1x8192xf32, #tpu.memory_space<hbm>> -> memref<8192xf32, #tpu.memory_space<hbm>>
      %dma_start3A_112 = arith.constant 0 : i32
      %dma_start3A_113 = tpu.memref_slice %arg8[%dma_start3A_112] : memref<28672xf32, #tpu.memory_space<vmem>> -> memref<8192xf32, #tpu.memory_space<vmem>>
      tpu.enqueue_dma source(%dma_start3A_113 : memref<8192xf32, #tpu.memory_space<vmem>>) target(%dma_start3A_111 : memref<8192xf32, #tpu.memory_space<hbm>>) target_semaphore(%arg11 : memref<!tpu.dma_semaphore, #tpu.memory_space<semaphore_mem>>)
      %dma_start3A_114 = arith.constant 0 : i32
      %dma_start3A_115 = tpu.memref_slice %arg8[%dma_start3A_114] : memref<28672xf32, #tpu.memory_space<vmem>> -> memref<28672xf32, #tpu.memory_space<vmem>>
      %dma_start3A_116 = arith.constant 217088 : i32
      %dma_start3A_117 = tpu.memref_slice %arg4[%add3A, %dma_start3A_116] : memref<8x1000000xf32, #tpu.memory_space<hbm>> -> memref<1x28672xf32, #tpu.memory_space<hbm>>
      %dma_start3A_118 = tpu.memref_squeeze %dma_start3A_117 : memref<1x28672xf32, #tpu.memory_space<hbm>> -> memref<28672xf32, #tpu.memory_space<hbm>>
      %dma_start3A_119 = arith.constant 217088 : i32
      %dma_start3A_120 = tpu.memref_slice %arg4[%add3A, %dma_start3A_119] : memref<8x1000000xf32, #tpu.memory_space<hbm>> -> memref<1x28672xf32, #tpu.memory_space<hbm>>
      %dma_start3A_121 = tpu.memref_squeeze %dma_start3A_120 : memref<1x28672xf32, #tpu.memory_space<hbm>> -> memref<28672xf32, #tpu.memory_space<hbm>>
      %dma_start3A_122 = arith.constant 0 : i32
      %dma_start3A_123 = tpu.memref_slice %arg8[%dma_start3A_122] : memref<28672xf32, #tpu.memory_space<vmem>> -> memref<28672xf32, #tpu.memory_space<vmem>>
      tpu.enqueue_dma source(%dma_start3A_123 : memref<28672xf32, #tpu.memory_space<vmem>>) target(%dma_start3A_121 : memref<28672xf32, #tpu.memory_space<hbm>>) target_semaphore(%arg11 : memref<!tpu.dma_semaphore, #tpu.memory_space<semaphore_mem>>)
      %dma_start3A_124 = arith.constant 0 : i32
      %dma_start3A_125 = tpu.memref_slice %arg8[%dma_start3A_124] : memref<28672xf32, #tpu.memory_space<vmem>> -> memref<28672xf32, #tpu.memory_space<vmem>>
      %dma_start3A_126 = arith.constant 245760 : i32
      %dma_start3A_127 = tpu.memref_slice %arg4[%add3A, %dma_start3A_126] : memref<8x1000000xf32, #tpu.memory_space<hbm>> -> memref<1x28672xf32, #tpu.memory_space<hbm>>
      %dma_start3A_128 = tpu.memref_squeeze %dma_start3A_127 : memref<1x28672xf32, #tpu.memory_space<hbm>> -> memref<28672xf32, #tpu.memory_space<hbm>>
      %dma_start3A_129 = arith.constant 245760 : i32
      %dma_start3A_130 = tpu.memref_slice %arg4[%add3A, %dma_start3A_129] : memref<8x1000000xf32, #tpu.memory_space<hbm>> -> memref<1x28672xf32, #tpu.memory_space<hbm>>
      %dma_start3A_131 = tpu.memref_squeeze %dma_start3A_130 : memref<1x28672xf32, #tpu.memory_space<hbm>> -> memref<28672xf32, #tpu.memory_space<hbm>>
      %dma_start3A_132 = arith.constant 0 : i32
      %dma_start3A_133 = tpu.memref_slice %arg8[%dma_start3A_132] : memref<28672xf32, #tpu.memory_space<vmem>> -> memref<28672xf32, #tpu.memory_space<vmem>>
      tpu.enqueue_dma source(%dma_start3A_133 : memref<28672xf32, #tpu.memory_space<vmem>>) target(%dma_start3A_131 : memref<28672xf32, #tpu.memory_space<hbm>>) target_semaphore(%arg11 : memref<!tpu.dma_semaphore, #tpu.memory_space<semaphore_mem>>)
      %dma_start3A_134 = arith.constant 0 : i32
      %dma_start3A_135 = tpu.memref_slice %arg8[%dma_start3A_134] : memref<28672xf32, #tpu.memory_space<vmem>> -> memref<28672xf32, #tpu.memory_space<vmem>>
      %dma_start3A_136 = arith.constant 274432 : i32
      %dma_start3A_137 = tpu.memref_slice %arg4[%add3A, %dma_start3A_136] : memref<8x1000000xf32, #tpu.memory_space<hbm>> -> memref<1x28672xf32, #tpu.memory_space<hbm>>
      %dma_start3A_138 = tpu.memref_squeeze %dma_start3A_137 : memref<1x28672xf32, #tpu.memory_space<hbm>> -> memref<28672xf32, #tpu.memory_space<hbm>>
      %dma_start3A_139 = arith.constant 274432 : i32
      %dma_start3A_140 = tpu.memref_slice %arg4[%add3A, %dma_start3A_139] : memref<8x1000000xf32, #tpu.memory_space<hbm>> -> memref<1x28672xf32, #tpu.memory_space<hbm>>
      %dma_start3A_141 = tpu.memref_squeeze %dma_start3A_140 : memref<1x28672xf32, #tpu.memory_space<hbm>> -> memref<28672xf32, #tpu.memory_space<hbm>>
      %dma_start3A_142 = arith.constant 0 : i32
      %dma_start3A_143 = tpu.memref_slice %arg8[%dma_start3A_142] : memref<28672xf32, #tpu.memory_space<vmem>> -> memref<28672xf32, #tpu.memory_space<vmem>>
      tpu.enqueue_dma source(%dma_start3A_143 : memref<28672xf32, #tpu.memory_space<vmem>>) target(%dma_start3A_141 : memref<28672xf32, #tpu.memory_space<hbm>>) target_semaphore(%arg11 : memref<!tpu.dma_semaphore, #tpu.memory_space<semaphore_mem>>)
      %dma_start3A_144 = arith.constant 0 : i32
      %dma_start3A_145 = tpu.memref_slice %arg8[%dma_start3A_144] : memref<28672xf32, #tpu.memory_space<vmem>> -> memref<28672xf32, #tpu.memory_space<vmem>>
      %dma_start3A_146 = arith.constant 303104 : i32
      %dma_start3A_147 = tpu.memref_slice %arg4[%add3A, %dma_start3A_146] : memref<8x1000000xf32, #tpu.memory_space<hbm>> -> memref<1x28672xf32, #tpu.memory_space<hbm>>
      %dma_start3A_148 = tpu.memref_squeeze %dma_start3A_147 : memref<1x28672xf32, #tpu.memory_space<hbm>> -> memref<28672xf32, #tpu.memory_space<hbm>>
      %dma_start3A_149 = arith.constant 303104 : i32
      %dma_start3A_150 = tpu.memref_slice %arg4[%add3A, %dma_start3A_149] : memref<8x1000000xf32, #tpu.memory_space<hbm>> -> memref<1x28672xf32, #tpu.memory_space<hbm>>
      %dma_start3A_151 = tpu.memref_squeeze %dma_start3A_150 : memref<1x28672xf32, #tpu.memory_space<hbm>> -> memref<28672xf32, #tpu.memory_space<hbm>>
      %dma_start3A_152 = arith.constant 0 : i32
      %dma_start3A_153 = tpu.memref_slice %arg8[%dma_start3A_152] : memref<28672xf32, #tpu.memory_space<vmem>> -> memref<28672xf32, #tpu.memory_space<vmem>>
      tpu.enqueue_dma source(%dma_start3A_153 : memref<28672xf32, #tpu.memory_space<vmem>>) target(%dma_start3A_151 : memref<28672xf32, #tpu.memory_space<hbm>>) target_semaphore(%arg11 : memref<!tpu.dma_semaphore, #tpu.memory_space<semaphore_mem>>)
      %dma_start3A_154 = arith.constant 0 : i32
      %dma_start3A_155 = tpu.memref_slice %arg8[%dma_start3A_154] : memref<28672xf32, #tpu.memory_space<vmem>> -> memref<28672xf32, #tpu.memory_space<vmem>>
      %dma_start3A_156 = arith.constant 331776 : i32
      %dma_start3A_157 = tpu.memref_slice %arg4[%add3A, %dma_start3A_156] : memref<8x1000000xf32, #tpu.memory_space<hbm>> -> memref<1x28672xf32, #tpu.memory_space<hbm>>
      %dma_start3A_158 = tpu.memref_squeeze %dma_start3A_157 : memref<1x28672xf32, #tpu.memory_space<hbm>> -> memref<28672xf32, #tpu.memory_space<hbm>>
      %dma_start3A_159 = arith.constant 331776 : i32
      %dma_start3A_160 = tpu.memref_slice %arg4[%add3A, %dma_start3A_159] : memref<8x1000000xf32, #tpu.memory_space<hbm>> -> memref<1x28672xf32, #tpu.memory_space<hbm>>
      %dma_start3A_161 = tpu.memref_squeeze %dma_start3A_160 : memref<1x28672xf32, #tpu.memory_space<hbm>> -> memref<28672xf32, #tpu.memory_space<hbm>>
      %dma_start3A_162 = arith.constant 0 : i32
      %dma_start3A_163 = tpu.memref_slice %arg8[%dma_start3A_162] : memref<28672xf32, #tpu.memory_space<vmem>> -> memref<28672xf32, #tpu.memory_space<vmem>>
      tpu.enqueue_dma source(%dma_start3A_163 : memref<28672xf32, #tpu.memory_space<vmem>>) target(%dma_start3A_161 : memref<28672xf32, #tpu.memory_space<hbm>>) target_semaphore(%arg11 : memref<!tpu.dma_semaphore, #tpu.memory_space<semaphore_mem>>)
      %dma_start3A_164 = arith.constant 0 : i32
      %dma_start3A_165 = tpu.memref_slice %arg8[%dma_start3A_164] : memref<28672xf32, #tpu.memory_space<vmem>> -> memref<28672xf32, #tpu.memory_space<vmem>>
      %dma_start3A_166 = arith.constant 360448 : i32
      %dma_start3A_167 = tpu.memref_slice %arg4[%add3A, %dma_start3A_166] : memref<8x1000000xf32, #tpu.memory_space<hbm>> -> memref<1x28672xf32, #tpu.memory_space<hbm>>
      %dma_start3A_168 = tpu.memref_squeeze %dma_start3A_167 : memref<1x28672xf32, #tpu.memory_space<hbm>> -> memref<28672xf32, #tpu.memory_space<hbm>>
      %dma_start3A_169 = arith.constant 360448 : i32
      %dma_start3A_170 = tpu.memref_slice %arg4[%add3A, %dma_start3A_169] : memref<8x1000000xf32, #tpu.memory_space<hbm>> -> memref<1x28672xf32, #tpu.memory_space<hbm>>
      %dma_start3A_171 = tpu.memref_squeeze %dma_start3A_170 : memref<1x28672xf32, #tpu.memory_space<hbm>> -> memref<28672xf32, #tpu.memory_space<hbm>>
      %dma_start3A_172 = arith.constant 0 : i32
      %dma_start3A_173 = tpu.memref_slice %arg8[%dma_start3A_172] : memref<28672xf32, #tpu.memory_space<vmem>> -> memref<28672xf32, #tpu.memory_space<vmem>>
      tpu.enqueue_dma source(%dma_start3A_173 : memref<28672xf32, #tpu.memory_space<vmem>>) target(%dma_start3A_171 : memref<28672xf32, #tpu.memory_space<hbm>>) target_semaphore(%arg11 : memref<!tpu.dma_semaphore, #tpu.memory_space<semaphore_mem>>)
      %dma_start3A_174 = arith.constant 0 : i32
      %dma_start3A_175 = tpu.memref_slice %arg8[%dma_start3A_174] : memref<28672xf32, #tpu.memory_space<vmem>> -> memref<28672xf32, #tpu.memory_space<vmem>>
      %dma_start3A_176 = arith.constant 389120 : i32
      %dma_start3A_177 = tpu.memref_slice %arg4[%add3A, %dma_start3A_176] : memref<8x1000000xf32, #tpu.memory_space<hbm>> -> memref<1x28672xf32, #tpu.memory_space<hbm>>
      %dma_start3A_178 = tpu.memref_squeeze %dma_start3A_177 : memref<1x28672xf32, #tpu.memory_space<hbm>> -> memref<28672xf32, #tpu.memory_space<hbm>>
      %dma_start3A_179 = arith.constant 389120 : i32
      %dma_start3A_180 = tpu.memref_slice %arg4[%add3A, %dma_start3A_179] : memref<8x1000000xf32, #tpu.memory_space<hbm>> -> memref<1x28672xf32, #tpu.memory_space<hbm>>
      %dma_start3A_181 = tpu.memref_squeeze %dma_start3A_180 : memref<1x28672xf32, #tpu.memory_space<hbm>> -> memref<28672xf32, #tpu.memory_space<hbm>>
      %dma_start3A_182 = arith.constant 0 : i32
      %dma_start3A_183 = tpu.memref_slice %arg8[%dma_start3A_182] : memref<28672xf32, #tpu.memory_space<vmem>> -> memref<28672xf32, #tpu.memory_space<vmem>>
      tpu.enqueue_dma source(%dma_start3A_183 : memref<28672xf32, #tpu.memory_space<vmem>>) target(%dma_start3A_181 : memref<28672xf32, #tpu.memory_space<hbm>>) target_semaphore(%arg11 : memref<!tpu.dma_semaphore, #tpu.memory_space<semaphore_mem>>)
      %dma_start3A_184 = arith.constant 0 : i32
      %dma_start3A_185 = tpu.memref_slice %arg8[%dma_start3A_184] : memref<28672xf32, #tpu.memory_space<vmem>> -> memref<28672xf32, #tpu.memory_space<vmem>>
      %dma_start3A_186 = arith.constant 417792 : i32
      %dma_start3A_187 = tpu.memref_slice %arg4[%add3A, %dma_start3A_186] : memref<8x1000000xf32, #tpu.memory_space<hbm>> -> memref<1x28672xf32, #tpu.memory_space<hbm>>
      %dma_start3A_188 = tpu.memref_squeeze %dma_start3A_187 : memref<1x28672xf32, #tpu.memory_space<hbm>> -> memref<28672xf32, #tpu.memory_space<hbm>>
      %dma_start3A_189 = arith.constant 417792 : i32
      %dma_start3A_190 = tpu.memref_slice %arg4[%add3A, %dma_start3A_189] : memref<8x1000000xf32, #tpu.memory_space<hbm>> -> memref<1x28672xf32, #tpu.memory_space<hbm>>
      %dma_start3A_191 = tpu.memref_squeeze %dma_start3A_190 : memref<1x28672xf32, #tpu.memory_space<hbm>> -> memref<28672xf32, #tpu.memory_space<hbm>>
      %dma_start3A_192 = arith.constant 0 : i32
      %dma_start3A_193 = tpu.memref_slice %arg8[%dma_start3A_192] : memref<28672xf32, #tpu.memory_space<vmem>> -> memref<28672xf32, #tpu.memory_space<vmem>>
      tpu.enqueue_dma source(%dma_start3A_193 : memref<28672xf32, #tpu.memory_space<vmem>>) target(%dma_start3A_191 : memref<28672xf32, #tpu.memory_space<hbm>>) target_semaphore(%arg11 : memref<!tpu.dma_semaphore, #tpu.memory_space<semaphore_mem>>)
      %dma_start3A_194 = arith.constant 0 : i32
      %dma_start3A_195 = tpu.memref_slice %arg8[%dma_start3A_194] : memref<28672xf32, #tpu.memory_space<vmem>> -> memref<28672xf32, #tpu.memory_space<vmem>>
      %dma_start3A_196 = arith.constant 446464 : i32
      %dma_start3A_197 = tpu.memref_slice %arg4[%add3A, %dma_start3A_196] : memref<8x1000000xf32, #tpu.memory_space<hbm>> -> memref<1x28672xf32, #tpu.memory_space<hbm>>
      %dma_start3A_198 = tpu.memref_squeeze %dma_start3A_197 : memref<1x28672xf32, #tpu.memory_space<hbm>> -> memref<28672xf32, #tpu.memory_space<hbm>>
      %dma_start3A_199 = arith.constant 446464 : i32
      %dma_start3A_200 = tpu.memref_slice %arg4[%add3A, %dma_start3A_199] : memref<8x1000000xf32, #tpu.memory_space<hbm>> -> memref<1x28672xf32, #tpu.memory_space<hbm>>
      %dma_start3A_201 = tpu.memref_squeeze %dma_start3A_200 : memref<1x28672xf32, #tpu.memory_space<hbm>> -> memref<28672xf32, #tpu.memory_space<hbm>>
      %dma_start3A_202 = arith.constant 0 : i32
      %dma_start3A_203 = tpu.memref_slice %arg8[%dma_start3A_202] : memref<28672xf32, #tpu.memory_space<vmem>> -> memref<28672xf32, #tpu.memory_space<vmem>>
      tpu.enqueue_dma source(%dma_start3A_203 : memref<28672xf32, #tpu.memory_space<vmem>>) target(%dma_start3A_201 : memref<28672xf32, #tpu.memory_space<hbm>>) target_semaphore(%arg11 : memref<!tpu.dma_semaphore, #tpu.memory_space<semaphore_mem>>)
      %dma_start3A_204 = arith.constant 0 : i32
      %dma_start3A_205 = tpu.memref_slice %arg8[%dma_start3A_204] : memref<28672xf32, #tpu.memory_space<vmem>> -> memref<28672xf32, #tpu.memory_space<vmem>>
      %dma_start3A_206 = arith.constant 475136 : i32
      %dma_start3A_207 = tpu.memref_slice %arg4[%add3A, %dma_start3A_206] : memref<8x1000000xf32, #tpu.memory_space<hbm>> -> memref<1x28672xf32, #tpu.memory_space<hbm>>
      %dma_start3A_208 = tpu.memref_squeeze %dma_start3A_207 : memref<1x28672xf32, #tpu.memory_space<hbm>> -> memref<28672xf32, #tpu.memory_space<hbm>>
      %dma_start3A_209 = arith.constant 475136 : i32
      %dma_start3A_210 = tpu.memref_slice %arg4[%add3A, %dma_start3A_209] : memref<8x1000000xf32, #tpu.memory_space<hbm>> -> memref<1x28672xf32, #tpu.memory_space<hbm>>
      %dma_start3A_211 = tpu.memref_squeeze %dma_start3A_210 : memref<1x28672xf32, #tpu.memory_space<hbm>> -> memref<28672xf32, #tpu.memory_space<hbm>>
      %dma_start3A_212 = arith.constant 0 : i32
      %dma_start3A_213 = tpu.memref_slice %arg8[%dma_start3A_212] : memref<28672xf32, #tpu.memory_space<vmem>> -> memref<28672xf32, #tpu.memory_space<vmem>>
      tpu.enqueue_dma source(%dma_start3A_213 : memref<28672xf32, #tpu.memory_space<vmem>>) target(%dma_start3A_211 : memref<28672xf32, #tpu.memory_space<hbm>>) target_semaphore(%arg11 : memref<!tpu.dma_semaphore, #tpu.memory_space<semaphore_mem>>)
      %dma_start3A_214 = arith.constant 0 : i32
      %dma_start3A_215 = tpu.memref_slice %arg8[%dma_start3A_214] : memref<28672xf32, #tpu.memory_space<vmem>> -> memref<28672xf32, #tpu.memory_space<vmem>>
      %dma_start3A_216 = arith.constant 503808 : i32
      %dma_start3A_217 = tpu.memref_slice %arg4[%add3A, %dma_start3A_216] : memref<8x1000000xf32, #tpu.memory_space<hbm>> -> memref<1x28672xf32, #tpu.memory_space<hbm>>
      %dma_start3A_218 = tpu.memref_squeeze %dma_start3A_217 : memref<1x28672xf32, #tpu.memory_space<hbm>> -> memref<28672xf32, #tpu.memory_space<hbm>>
      %dma_start3A_219 = arith.constant 503808 : i32
      %dma_start3A_220 = tpu.memref_slice %arg4[%add3A, %dma_start3A_219] : memref<8x1000000xf32, #tpu.memory_space<hbm>> -> memref<1x28672xf32, #tpu.memory_space<hbm>>
      %dma_start3A_221 = tpu.memref_squeeze %dma_start3A_220 : memref<1x28672xf32, #tpu.memory_space<hbm>> -> memref<28672xf32, #tpu.memory_space<hbm>>
      %dma_start3A_222 = arith.constant 0 : i32
      %dma_start3A_223 = tpu.memref_slice %arg8[%dma_start3A_222] : memref<28672xf32, #tpu.memory_space<vmem>> -> memref<28672xf32, #tpu.memory_space<vmem>>
      tpu.enqueue_dma source(%dma_start3A_223 : memref<28672xf32, #tpu.memory_space<vmem>>) target(%dma_start3A_221 : memref<28672xf32, #tpu.memory_space<hbm>>) target_semaphore(%arg11 : memref<!tpu.dma_semaphore, #tpu.memory_space<semaphore_mem>>)
      %dma_start3A_224 = arith.constant 0 : i32
      %dma_start3A_225 = tpu.memref_slice %arg8[%dma_start3A_224] : memref<28672xf32, #tpu.memory_space<vmem>> -> memref<28672xf32, #tpu.memory_space<vmem>>
      %dma_start3A_226 = arith.constant 532480 : i32
      %dma_start3A_227 = tpu.memref_slice %arg4[%add3A, %dma_start3A_226] : memref<8x1000000xf32, #tpu.memory_space<hbm>> -> memref<1x28672xf32, #tpu.memory_space<hbm>>
      %dma_start3A_228 = tpu.memref_squeeze %dma_start3A_227 : memref<1x28672xf32, #tpu.memory_space<hbm>> -> memref<28672xf32, #tpu.memory_space<hbm>>
      %dma_start3A_229 = arith.constant 532480 : i32
      %dma_start3A_230 = tpu.memref_slice %arg4[%add3A, %dma_start3A_229] : memref<8x1000000xf32, #tpu.memory_space<hbm>> -> memref<1x28672xf32, #tpu.memory_space<hbm>>
      %dma_start3A_231 = tpu.memref_squeeze %dma_start3A_230 : memref<1x28672xf32, #tpu.memory_space<hbm>> -> memref<28672xf32, #tpu.memory_space<hbm>>
      %dma_start3A_232 = arith.constant 0 : i32
      %dma_start3A_233 = tpu.memref_slice %arg8[%dma_start3A_232] : memref<28672xf32, #tpu.memory_space<vmem>> -> memref<28672xf32, #tpu.memory_space<vmem>>
      tpu.enqueue_dma source(%dma_start3A_233 : memref<28672xf32, #tpu.memory_space<vmem>>) target(%dma_start3A_231 : memref<28672xf32, #tpu.memory_space<hbm>>) target_semaphore(%arg11 : memref<!tpu.dma_semaphore, #tpu.memory_space<semaphore_mem>>)
      %dma_start3A_234 = arith.constant 0 : i32
      %dma_start3A_235 = tpu.memref_slice %arg8[%dma_start3A_234] : memref<28672xf32, #tpu.memory_space<vmem>> -> memref<28672xf32, #tpu.memory_space<vmem>>
      %dma_start3A_236 = arith.constant 561152 : i32
      %dma_start3A_237 = tpu.memref_slice %arg4[%add3A, %dma_start3A_236] : memref<8x1000000xf32, #tpu.memory_space<hbm>> -> memref<1x28672xf32, #tpu.memory_space<hbm>>
      %dma_start3A_238 = tpu.memref_squeeze %dma_start3A_237 : memref<1x28672xf32, #tpu.memory_space<hbm>> -> memref<28672xf32, #tpu.memory_space<hbm>>
      %dma_start3A_239 = arith.constant 561152 : i32
      %dma_start3A_240 = tpu.memref_slice %arg4[%add3A, %dma_start3A_239] : memref<8x1000000xf32, #tpu.memory_space<hbm>> -> memref<1x28672xf32, #tpu.memory_space<hbm>>
      %dma_start3A_241 = tpu.memref_squeeze %dma_start3A_240 : memref<1x28672xf32, #tpu.memory_space<hbm>> -> memref<28672xf32, #tpu.memory_space<hbm>>
      %dma_start3A_242 = arith.constant 0 : i32
      %dma_start3A_243 = tpu.memref_slice %arg8[%dma_start3A_242] : memref<28672xf32, #tpu.memory_space<vmem>> -> memref<28672xf32, #tpu.memory_space<vmem>>
      tpu.enqueue_dma source(%dma_start3A_243 : memref<28672xf32, #tpu.memory_space<vmem>>) target(%dma_start3A_241 : memref<28672xf32, #tpu.memory_space<hbm>>) target_semaphore(%arg11 : memref<!tpu.dma_semaphore, #tpu.memory_space<semaphore_mem>>)
      %dma_start3A_244 = arith.constant 0 : i32
      %dma_start3A_245 = tpu.memref_slice %arg8[%dma_start3A_244] : memref<28672xf32, #tpu.memory_space<vmem>> -> memref<28672xf32, #tpu.memory_space<vmem>>
      %dma_start3A_246 = arith.constant 589824 : i32
      %dma_start3A_247 = tpu.memref_slice %arg4[%add3A, %dma_start3A_246] : memref<8x1000000xf32, #tpu.memory_space<hbm>> -> memref<1x28672xf32, #tpu.memory_space<hbm>>
      %dma_start3A_248 = tpu.memref_squeeze %dma_start3A_247 : memref<1x28672xf32, #tpu.memory_space<hbm>> -> memref<28672xf32, #tpu.memory_space<hbm>>
      %dma_start3A_249 = arith.constant 589824 : i32
      %dma_start3A_250 = tpu.memref_slice %arg4[%add3A, %dma_start3A_249] : memref<8x1000000xf32, #tpu.memory_space<hbm>> -> memref<1x28672xf32, #tpu.memory_space<hbm>>
      %dma_start3A_251 = tpu.memref_squeeze %dma_start3A_250 : memref<1x28672xf32, #tpu.memory_space<hbm>> -> memref<28672xf32, #tpu.memory_space<hbm>>
      %dma_start3A_252 = arith.constant 0 : i32
      %dma_start3A_253 = tpu.memref_slice %arg8[%dma_start3A_252] : memref<28672xf32, #tpu.memory_space<vmem>> -> memref<28672xf32, #tpu.memory_space<vmem>>
      tpu.enqueue_dma source(%dma_start3A_253 : memref<28672xf32, #tpu.memory_space<vmem>>) target(%dma_start3A_251 : memref<28672xf32, #tpu.memory_space<hbm>>) target_semaphore(%arg11 : memref<!tpu.dma_semaphore, #tpu.memory_space<semaphore_mem>>)
      %dma_start3A_254 = arith.constant 0 : i32
      %dma_start3A_255 = tpu.memref_slice %arg8[%dma_start3A_254] : memref<28672xf32, #tpu.memory_space<vmem>> -> memref<28672xf32, #tpu.memory_space<vmem>>
      %dma_start3A_256 = arith.constant 618496 : i32
      %dma_start3A_257 = tpu.memref_slice %arg4[%add3A, %dma_start3A_256] : memref<8x1000000xf32, #tpu.memory_space<hbm>> -> memref<1x28672xf32, #tpu.memory_space<hbm>>
      %dma_start3A_258 = tpu.memref_squeeze %dma_start3A_257 : memref<1x28672xf32, #tpu.memory_space<hbm>> -> memref<28672xf32, #tpu.memory_space<hbm>>
      %dma_start3A_259 = arith.constant 618496 : i32
      %dma_start3A_260 = tpu.memref_slice %arg4[%add3A, %dma_start3A_259] : memref<8x1000000xf32, #tpu.memory_space<hbm>> -> memref<1x28672xf32, #tpu.memory_space<hbm>>
      %dma_start3A_261 = tpu.memref_squeeze %dma_start3A_260 : memref<1x28672xf32, #tpu.memory_space<hbm>> -> memref<28672xf32, #tpu.memory_space<hbm>>
      %dma_start3A_262 = arith.constant 0 : i32
      %dma_start3A_263 = tpu.memref_slice %arg8[%dma_start3A_262] : memref<28672xf32, #tpu.memory_space<vmem>> -> memref<28672xf32, #tpu.memory_space<vmem>>
      tpu.enqueue_dma source(%dma_start3A_263 : memref<28672xf32, #tpu.memory_space<vmem>>) target(%dma_start3A_261 : memref<28672xf32, #tpu.memory_space<hbm>>) target_semaphore(%arg11 : memref<!tpu.dma_semaphore, #tpu.memory_space<semaphore_mem>>)
      %dma_start3A_264 = arith.constant 0 : i32
      %dma_start3A_265 = tpu.memref_slice %arg8[%dma_start3A_264] : memref<28672xf32, #tpu.memory_space<vmem>> -> memref<28672xf32, #tpu.memory_space<vmem>>
      %dma_start3A_266 = arith.constant 647168 : i32
      %dma_start3A_267 = tpu.memref_slice %arg4[%add3A, %dma_start3A_266] : memref<8x1000000xf32, #tpu.memory_space<hbm>> -> memref<1x28672xf32, #tpu.memory_space<hbm>>
      %dma_start3A_268 = tpu.memref_squeeze %dma_start3A_267 : memref<1x28672xf32, #tpu.memory_space<hbm>> -> memref<28672xf32, #tpu.memory_space<hbm>>
      %dma_start3A_269 = arith.constant 647168 : i32
      %dma_start3A_270 = tpu.memref_slice %arg4[%add3A, %dma_start3A_269] : memref<8x1000000xf32, #tpu.memory_space<hbm>> -> memref<1x28672xf32, #tpu.memory_space<hbm>>
      %dma_start3A_271 = tpu.memref_squeeze %dma_start3A_270 : memref<1x28672xf32, #tpu.memory_space<hbm>> -> memref<28672xf32, #tpu.memory_space<hbm>>
      %dma_start3A_272 = arith.constant 0 : i32
      %dma_start3A_273 = tpu.memref_slice %arg8[%dma_start3A_272] : memref<28672xf32, #tpu.memory_space<vmem>> -> memref<28672xf32, #tpu.memory_space<vmem>>
      tpu.enqueue_dma source(%dma_start3A_273 : memref<28672xf32, #tpu.memory_space<vmem>>) target(%dma_start3A_271 : memref<28672xf32, #tpu.memory_space<hbm>>) target_semaphore(%arg11 : memref<!tpu.dma_semaphore, #tpu.memory_space<semaphore_mem>>)
      %dma_start3A_274 = arith.constant 0 : i32
      %dma_start3A_275 = tpu.memref_slice %arg8[%dma_start3A_274] : memref<28672xf32, #tpu.memory_space<vmem>> -> memref<28672xf32, #tpu.memory_space<vmem>>
      %dma_start3A_276 = arith.constant 675840 : i32
      %dma_start3A_277 = tpu.memref_slice %arg4[%add3A, %dma_start3A_276] : memref<8x1000000xf32, #tpu.memory_space<hbm>> -> memref<1x28672xf32, #tpu.memory_space<hbm>>
      %dma_start3A_278 = tpu.memref_squeeze %dma_start3A_277 : memref<1x28672xf32, #tpu.memory_space<hbm>> -> memref<28672xf32, #tpu.memory_space<hbm>>
      %dma_start3A_279 = arith.constant 675840 : i32
      %dma_start3A_280 = tpu.memref_slice %arg4[%add3A, %dma_start3A_279] : memref<8x1000000xf32, #tpu.memory_space<hbm>> -> memref<1x28672xf32, #tpu.memory_space<hbm>>
      %dma_start3A_281 = tpu.memref_squeeze %dma_start3A_280 : memref<1x28672xf32, #tpu.memory_space<hbm>> -> memref<28672xf32, #tpu.memory_space<hbm>>
      %dma_start3A_282 = arith.constant 0 : i32
      %dma_start3A_283 = tpu.memref_slice %arg8[%dma_start3A_282] : memref<28672xf32, #tpu.memory_space<vmem>> -> memref<28672xf32, #tpu.memory_space<vmem>>
      tpu.enqueue_dma source(%dma_start3A_283 : memref<28672xf32, #tpu.memory_space<vmem>>) target(%dma_start3A_281 : memref<28672xf32, #tpu.memory_space<hbm>>) target_semaphore(%arg11 : memref<!tpu.dma_semaphore, #tpu.memory_space<semaphore_mem>>)
      %dma_start3A_284 = arith.constant 0 : i32
      %dma_start3A_285 = tpu.memref_slice %arg8[%dma_start3A_284] : memref<28672xf32, #tpu.memory_space<vmem>> -> memref<28672xf32, #tpu.memory_space<vmem>>
      %dma_start3A_286 = arith.constant 704512 : i32
      %dma_start3A_287 = tpu.memref_slice %arg4[%add3A, %dma_start3A_286] : memref<8x1000000xf32, #tpu.memory_space<hbm>> -> memref<1x28672xf32, #tpu.memory_space<hbm>>
      %dma_start3A_288 = tpu.memref_squeeze %dma_start3A_287 : memref<1x28672xf32, #tpu.memory_space<hbm>> -> memref<28672xf32, #tpu.memory_space<hbm>>
      %dma_start3A_289 = arith.constant 704512 : i32
      %dma_start3A_290 = tpu.memref_slice %arg4[%add3A, %dma_start3A_289] : memref<8x1000000xf32, #tpu.memory_space<hbm>> -> memref<1x28672xf32, #tpu.memory_space<hbm>>
      %dma_start3A_291 = tpu.memref_squeeze %dma_start3A_290 : memref<1x28672xf32, #tpu.memory_space<hbm>> -> memref<28672xf32, #tpu.memory_space<hbm>>
      %dma_start3A_292 = arith.constant 0 : i32
      %dma_start3A_293 = tpu.memref_slice %arg8[%dma_start3A_292] : memref<28672xf32, #tpu.memory_space<vmem>> -> memref<28672xf32, #tpu.memory_space<vmem>>
      tpu.enqueue_dma source(%dma_start3A_293 : memref<28672xf32, #tpu.memory_space<vmem>>) target(%dma_start3A_291 : memref<28672xf32, #tpu.memory_space<hbm>>) target_semaphore(%arg11 : memref<!tpu.dma_semaphore, #tpu.memory_space<semaphore_mem>>)
      %dma_start3A_294 = arith.constant 0 : i32
      %dma_start3A_295 = tpu.memref_slice %arg8[%dma_start3A_294] : memref<28672xf32, #tpu.memory_space<vmem>> -> memref<28672xf32, #tpu.memory_space<vmem>>
      %dma_start3A_296 = arith.constant 733184 : i32
      %dma_start3A_297 = tpu.memref_slice %arg4[%add3A, %dma_start3A_296] : memref<8x1000000xf32, #tpu.memory_space<hbm>> -> memref<1x28672xf32, #tpu.memory_space<hbm>>
      %dma_start3A_298 = tpu.memref_squeeze %dma_start3A_297 : memref<1x28672xf32, #tpu.memory_space<hbm>> -> memref<28672xf32, #tpu.memory_space<hbm>>
      %dma_start3A_299 = arith.constant 733184 : i32
      %dma_start3A_300 = tpu.memref_slice %arg4[%add3A, %dma_start3A_299] : memref<8x1000000xf32, #tpu.memory_space<hbm>> -> memref<1x28672xf32, #tpu.memory_space<hbm>>
      %dma_start3A_301 = tpu.memref_squeeze %dma_start3A_300 : memref<1x28672xf32, #tpu.memory_space<hbm>> -> memref<28672xf32, #tpu.memory_space<hbm>>
      %dma_start3A_302 = arith.constant 0 : i32
      %dma_start3A_303 = tpu.memref_slice %arg8[%dma_start3A_302] : memref<28672xf32, #tpu.memory_space<vmem>> -> memref<28672xf32, #tpu.memory_space<vmem>>
      tpu.enqueue_dma source(%dma_start3A_303 : memref<28672xf32, #tpu.memory_space<vmem>>) target(%dma_start3A_301 : memref<28672xf32, #tpu.memory_space<hbm>>) target_semaphore(%arg11 : memref<!tpu.dma_semaphore, #tpu.memory_space<semaphore_mem>>)
      %dma_start3A_304 = arith.constant 0 : i32
      %dma_start3A_305 = tpu.memref_slice %arg8[%dma_start3A_304] : memref<28672xf32, #tpu.memory_space<vmem>> -> memref<28672xf32, #tpu.memory_space<vmem>>
      %dma_start3A_306 = arith.constant 761856 : i32
      %dma_start3A_307 = tpu.memref_slice %arg4[%add3A, %dma_start3A_306] : memref<8x1000000xf32, #tpu.memory_space<hbm>> -> memref<1x28672xf32, #tpu.memory_space<hbm>>
      %dma_start3A_308 = tpu.memref_squeeze %dma_start3A_307 : memref<1x28672xf32, #tpu.memory_space<hbm>> -> memref<28672xf32, #tpu.memory_space<hbm>>
      %dma_start3A_309 = arith.constant 761856 : i32
      %dma_start3A_310 = tpu.memref_slice %arg4[%add3A, %dma_start3A_309] : memref<8x1000000xf32, #tpu.memory_space<hbm>> -> memref<1x28672xf32, #tpu.memory_space<hbm>>
      %dma_start3A_311 = tpu.memref_squeeze %dma_start3A_310 : memref<1x28672xf32, #tpu.memory_space<hbm>> -> memref<28672xf32, #tpu.memory_space<hbm>>
      %dma_start3A_312 = arith.constant 0 : i32
      %dma_start3A_313 = tpu.memref_slice %arg8[%dma_start3A_312] : memref<28672xf32, #tpu.memory_space<vmem>> -> memref<28672xf32, #tpu.memory_space<vmem>>
      tpu.enqueue_dma source(%dma_start3A_313 : memref<28672xf32, #tpu.memory_space<vmem>>) target(%dma_start3A_311 : memref<28672xf32, #tpu.memory_space<hbm>>) target_semaphore(%arg11 : memref<!tpu.dma_semaphore, #tpu.memory_space<semaphore_mem>>)
      %dma_start3A_314 = arith.constant 0 : i32
      %dma_start3A_315 = tpu.memref_slice %arg8[%dma_start3A_314] : memref<28672xf32, #tpu.memory_space<vmem>> -> memref<28672xf32, #tpu.memory_space<vmem>>
      %dma_start3A_316 = arith.constant 790528 : i32
      %dma_start3A_317 = tpu.memref_slice %arg4[%add3A, %dma_start3A_316] : memref<8x1000000xf32, #tpu.memory_space<hbm>> -> memref<1x28672xf32, #tpu.memory_space<hbm>>
      %dma_start3A_318 = tpu.memref_squeeze %dma_start3A_317 : memref<1x28672xf32, #tpu.memory_space<hbm>> -> memref<28672xf32, #tpu.memory_space<hbm>>
      %dma_start3A_319 = arith.constant 790528 : i32
      %dma_start3A_320 = tpu.memref_slice %arg4[%add3A, %dma_start3A_319] : memref<8x1000000xf32, #tpu.memory_space<hbm>> -> memref<1x28672xf32, #tpu.memory_space<hbm>>
      %dma_start3A_321 = tpu.memref_squeeze %dma_start3A_320 : memref<1x28672xf32, #tpu.memory_space<hbm>> -> memref<28672xf32, #tpu.memory_space<hbm>>
      %dma_start3A_322 = arith.constant 0 : i32
      %dma_start3A_323 = tpu.memref_slice %arg8[%dma_start3A_322] : memref<28672xf32, #tpu.memory_space<vmem>> -> memref<28672xf32, #tpu.memory_space<vmem>>
      tpu.enqueue_dma source(%dma_start3A_323 : memref<28672xf32, #tpu.memory_space<vmem>>) target(%dma_start3A_321 : memref<28672xf32, #tpu.memory_space<hbm>>) target_semaphore(%arg11 : memref<!tpu.dma_semaphore, #tpu.memory_space<semaphore_mem>>)
      %dma_start3A_324 = arith.constant 0 : i32
      %dma_start3A_325 = tpu.memref_slice %arg8[%dma_start3A_324] : memref<28672xf32, #tpu.memory_space<vmem>> -> memref<28672xf32, #tpu.memory_space<vmem>>
      %dma_start3A_326 = arith.constant 819200 : i32
      %dma_start3A_327 = tpu.memref_slice %arg4[%add3A, %dma_start3A_326] : memref<8x1000000xf32, #tpu.memory_space<hbm>> -> memref<1x28672xf32, #tpu.memory_space<hbm>>
      %dma_start3A_328 = tpu.memref_squeeze %dma_start3A_327 : memref<1x28672xf32, #tpu.memory_space<hbm>> -> memref<28672xf32, #tpu.memory_space<hbm>>
      %dma_start3A_329 = arith.constant 819200 : i32
      %dma_start3A_330 = tpu.memref_slice %arg4[%add3A, %dma_start3A_329] : memref<8x1000000xf32, #tpu.memory_space<hbm>> -> memref<1x28672xf32, #tpu.memory_space<hbm>>
      %dma_start3A_331 = tpu.memref_squeeze %dma_start3A_330 : memref<1x28672xf32, #tpu.memory_space<hbm>> -> memref<28672xf32, #tpu.memory_space<hbm>>
      %dma_start3A_332 = arith.constant 0 : i32
      %dma_start3A_333 = tpu.memref_slice %arg8[%dma_start3A_332] : memref<28672xf32, #tpu.memory_space<vmem>> -> memref<28672xf32, #tpu.memory_space<vmem>>
      tpu.enqueue_dma source(%dma_start3A_333 : memref<28672xf32, #tpu.memory_space<vmem>>) target(%dma_start3A_331 : memref<28672xf32, #tpu.memory_space<hbm>>) target_semaphore(%arg11 : memref<!tpu.dma_semaphore, #tpu.memory_space<semaphore_mem>>)
      %dma_start3A_334 = arith.constant 0 : i32
      %dma_start3A_335 = tpu.memref_slice %arg8[%dma_start3A_334] : memref<28672xf32, #tpu.memory_space<vmem>> -> memref<28672xf32, #tpu.memory_space<vmem>>
      %dma_start3A_336 = arith.constant 847872 : i32
      %dma_start3A_337 = tpu.memref_slice %arg4[%add3A, %dma_start3A_336] : memref<8x1000000xf32, #tpu.memory_space<hbm>> -> memref<1x28672xf32, #tpu.memory_space<hbm>>
      %dma_start3A_338 = tpu.memref_squeeze %dma_start3A_337 : memref<1x28672xf32, #tpu.memory_space<hbm>> -> memref<28672xf32, #tpu.memory_space<hbm>>
      %dma_start3A_339 = arith.constant 847872 : i32
      %dma_start3A_340 = tpu.memref_slice %arg4[%add3A, %dma_start3A_339] : memref<8x1000000xf32, #tpu.memory_space<hbm>> -> memref<1x28672xf32, #tpu.memory_space<hbm>>
      %dma_start3A_341 = tpu.memref_squeeze %dma_start3A_340 : memref<1x28672xf32, #tpu.memory_space<hbm>> -> memref<28672xf32, #tpu.memory_space<hbm>>
      %dma_start3A_342 = arith.constant 0 : i32
      %dma_start3A_343 = tpu.memref_slice %arg8[%dma_start3A_342] : memref<28672xf32, #tpu.memory_space<vmem>> -> memref<28672xf32, #tpu.memory_space<vmem>>
      tpu.enqueue_dma source(%dma_start3A_343 : memref<28672xf32, #tpu.memory_space<vmem>>) target(%dma_start3A_341 : memref<28672xf32, #tpu.memory_space<hbm>>) target_semaphore(%arg11 : memref<!tpu.dma_semaphore, #tpu.memory_space<semaphore_mem>>)
      %dma_start3A_344 = arith.constant 0 : i32
      %dma_start3A_345 = tpu.memref_slice %arg8[%dma_start3A_344] : memref<28672xf32, #tpu.memory_space<vmem>> -> memref<28672xf32, #tpu.memory_space<vmem>>
      %dma_start3A_346 = arith.constant 876544 : i32
      %dma_start3A_347 = tpu.memref_slice %arg4[%add3A, %dma_start3A_346] : memref<8x1000000xf32, #tpu.memory_space<hbm>> -> memref<1x28672xf32, #tpu.memory_space<hbm>>
      %dma_start3A_348 = tpu.memref_squeeze %dma_start3A_347 : memref<1x28672xf32, #tpu.memory_space<hbm>> -> memref<28672xf32, #tpu.memory_space<hbm>>
      %dma_start3A_349 = arith.constant 876544 : i32
      %dma_start3A_350 = tpu.memref_slice %arg4[%add3A, %dma_start3A_349] : memref<8x1000000xf32, #tpu.memory_space<hbm>> -> memref<1x28672xf32, #tpu.memory_space<hbm>>
      %dma_start3A_351 = tpu.memref_squeeze %dma_start3A_350 : memref<1x28672xf32, #tpu.memory_space<hbm>> -> memref<28672xf32, #tpu.memory_space<hbm>>
      %dma_start3A_352 = arith.constant 0 : i32
      %dma_start3A_353 = tpu.memref_slice %arg8[%dma_start3A_352] : memref<28672xf32, #tpu.memory_space<vmem>> -> memref<28672xf32, #tpu.memory_space<vmem>>
      tpu.enqueue_dma source(%dma_start3A_353 : memref<28672xf32, #tpu.memory_space<vmem>>) target(%dma_start3A_351 : memref<28672xf32, #tpu.memory_space<hbm>>) target_semaphore(%arg11 : memref<!tpu.dma_semaphore, #tpu.memory_space<semaphore_mem>>)
      %dma_start3A_354 = arith.constant 0 : i32
      %dma_start3A_355 = tpu.memref_slice %arg8[%dma_start3A_354] : memref<28672xf32, #tpu.memory_space<vmem>> -> memref<28672xf32, #tpu.memory_space<vmem>>
      %dma_start3A_356 = arith.constant 905216 : i32
      %dma_start3A_357 = tpu.memref_slice %arg4[%add3A, %dma_start3A_356] : memref<8x1000000xf32, #tpu.memory_space<hbm>> -> memref<1x28672xf32, #tpu.memory_space<hbm>>
      %dma_start3A_358 = tpu.memref_squeeze %dma_start3A_357 : memref<1x28672xf32, #tpu.memory_space<hbm>> -> memref<28672xf32, #tpu.memory_space<hbm>>
      %dma_start3A_359 = arith.constant 905216 : i32
      %dma_start3A_360 = tpu.memref_slice %arg4[%add3A, %dma_start3A_359] : memref<8x1000000xf32, #tpu.memory_space<hbm>> -> memref<1x28672xf32, #tpu.memory_space<hbm>>
      %dma_start3A_361 = tpu.memref_squeeze %dma_start3A_360 : memref<1x28672xf32, #tpu.memory_space<hbm>> -> memref<28672xf32, #tpu.memory_space<hbm>>
      %dma_start3A_362 = arith.constant 0 : i32
      %dma_start3A_363 = tpu.memref_slice %arg8[%dma_start3A_362] : memref<28672xf32, #tpu.memory_space<vmem>> -> memref<28672xf32, #tpu.memory_space<vmem>>
      tpu.enqueue_dma source(%dma_start3A_363 : memref<28672xf32, #tpu.memory_space<vmem>>) target(%dma_start3A_361 : memref<28672xf32, #tpu.memory_space<hbm>>) target_semaphore(%arg11 : memref<!tpu.dma_semaphore, #tpu.memory_space<semaphore_mem>>)
      %dma_start3A_364 = arith.constant 0 : i32
      %dma_start3A_365 = tpu.memref_slice %arg8[%dma_start3A_364] : memref<28672xf32, #tpu.memory_space<vmem>> -> memref<28672xf32, #tpu.memory_space<vmem>>
      %dma_start3A_366 = arith.constant 933888 : i32
      %dma_start3A_367 = tpu.memref_slice %arg4[%add3A, %dma_start3A_366] : memref<8x1000000xf32, #tpu.memory_space<hbm>> -> memref<1x28672xf32, #tpu.memory_space<hbm>>
      %dma_start3A_368 = tpu.memref_squeeze %dma_start3A_367 : memref<1x28672xf32, #tpu.memory_space<hbm>> -> memref<28672xf32, #tpu.memory_space<hbm>>
      %dma_start3A_369 = arith.constant 933888 : i32
      %dma_start3A_370 = tpu.memref_slice %arg4[%add3A, %dma_start3A_369] : memref<8x1000000xf32, #tpu.memory_space<hbm>> -> memref<1x28672xf32, #tpu.memory_space<hbm>>
      %dma_start3A_371 = tpu.memref_squeeze %dma_start3A_370 : memref<1x28672xf32, #tpu.memory_space<hbm>> -> memref<28672xf32, #tpu.memory_space<hbm>>
      %dma_start3A_372 = arith.constant 0 : i32
      %dma_start3A_373 = tpu.memref_slice %arg8[%dma_start3A_372] : memref<28672xf32, #tpu.memory_space<vmem>> -> memref<28672xf32, #tpu.memory_space<vmem>>
      tpu.enqueue_dma source(%dma_start3A_373 : memref<28672xf32, #tpu.memory_space<vmem>>) target(%dma_start3A_371 : memref<28672xf32, #tpu.memory_space<hbm>>) target_semaphore(%arg11 : memref<!tpu.dma_semaphore, #tpu.memory_space<semaphore_mem>>)
      %dma_start3A_374 = arith.constant 0 : i32
      %dma_start3A_375 = tpu.memref_slice %arg8[%dma_start3A_374] : memref<28672xf32, #tpu.memory_space<vmem>> -> memref<28672xf32, #tpu.memory_space<vmem>>
      %dma_start3A_376 = arith.constant 962560 : i32
      %dma_start3A_377 = tpu.memref_slice %arg4[%add3A, %dma_start3A_376] : memref<8x1000000xf32, #tpu.memory_space<hbm>> -> memref<1x28672xf32, #tpu.memory_space<hbm>>
      %dma_start3A_378 = tpu.memref_squeeze %dma_start3A_377 : memref<1x28672xf32, #tpu.memory_space<hbm>> -> memref<28672xf32, #tpu.memory_space<hbm>>
      %dma_start3A_379 = arith.constant 962560 : i32
      %dma_start3A_380 = tpu.memref_slice %arg4[%add3A, %dma_start3A_379] : memref<8x1000000xf32, #tpu.memory_space<hbm>> -> memref<1x28672xf32, #tpu.memory_space<hbm>>
      %dma_start3A_381 = tpu.memref_squeeze %dma_start3A_380 : memref<1x28672xf32, #tpu.memory_space<hbm>> -> memref<28672xf32, #tpu.memory_space<hbm>>
      %dma_start3A_382 = arith.constant 0 : i32
      %dma_start3A_383 = tpu.memref_slice %arg8[%dma_start3A_382] : memref<28672xf32, #tpu.memory_space<vmem>> -> memref<28672xf32, #tpu.memory_space<vmem>>
      tpu.enqueue_dma source(%dma_start3A_383 : memref<28672xf32, #tpu.memory_space<vmem>>) target(%dma_start3A_381 : memref<28672xf32, #tpu.memory_space<hbm>>) target_semaphore(%arg11 : memref<!tpu.dma_semaphore, #tpu.memory_space<semaphore_mem>>)
      %dma_start3A_384 = arith.constant 0 : i32
      %dma_start3A_385 = tpu.memref_slice %arg8[%dma_start3A_384] : memref<28672xf32, #tpu.memory_space<vmem>> -> memref<8704xf32, #tpu.memory_space<vmem>>
      %dma_start3A_386 = arith.constant 991232 : i32
      %dma_start3A_387 = tpu.memref_slice %arg4[%add3A, %dma_start3A_386] : memref<8x1000000xf32, #tpu.memory_space<hbm>> -> memref<1x8704xf32, #tpu.memory_space<hbm>>
      %dma_start3A_388 = tpu.memref_squeeze %dma_start3A_387 : memref<1x8704xf32, #tpu.memory_space<hbm>> -> memref<8704xf32, #tpu.memory_space<hbm>>
      %dma_start3A_389 = arith.constant 991232 : i32
      %dma_start3A_390 = tpu.memref_slice %arg4[%add3A, %dma_start3A_389] : memref<8x1000000xf32, #tpu.memory_space<hbm>> -> memref<1x8704xf32, #tpu.memory_space<hbm>>
      %dma_start3A_391 = tpu.memref_squeeze %dma_start3A_390 : memref<1x8704xf32, #tpu.memory_space<hbm>> -> memref<8704xf32, #tpu.memory_space<hbm>>
      %dma_start3A_392 = arith.constant 0 : i32
      %dma_start3A_393 = tpu.memref_slice %arg8[%dma_start3A_392] : memref<28672xf32, #tpu.memory_space<vmem>> -> memref<8704xf32, #tpu.memory_space<vmem>>
      tpu.enqueue_dma source(%dma_start3A_393 : memref<8704xf32, #tpu.memory_space<vmem>>) target(%dma_start3A_391 : memref<8704xf32, #tpu.memory_space<hbm>>) target_semaphore(%arg11 : memref<!tpu.dma_semaphore, #tpu.memory_space<semaphore_mem>>)
      %scan3A_394 = arith.constant 0 : i32
      %scan3A_395 = arith.constant 0 : i32
      %scan3A_396 = arith.constant 64 : i32
      %scan3A_397 = arith.addi %scan3A_395, %scan3A_396 : i32
      %scan3A_398 = arith.constant 1 : i32
      %scan3A_399 = scf.for %scan3A_1205 = %scan3A_395 to %scan3A_397 step %scan3A_398 iter_args(%scan3A_1206 = %scan3A_394) -> (i32)  : i32 {
        %broadcast_in_dim3A_1207 = arith.constant 0.000000e+00 : f32
        %broadcast_in_dim3A_1208 = vector.broadcast %broadcast_in_dim3A_1207 : f32 to vector<16xf32>
        %mul3A_1209 = arith.constant 16 : i32
        %mul3A_1210 = arith.muli %scan3A_1205, %mul3A_1209 : i32
        %swap3A = arith.index_cast %mul3A_1210 : i32 to index
        %swap3A_1211 = tpu.vector_load %arg9[%swap3A] {strides = array<i32>} : memref<2048xf32, #tpu.memory_space<vmem>>, vector<16xf32>,
        tpu.vector_store %arg9[%swap3A], %broadcast_in_dim3A_1208 {strides = array<i32>} : memref<2048xf32, #tpu.memory_space<vmem>>, vector<16xf32>,
        %scan3A_1212 = arith.constant 0 : i32
        scf.yield %scan3A_1212 : i32
      }
      %scan3A_400 = arith.constant 64 : i32
      %parallel_loop3A_401 = arith.constant 0 : i32
      %parallel_loop3A_402 = arith.constant 65536 : i32
      %parallel_loop3A_403 = arith.constant 16 : i32
      scf.for %parallel_loop3A_1205 = %parallel_loop3A_401 to %parallel_loop3A_402 step %parallel_loop3A_403  : i32 {
        %parallel_loop3A_1206 = arith.index_cast %parallel_loop3A_1205 : i32 to index
        %parallel_loop3A_1207 = tpu.vector_load %arg6[%parallel_loop3A_1206] {strides = array<i32>} : memref<65536xf32, #tpu.memory_space<vmem>>, vector<16xf32>,
        %parallel_loop3A_1208 = vector.broadcast %max3A_54 : f32 to vector<16xf32>
        %parallel_loop3A_1209 = arith.subf %parallel_loop3A_1207, %parallel_loop3A_1208 : vector<16xf32>
        %parallel_loop3A_1210 = arith.index_cast %parallel_loop3A_1205 : i32 to index
        %parallel_loop3A_1211 = tpu.vector_load %arg6[%parallel_loop3A_1210] {strides = array<i32>} : memref<65536xf32, #tpu.memory_space<vmem>>, vector<16xf32>,
        tpu.vector_store %arg6[%parallel_loop3A_1210], %parallel_loop3A_1209 {strides = array<i32>} : memref<65536xf32, #tpu.memory_space<vmem>>, vector<16xf32>,
        %parallel_loop3A_1212 = math.exp %parallel_loop3A_1209 : vector<16xf32>
        %parallel_loop3A_1213 = tpu.bitcast %parallel_loop3A_1209 : vector<16xf32> -> vector<16xi32>
        %parallel_loop3A_1214 = arith.constant -2147483648 : i32
        %parallel_loop3A_1215 = vector.broadcast %parallel_loop3A_1214 : i32 to vector<16xi32>
        %parallel_loop3A_1216 = arith.ori %parallel_loop3A_1213, %parallel_loop3A_1215 : vector<16xi32>
        %parallel_loop3A_1217 = arith.constant -1 : i32
        %parallel_loop3A_1218 = vector.broadcast %parallel_loop3A_1217 : i32 to vector<16xi32>
        %parallel_loop3A_1219 = arith.xori %parallel_loop3A_1216, %parallel_loop3A_1218 : vector<16xi32>
        %parallel_loop3A_1220 = arith.constant 21 : i32
        %parallel_loop3A_1221 = vector.broadcast %parallel_loop3A_1220 : i32 to vector<16xi32>
        %parallel_loop3A_1222 = arith.shrui %parallel_loop3A_1219, %parallel_loop3A_1221 : vector<16xi32>
        tpu.vector_store_idx %arg9[%parallel_loop3A_1222], %parallel_loop3A_1212 {add = true} : memref<2048xf32, #tpu.memory_space<vmem>>[vector<16xi32>], vector<16xf32>,
      } {sc.loop_unroll_factor = 8 : i64, sc.parallel_access}
      %scan3A_404 = arith.constant 0 : i32
      %scan3A_405 = arith.constant 0 : i32
      %scan3A_406 = arith.constant 64 : i32
      %scan3A_407 = arith.addi %scan3A_405, %scan3A_406 : i32
      %scan3A_408 = arith.constant 1 : i32
      %scan3A_409 = scf.for %scan3A_1205 = %scan3A_405 to %scan3A_407 step %scan3A_408 iter_args(%scan3A_1206 = %scan3A_404) -> (i32)  : i32 {
        %mul3A_1207 = arith.constant 16 : i32
        %mul3A_1208 = arith.muli %scan3A_1205, %mul3A_1207 : i32
        %get3A_1209 = arith.index_cast %mul3A_1208 : i32 to index
        %get3A_1210 = tpu.vector_load %arg9[%get3A_1209] {strides = array<i32>} : memref<2048xf32, #tpu.memory_space<vmem>>, vector<16xf32>,
        %broadcast_in_dim3A_1211 = arith.constant true
        %broadcast_in_dim3A_1212 = vector.broadcast %broadcast_in_dim3A_1211 : i1 to vector<16xi1>
        %masked_cumsum3A_1213 = tpu.scan <sum>, %get3A_1210 masked %broadcast_in_dim3A_1212 : vector<16xf32>, vector<16xi1> -> vector<16xf32>
        %slice3A_1214 = vector.extract_strided_slice %masked_cumsum3A_1213 {offsets = [15], sizes = [1], strides = [1]} : vector<16xf32> to vector<1xf32>
        %squeeze3A_1215 = vector.extract %slice3A_1214[0] : f32 from vector<1xf32>
        %swap3A = arith.index_cast %scan3A_1205 : i32 to index
        %swap3A_1216 = memref.load %arg10[%swap3A] : memref<128xf32, #tpu.memory_space<smem>>
        memref.store %squeeze3A_1215, %arg10[%swap3A] : memref<128xf32, #tpu.memory_space<smem>>
        %scan3A_1217 = arith.constant 0 : i32
        scf.yield %scan3A_1217 : i32
      }
      %scan3A_410 = arith.constant 64 : i32
      %scan3A_411 = arith.constant 0.000000e+00 : f32
      %scan3A_412 = arith.constant 0 : i32
      %scan3A_413 = arith.constant 64 : i32
      %scan3A_414 = arith.addi %scan3A_412, %scan3A_413 : i32
      %scan3A_415 = arith.constant 1 : i32
      %scan3A_416 = scf.for %scan3A_1205 = %scan3A_412 to %scan3A_414 step %scan3A_415 iter_args(%scan3A_1206 = %scan3A_411) -> (f32)  : i32 {
        %get3A_1207 = arith.index_cast %scan3A_1205 : i32 to index
        %get3A_1208 = memref.load %arg10[%get3A_1207] : memref<128xf32, #tpu.memory_space<smem>>
        %add3A_1209 = arith.addf %scan3A_1206, %get3A_1208 : f32
        scf.yield %add3A_1209 : f32
      }
      %scan3A_417 = arith.constant 64 : i32
      %mul3A_418 = arith.constant 0.899999976 : f32
      %mul3A_419 = arith.mulf %mul3A_418, %scan3A_416 : f32
      %scan3A_420 = arith.constant -1 : i32
      %scan3A_421 = arith.constant 0.000000e+00 : f32
      %scan3A_422 = arith.constant 0.000000e+00 : f32
      %scan3A_423 = arith.constant 0 : i32
      %scan3A_424 = arith.constant 64 : i32
      %scan3A_425 = arith.addi %scan3A_423, %scan3A_424 : i32
      %scan3A_426 = arith.constant 1 : i32
      %scan3A_427:3 = scf.for %scan3A_1205 = %scan3A_423 to %scan3A_425 step %scan3A_426 iter_args(%scan3A_1206 = %scan3A_420, %scan3A_1207 = %scan3A_421, %scan3A_1208 = %scan3A_422) -> (i32, f32, f32)  : i32 {
        %sub3A_1209 = arith.constant 63 : i32
        %sub3A_1210 = arith.subi %sub3A_1209, %scan3A_1205 : i32
        %get3A_1211 = arith.index_cast %sub3A_1210 : i32 to index
        %get3A_1212 = memref.load %arg10[%get3A_1211] : memref<128xf32, #tpu.memory_space<smem>>
        %add3A_1213 = arith.addf %scan3A_1208, %get3A_1212 : f32
        %gt3A_1214 = arith.cmpf ogt, %add3A_1213, %mul3A_419 : f32
        %lt3A_1215 = arith.constant 0 : i32
        %lt3A_1216 = arith.cmpi slt, %scan3A_1206, %lt3A_1215 : i32
        %and3A = arith.andi %gt3A_1214, %lt3A_1216 : i1
        %select_n3A_1217 = arith.select %and3A, %sub3A_1210, %scan3A_1206 : i32
        %select_n3A_1218 = arith.select %and3A, %scan3A_1208, %scan3A_1207 : f32
        scf.yield %select_n3A_1217, %select_n3A_1218, %add3A_1213 : i32, f32, f32
      }
      %scan3A_428 = arith.constant 64 : i32
      %max3A_429 = arith.constant 0 : i32
      %max3A_430 = arith.maxsi %scan3A_427#0, %max3A_429 : i32
      %sub3A = arith.subf %mul3A_419, %scan3A_427#1 : f32
      %mul3A_431 = arith.constant 16 : i32
      %mul3A_432 = arith.muli %max3A_430, %mul3A_431 : i32
      %get3A = arith.index_cast %mul3A_432 : i32 to index
      %get3A_433 = tpu.vector_load %arg9[%get3A] {strides = array<i32>} : memref<2048xf32, #tpu.memory_space<vmem>>, vector<16xf32>,
      %rev3A = arith.constant 15 : i32
      %rev3A_434 = vector.broadcast %rev3A : i32 to vector<16xi32>
      %rev3A_435 = tpu.iota {dimensions = array<i32: 0>} : vector<16xi32>
      %rev3A_436 = arith.subi %rev3A_434, %rev3A_435 : vector<16xi32>
      %rev3A_437 = tpu.dynamic_gather %get3A_433[%rev3A_436] in [0] : vector<16xf32>, vector<16xi32> -> vector<16xf32>
      %broadcast_in_dim3A_438 = arith.constant true
      %broadcast_in_dim3A_439 = vector.broadcast %broadcast_in_dim3A_438 : i1 to vector<16xi1>
      %masked_cumsum3A = tpu.scan <sum>, %rev3A_437 masked %broadcast_in_dim3A_439 : vector<16xf32>, vector<16xi1> -> vector<16xf32>
      %gt3A = vector.broadcast %sub3A : f32 to vector<16xf32>
      %gt3A_440 = arith.cmpf ogt, %masked_cumsum3A, %gt3A : vector<16xf32>
      %jit3A = arith.constant 1 : i32
      %jit3A_441 = arith.constant 0 : i32
      %broadcast_in_dim3A_442 = vector.broadcast %jit3A : i32 to vector<16xi32>
      %broadcast_in_dim3A_443 = vector.broadcast %jit3A_441 : i32 to vector<16xi32>
      %select_n3A = arith.select %gt3A_440, %broadcast_in_dim3A_442, %broadcast_in_dim3A_443 : vector<16xi1>, vector<16xi32>
      %slice3A_444 = vector.extract_strided_slice %select_n3A {offsets = [0], sizes = [1], strides = [1]} : vector<16xi32> to vector<1xi32>
      %squeeze3A_445 = vector.extract %slice3A_444[0] : i32 from vector<1xi32>
      %slice3A_446 = vector.extract_strided_slice %select_n3A {offsets = [1], sizes = [1], strides = [1]} : vector<16xi32> to vector<1xi32>
      %squeeze3A_447 = vector.extract %slice3A_446[0] : i32 from vector<1xi32>
      %add3A_448 = arith.addi %squeeze3A_445, %squeeze3A_447 : i32
      %slice3A_449 = vector.extract_strided_slice %select_n3A {offsets = [2], sizes = [1], strides = [1]} : vector<16xi32> to vector<1xi32>
      %squeeze3A_450 = vector.extract %slice3A_449[0] : i32 from vector<1xi32>
      %add3A_451 = arith.addi %add3A_448, %squeeze3A_450 : i32
      %slice3A_452 = vector.extract_strided_slice %select_n3A {offsets = [3], sizes = [1], strides = [1]} : vector<16xi32> to vector<1xi32>
      %squeeze3A_453 = vector.extract %slice3A_452[0] : i32 from vector<1xi32>
      %add3A_454 = arith.addi %add3A_451, %squeeze3A_453 : i32
      %slice3A_455 = vector.extract_strided_slice %select_n3A {offsets = [4], sizes = [1], strides = [1]} : vector<16xi32> to vector<1xi32>
      %squeeze3A_456 = vector.extract %slice3A_455[0] : i32 from vector<1xi32>
      %add3A_457 = arith.addi %add3A_454, %squeeze3A_456 : i32
      %slice3A_458 = vector.extract_strided_slice %select_n3A {offsets = [5], sizes = [1], strides = [1]} : vector<16xi32> to vector<1xi32>
      %squeeze3A_459 = vector.extract %slice3A_458[0] : i32 from vector<1xi32>
      %add3A_460 = arith.addi %add3A_457, %squeeze3A_459 : i32
      %slice3A_461 = vector.extract_strided_slice %select_n3A {offsets = [6], sizes = [1], strides = [1]} : vector<16xi32> to vector<1xi32>
      %squeeze3A_462 = vector.extract %slice3A_461[0] : i32 from vector<1xi32>
      %add3A_463 = arith.addi %add3A_460, %squeeze3A_462 : i32
      %slice3A_464 = vector.extract_strided_slice %select_n3A {offsets = [7], sizes = [1], strides = [1]} : vector<16xi32> to vector<1xi32>
      %squeeze3A_465 = vector.extract %slice3A_464[0] : i32 from vector<1xi32>
      %add3A_466 = arith.addi %add3A_463, %squeeze3A_465 : i32
      %slice3A_467 = vector.extract_strided_slice %select_n3A {offsets = [8], sizes = [1], strides = [1]} : vector<16xi32> to vector<1xi32>
      %squeeze3A_468 = vector.extract %slice3A_467[0] : i32 from vector<1xi32>
      %add3A_469 = arith.addi %add3A_466, %squeeze3A_468 : i32
      %slice3A_470 = vector.extract_strided_slice %select_n3A {offsets = [9], sizes = [1], strides = [1]} : vector<16xi32> to vector<1xi32>
      %squeeze3A_471 = vector.extract %slice3A_470[0] : i32 from vector<1xi32>
      %add3A_472 = arith.addi %add3A_469, %squeeze3A_471 : i32
      %slice3A_473 = vector.extract_strided_slice %select_n3A {offsets = [10], sizes = [1], strides = [1]} : vector<16xi32> to vector<1xi32>
      %squeeze3A_474 = vector.extract %slice3A_473[0] : i32 from vector<1xi32>
      %add3A_475 = arith.addi %add3A_472, %squeeze3A_474 : i32
      %slice3A_476 = vector.extract_strided_slice %select_n3A {offsets = [11], sizes = [1], strides = [1]} : vector<16xi32> to vector<1xi32>
      %squeeze3A_477 = vector.extract %slice3A_476[0] : i32 from vector<1xi32>
      %add3A_478 = arith.addi %add3A_475, %squeeze3A_477 : i32
      %slice3A_479 = vector.extract_strided_slice %select_n3A {offsets = [12], sizes = [1], strides = [1]} : vector<16xi32> to vector<1xi32>
      %squeeze3A_480 = vector.extract %slice3A_479[0] : i32 from vector<1xi32>
      %add3A_481 = arith.addi %add3A_478, %squeeze3A_480 : i32
      %slice3A_482 = vector.extract_strided_slice %select_n3A {offsets = [13], sizes = [1], strides = [1]} : vector<16xi32> to vector<1xi32>
      %squeeze3A_483 = vector.extract %slice3A_482[0] : i32 from vector<1xi32>
      %add3A_484 = arith.addi %add3A_481, %squeeze3A_483 : i32
      %slice3A_485 = vector.extract_strided_slice %select_n3A {offsets = [14], sizes = [1], strides = [1]} : vector<16xi32> to vector<1xi32>
      %squeeze3A_486 = vector.extract %slice3A_485[0] : i32 from vector<1xi32>
      %add3A_487 = arith.addi %add3A_484, %squeeze3A_486 : i32
      %slice3A_488 = vector.extract_strided_slice %select_n3A {offsets = [15], sizes = [1], strides = [1]} : vector<16xi32> to vector<1xi32>
      %squeeze3A_489 = vector.extract %slice3A_488[0] : i32 from vector<1xi32>
      %add3A_490 = arith.addi %add3A_487, %squeeze3A_489 : i32
      %max3A_491 = arith.constant 1 : i32
      %max3A_492 = arith.maxsi %add3A_490, %max3A_491 : i32
      %mul3A_493 = arith.constant 16 : i32
      %mul3A_494 = arith.muli %max3A_430, %mul3A_493 : i32
      %sub3A_495 = arith.constant 1 : i32
      %sub3A_496 = arith.subi %max3A_492, %sub3A_495 : i32
      %add3A_497 = arith.addi %mul3A_494, %sub3A_496 : i32
      %jit3A_498 = arith.constant 0.000000e+00 : f32
      %broadcast_in_dim3A_499 = vector.broadcast %jit3A_498 : f32 to vector<16xf32>
      %select_n3A_500 = arith.select %gt3A_440, %broadcast_in_dim3A_499, %rev3A_437 : vector<16xi1>, vector<16xf32>
      %slice3A_501 = vector.extract_strided_slice %select_n3A_500 {offsets = [0], sizes = [1], strides = [1]} : vector<16xf32> to vector<1xf32>
      %squeeze3A_502 = vector.extract %slice3A_501[0] : f32 from vector<1xf32>
      %slice3A_503 = vector.extract_strided_slice %select_n3A_500 {offsets = [1], sizes = [1], strides = [1]} : vector<16xf32> to vector<1xf32>
      %squeeze3A_504 = vector.extract %slice3A_503[0] : f32 from vector<1xf32>
      %add3A_505 = arith.addf %squeeze3A_502, %squeeze3A_504 : f32
      %slice3A_506 = vector.extract_strided_slice %select_n3A_500 {offsets = [2], sizes = [1], strides = [1]} : vector<16xf32> to vector<1xf32>
      %squeeze3A_507 = vector.extract %slice3A_506[0] : f32 from vector<1xf32>
      %add3A_508 = arith.addf %add3A_505, %squeeze3A_507 : f32
      %slice3A_509 = vector.extract_strided_slice %select_n3A_500 {offsets = [3], sizes = [1], strides = [1]} : vector<16xf32> to vector<1xf32>
      %squeeze3A_510 = vector.extract %slice3A_509[0] : f32 from vector<1xf32>
      %add3A_511 = arith.addf %add3A_508, %squeeze3A_510 : f32
      %slice3A_512 = vector.extract_strided_slice %select_n3A_500 {offsets = [4], sizes = [1], strides = [1]} : vector<16xf32> to vector<1xf32>
      %squeeze3A_513 = vector.extract %slice3A_512[0] : f32 from vector<1xf32>
      %add3A_514 = arith.addf %add3A_511, %squeeze3A_513 : f32
      %slice3A_515 = vector.extract_strided_slice %select_n3A_500 {offsets = [5], sizes = [1], strides = [1]} : vector<16xf32> to vector<1xf32>
      %squeeze3A_516 = vector.extract %slice3A_515[0] : f32 from vector<1xf32>
      %add3A_517 = arith.addf %add3A_514, %squeeze3A_516 : f32
      %slice3A_518 = vector.extract_strided_slice %select_n3A_500 {offsets = [6], sizes = [1], strides = [1]} : vector<16xf32> to vector<1xf32>
      %squeeze3A_519 = vector.extract %slice3A_518[0] : f32 from vector<1xf32>
      %add3A_520 = arith.addf %add3A_517, %squeeze3A_519 : f32
      %slice3A_521 = vector.extract_strided_slice %select_n3A_500 {offsets = [7], sizes = [1], strides = [1]} : vector<16xf32> to vector<1xf32>
      %squeeze3A_522 = vector.extract %slice3A_521[0] : f32 from vector<1xf32>
      %add3A_523 = arith.addf %add3A_520, %squeeze3A_522 : f32
      %slice3A_524 = vector.extract_strided_slice %select_n3A_500 {offsets = [8], sizes = [1], strides = [1]} : vector<16xf32> to vector<1xf32>
      %squeeze3A_525 = vector.extract %slice3A_524[0] : f32 from vector<1xf32>
      %add3A_526 = arith.addf %add3A_523, %squeeze3A_525 : f32
      %slice3A_527 = vector.extract_strided_slice %select_n3A_500 {offsets = [9], sizes = [1], strides = [1]} : vector<16xf32> to vector<1xf32>
      %squeeze3A_528 = vector.extract %slice3A_527[0] : f32 from vector<1xf32>
      %add3A_529 = arith.addf %add3A_526, %squeeze3A_528 : f32
      %slice3A_530 = vector.extract_strided_slice %select_n3A_500 {offsets = [10], sizes = [1], strides = [1]} : vector<16xf32> to vector<1xf32>
      %squeeze3A_531 = vector.extract %slice3A_530[0] : f32 from vector<1xf32>
      %add3A_532 = arith.addf %add3A_529, %squeeze3A_531 : f32
      %slice3A_533 = vector.extract_strided_slice %select_n3A_500 {offsets = [11], sizes = [1], strides = [1]} : vector<16xf32> to vector<1xf32>
      %squeeze3A_534 = vector.extract %slice3A_533[0] : f32 from vector<1xf32>
      %add3A_535 = arith.addf %add3A_532, %squeeze3A_534 : f32
      %slice3A_536 = vector.extract_strided_slice %select_n3A_500 {offsets = [12], sizes = [1], strides = [1]} : vector<16xf32> to vector<1xf32>
      %squeeze3A_537 = vector.extract %slice3A_536[0] : f32 from vector<1xf32>
      %add3A_538 = arith.addf %add3A_535, %squeeze3A_537 : f32
      %slice3A_539 = vector.extract_strided_slice %select_n3A_500 {offsets = [13], sizes = [1], strides = [1]} : vector<16xf32> to vector<1xf32>
      %squeeze3A_540 = vector.extract %slice3A_539[0] : f32 from vector<1xf32>
      %add3A_541 = arith.addf %add3A_538, %squeeze3A_540 : f32
      %slice3A_542 = vector.extract_strided_slice %select_n3A_500 {offsets = [14], sizes = [1], strides = [1]} : vector<16xf32> to vector<1xf32>
      %squeeze3A_543 = vector.extract %slice3A_542[0] : f32 from vector<1xf32>
      %add3A_544 = arith.addf %add3A_541, %squeeze3A_543 : f32
      %slice3A_545 = vector.extract_strided_slice %select_n3A_500 {offsets = [15], sizes = [1], strides = [1]} : vector<16xf32> to vector<1xf32>
      %squeeze3A_546 = vector.extract %slice3A_545[0] : f32 from vector<1xf32>
      %add3A_547 = arith.addf %add3A_544, %squeeze3A_546 : f32
      %sub3A_548 = arith.subf %sub3A, %add3A_547 : f32
      %scan3A_549 = arith.constant 0 : i32
      %scan3A_550 = arith.constant 0 : i32
      %scan3A_551 = arith.constant 64 : i32
      %scan3A_552 = arith.addi %scan3A_550, %scan3A_551 : i32
      %scan3A_553 = arith.constant 1 : i32
      %scan3A_554 = scf.for %scan3A_1205 = %scan3A_550 to %scan3A_552 step %scan3A_553 iter_args(%scan3A_1206 = %scan3A_549) -> (i32)  : i32 {
        %broadcast_in_dim3A_1207 = arith.constant 0.000000e+00 : f32
        %broadcast_in_dim3A_1208 = vector.broadcast %broadcast_in_dim3A_1207 : f32 to vector<16xf32>
        %mul3A_1209 = arith.constant 16 : i32
        %mul3A_1210 = arith.muli %scan3A_1205, %mul3A_1209 : i32
        %swap3A = arith.index_cast %mul3A_1210 : i32 to index
        %swap3A_1211 = tpu.vector_load %arg9[%swap3A] {strides = array<i32>} : memref<2048xf32, #tpu.memory_space<vmem>>, vector<16xf32>,
        tpu.vector_store %arg9[%swap3A], %broadcast_in_dim3A_1208 {strides = array<i32>} : memref<2048xf32, #tpu.memory_space<vmem>>, vector<16xf32>,
        %scan3A_1212 = arith.constant 0 : i32
        scf.yield %scan3A_1212 : i32
      }
      %scan3A_555 = arith.constant 64 : i32
      %parallel_loop3A_556 = arith.constant 0 : i32
      %parallel_loop3A_557 = arith.constant 65536 : i32
      %parallel_loop3A_558 = arith.constant 16 : i32
      scf.for %parallel_loop3A_1205 = %parallel_loop3A_556 to %parallel_loop3A_557 step %parallel_loop3A_558  : i32 {
        %parallel_loop3A_1206 = arith.index_cast %parallel_loop3A_1205 : i32 to index
        %parallel_loop3A_1207 = tpu.vector_load %arg6[%parallel_loop3A_1206] {strides = array<i32>} : memref<65536xf32, #tpu.memory_space<vmem>>, vector<16xf32>,
        %parallel_loop3A_1208 = tpu.bitcast %parallel_loop3A_1207 : vector<16xf32> -> vector<16xi32>
        %parallel_loop3A_1209 = arith.constant -2147483648 : i32
        %parallel_loop3A_1210 = vector.broadcast %parallel_loop3A_1209 : i32 to vector<16xi32>
        %parallel_loop3A_1211 = arith.ori %parallel_loop3A_1208, %parallel_loop3A_1210 : vector<16xi32>
        %parallel_loop3A_1212 = arith.constant -1 : i32
        %parallel_loop3A_1213 = vector.broadcast %parallel_loop3A_1212 : i32 to vector<16xi32>
        %parallel_loop3A_1214 = arith.xori %parallel_loop3A_1211, %parallel_loop3A_1213 : vector<16xi32>
        %parallel_loop3A_1215 = arith.index_cast %parallel_loop3A_1205 : i32 to index
        %parallel_loop3A_1216 = tpu.vector_load %arg6[%parallel_loop3A_1215] {strides = array<i32>} : memref<65536xf32, #tpu.memory_space<vmem>>, vector<16xf32>,
        %parallel_loop3A_1217 = math.exp %parallel_loop3A_1216 : vector<16xf32>
        %parallel_loop3A_1218 = arith.constant 21 : i32
        %parallel_loop3A_1219 = vector.broadcast %parallel_loop3A_1218 : i32 to vector<16xi32>
        %parallel_loop3A_1220 = arith.shrui %parallel_loop3A_1214, %parallel_loop3A_1219 : vector<16xi32>
        %parallel_loop3A_1221 = vector.broadcast %add3A_497 : i32 to vector<16xi32>
        %parallel_loop3A_1222 = arith.cmpi eq, %parallel_loop3A_1220, %parallel_loop3A_1221 : vector<16xi32>
        %parallel_loop3A_1223 = arith.constant 11 : i32
        %parallel_loop3A_1224 = vector.broadcast %parallel_loop3A_1223 : i32 to vector<16xi32>
        %parallel_loop3A_1225 = arith.shrui %parallel_loop3A_1214, %parallel_loop3A_1224 : vector<16xi32>
        %parallel_loop3A_1226 = arith.constant 1023 : i32
        %parallel_loop3A_1227 = vector.broadcast %parallel_loop3A_1226 : i32 to vector<16xi32>
        %parallel_loop3A_1228 = arith.andi %parallel_loop3A_1225, %parallel_loop3A_1227 : vector<16xi32>
        tpu.vector_store_idx %arg9[%parallel_loop3A_1228], %parallel_loop3A_1217 masked %parallel_loop3A_1222 {add = true} : memref<2048xf32, #tpu.memory_space<vmem>>[vector<16xi32>], vector<16xf32>, vector<16xi1>
      } {sc.loop_unroll_factor = 8 : i64, sc.parallel_access}
      %scan3A_559 = arith.constant 0 : i32
      %scan3A_560 = arith.constant 0 : i32
      %scan3A_561 = arith.constant 64 : i32
      %scan3A_562 = arith.addi %scan3A_560, %scan3A_561 : i32
      %scan3A_563 = arith.constant 1 : i32
      %scan3A_564 = scf.for %scan3A_1205 = %scan3A_560 to %scan3A_562 step %scan3A_563 iter_args(%scan3A_1206 = %scan3A_559) -> (i32)  : i32 {
        %mul3A_1207 = arith.constant 16 : i32
        %mul3A_1208 = arith.muli %scan3A_1205, %mul3A_1207 : i32
        %get3A_1209 = arith.index_cast %mul3A_1208 : i32 to index
        %get3A_1210 = tpu.vector_load %arg9[%get3A_1209] {strides = array<i32>} : memref<2048xf32, #tpu.memory_space<vmem>>, vector<16xf32>,
        %broadcast_in_dim3A_1211 = arith.constant true
        %broadcast_in_dim3A_1212 = vector.broadcast %broadcast_in_dim3A_1211 : i1 to vector<16xi1>
        %masked_cumsum3A_1213 = tpu.scan <sum>, %get3A_1210 masked %broadcast_in_dim3A_1212 : vector<16xf32>, vector<16xi1> -> vector<16xf32>
        %slice3A_1214 = vector.extract_strided_slice %masked_cumsum3A_1213 {offsets = [15], sizes = [1], strides = [1]} : vector<16xf32> to vector<1xf32>
        %squeeze3A_1215 = vector.extract %slice3A_1214[0] : f32 from vector<1xf32>
        %swap3A = arith.index_cast %scan3A_1205 : i32 to index
        %swap3A_1216 = memref.load %arg10[%swap3A] : memref<128xf32, #tpu.memory_space<smem>>
        memref.store %squeeze3A_1215, %arg10[%swap3A] : memref<128xf32, #tpu.memory_space<smem>>
        %scan3A_1217 = arith.constant 0 : i32
        scf.yield %scan3A_1217 : i32
      }
      %scan3A_565 = arith.constant 64 : i32
      %scan3A_566 = arith.constant -1 : i32
      %scan3A_567 = arith.constant 0.000000e+00 : f32
      %scan3A_568 = arith.constant 0.000000e+00 : f32
      %scan3A_569 = arith.constant 0 : i32
      %scan3A_570 = arith.constant 64 : i32
      %scan3A_571 = arith.addi %scan3A_569, %scan3A_570 : i32
      %scan3A_572 = arith.constant 1 : i32
      %scan3A_573:3 = scf.for %scan3A_1205 = %scan3A_569 to %scan3A_571 step %scan3A_572 iter_args(%scan3A_1206 = %scan3A_566, %scan3A_1207 = %scan3A_567, %scan3A_1208 = %scan3A_568) -> (i32, f32, f32)  : i32 {
        %sub3A_1209 = arith.constant 63 : i32
        %sub3A_1210 = arith.subi %sub3A_1209, %scan3A_1205 : i32
        %get3A_1211 = arith.index_cast %sub3A_1210 : i32 to index
        %get3A_1212 = memref.load %arg10[%get3A_1211] : memref<128xf32, #tpu.memory_space<smem>>
        %add3A_1213 = arith.addf %scan3A_1208, %get3A_1212 : f32
        %gt3A_1214 = arith.cmpf ogt, %add3A_1213, %sub3A_548 : f32
        %lt3A_1215 = arith.constant 0 : i32
        %lt3A_1216 = arith.cmpi slt, %scan3A_1206, %lt3A_1215 : i32
        %and3A = arith.andi %gt3A_1214, %lt3A_1216 : i1
        %select_n3A_1217 = arith.select %and3A, %sub3A_1210, %scan3A_1206 : i32
        %select_n3A_1218 = arith.select %and3A, %scan3A_1208, %scan3A_1207 : f32
        scf.yield %select_n3A_1217, %select_n3A_1218, %add3A_1213 : i32, f32, f32
      }
      %scan3A_574 = arith.constant 64 : i32
      %max3A_575 = arith.constant 0 : i32
      %max3A_576 = arith.maxsi %scan3A_573#0, %max3A_575 : i32
      %sub3A_577 = arith.subf %sub3A_548, %scan3A_573#1 : f32
      %mul3A_578 = arith.constant 16 : i32
      %mul3A_579 = arith.muli %max3A_576, %mul3A_578 : i32
      %get3A_580 = arith.index_cast %mul3A_579 : i32 to index
      %get3A_581 = tpu.vector_load %arg9[%get3A_580] {strides = array<i32>} : memref<2048xf32, #tpu.memory_space<vmem>>, vector<16xf32>,
      %rev3A_582 = arith.constant 15 : i32
      %rev3A_583 = vector.broadcast %rev3A_582 : i32 to vector<16xi32>
      %rev3A_584 = tpu.iota {dimensions = array<i32: 0>} : vector<16xi32>
      %rev3A_585 = arith.subi %rev3A_583, %rev3A_584 : vector<16xi32>
      %rev3A_586 = tpu.dynamic_gather %get3A_581[%rev3A_585] in [0] : vector<16xf32>, vector<16xi32> -> vector<16xf32>
      %broadcast_in_dim3A_587 = arith.constant true
      %broadcast_in_dim3A_588 = vector.broadcast %broadcast_in_dim3A_587 : i1 to vector<16xi1>
      %masked_cumsum3A_589 = tpu.scan <sum>, %rev3A_586 masked %broadcast_in_dim3A_588 : vector<16xf32>, vector<16xi1> -> vector<16xf32>
      %gt3A_590 = vector.broadcast %sub3A_577 : f32 to vector<16xf32>
      %gt3A_591 = arith.cmpf ogt, %masked_cumsum3A_589, %gt3A_590 : vector<16xf32>
      %jit3A_592 = arith.constant 1 : i32
      %jit3A_593 = arith.constant 0 : i32
      %broadcast_in_dim3A_594 = vector.broadcast %jit3A_592 : i32 to vector<16xi32>
      %broadcast_in_dim3A_595 = vector.broadcast %jit3A_593 : i32 to vector<16xi32>
      %select_n3A_596 = arith.select %gt3A_591, %broadcast_in_dim3A_594, %broadcast_in_dim3A_595 : vector<16xi1>, vector<16xi32>
      %slice3A_597 = vector.extract_strided_slice %select_n3A_596 {offsets = [0], sizes = [1], strides = [1]} : vector<16xi32> to vector<1xi32>
      %squeeze3A_598 = vector.extract %slice3A_597[0] : i32 from vector<1xi32>
      %slice3A_599 = vector.extract_strided_slice %select_n3A_596 {offsets = [1], sizes = [1], strides = [1]} : vector<16xi32> to vector<1xi32>
      %squeeze3A_600 = vector.extract %slice3A_599[0] : i32 from vector<1xi32>
      %add3A_601 = arith.addi %squeeze3A_598, %squeeze3A_600 : i32
      %slice3A_602 = vector.extract_strided_slice %select_n3A_596 {offsets = [2], sizes = [1], strides = [1]} : vector<16xi32> to vector<1xi32>
      %squeeze3A_603 = vector.extract %slice3A_602[0] : i32 from vector<1xi32>
      %add3A_604 = arith.addi %add3A_601, %squeeze3A_603 : i32
      %slice3A_605 = vector.extract_strided_slice %select_n3A_596 {offsets = [3], sizes = [1], strides = [1]} : vector<16xi32> to vector<1xi32>
      %squeeze3A_606 = vector.extract %slice3A_605[0] : i32 from vector<1xi32>
      %add3A_607 = arith.addi %add3A_604, %squeeze3A_606 : i32
      %slice3A_608 = vector.extract_strided_slice %select_n3A_596 {offsets = [4], sizes = [1], strides = [1]} : vector<16xi32> to vector<1xi32>
      %squeeze3A_609 = vector.extract %slice3A_608[0] : i32 from vector<1xi32>
      %add3A_610 = arith.addi %add3A_607, %squeeze3A_609 : i32
      %slice3A_611 = vector.extract_strided_slice %select_n3A_596 {offsets = [5], sizes = [1], strides = [1]} : vector<16xi32> to vector<1xi32>
      %squeeze3A_612 = vector.extract %slice3A_611[0] : i32 from vector<1xi32>
      %add3A_613 = arith.addi %add3A_610, %squeeze3A_612 : i32
      %slice3A_614 = vector.extract_strided_slice %select_n3A_596 {offsets = [6], sizes = [1], strides = [1]} : vector<16xi32> to vector<1xi32>
      %squeeze3A_615 = vector.extract %slice3A_614[0] : i32 from vector<1xi32>
      %add3A_616 = arith.addi %add3A_613, %squeeze3A_615 : i32
      %slice3A_617 = vector.extract_strided_slice %select_n3A_596 {offsets = [7], sizes = [1], strides = [1]} : vector<16xi32> to vector<1xi32>
      %squeeze3A_618 = vector.extract %slice3A_617[0] : i32 from vector<1xi32>
      %add3A_619 = arith.addi %add3A_616, %squeeze3A_618 : i32
      %slice3A_620 = vector.extract_strided_slice %select_n3A_596 {offsets = [8], sizes = [1], strides = [1]} : vector<16xi32> to vector<1xi32>
      %squeeze3A_621 = vector.extract %slice3A_620[0] : i32 from vector<1xi32>
      %add3A_622 = arith.addi %add3A_619, %squeeze3A_621 : i32
      %slice3A_623 = vector.extract_strided_slice %select_n3A_596 {offsets = [9], sizes = [1], strides = [1]} : vector<16xi32> to vector<1xi32>
      %squeeze3A_624 = vector.extract %slice3A_623[0] : i32 from vector<1xi32>
      %add3A_625 = arith.addi %add3A_622, %squeeze3A_624 : i32
      %slice3A_626 = vector.extract_strided_slice %select_n3A_596 {offsets = [10], sizes = [1], strides = [1]} : vector<16xi32> to vector<1xi32>
      %squeeze3A_627 = vector.extract %slice3A_626[0] : i32 from vector<1xi32>
      %add3A_628 = arith.addi %add3A_625, %squeeze3A_627 : i32
      %slice3A_629 = vector.extract_strided_slice %select_n3A_596 {offsets = [11], sizes = [1], strides = [1]} : vector<16xi32> to vector<1xi32>
      %squeeze3A_630 = vector.extract %slice3A_629[0] : i32 from vector<1xi32>
      %add3A_631 = arith.addi %add3A_628, %squeeze3A_630 : i32
      %slice3A_632 = vector.extract_strided_slice %select_n3A_596 {offsets = [12], sizes = [1], strides = [1]} : vector<16xi32> to vector<1xi32>
      %squeeze3A_633 = vector.extract %slice3A_632[0] : i32 from vector<1xi32>
      %add3A_634 = arith.addi %add3A_631, %squeeze3A_633 : i32
      %slice3A_635 = vector.extract_strided_slice %select_n3A_596 {offsets = [13], sizes = [1], strides = [1]} : vector<16xi32> to vector<1xi32>
      %squeeze3A_636 = vector.extract %slice3A_635[0] : i32 from vector<1xi32>
      %add3A_637 = arith.addi %add3A_634, %squeeze3A_636 : i32
      %slice3A_638 = vector.extract_strided_slice %select_n3A_596 {offsets = [14], sizes = [1], strides = [1]} : vector<16xi32> to vector<1xi32>
      %squeeze3A_639 = vector.extract %slice3A_638[0] : i32 from vector<1xi32>
      %add3A_640 = arith.addi %add3A_637, %squeeze3A_639 : i32
      %slice3A_641 = vector.extract_strided_slice %select_n3A_596 {offsets = [15], sizes = [1], strides = [1]} : vector<16xi32> to vector<1xi32>
      %squeeze3A_642 = vector.extract %slice3A_641[0] : i32 from vector<1xi32>
      %add3A_643 = arith.addi %add3A_640, %squeeze3A_642 : i32
      %max3A_644 = arith.constant 1 : i32
      %max3A_645 = arith.maxsi %add3A_643, %max3A_644 : i32
      %mul3A_646 = arith.constant 16 : i32
      %mul3A_647 = arith.muli %max3A_576, %mul3A_646 : i32
      %sub3A_648 = arith.constant 1 : i32
      %sub3A_649 = arith.subi %max3A_645, %sub3A_648 : i32
      %add3A_650 = arith.addi %mul3A_647, %sub3A_649 : i32
      %jit3A_651 = arith.constant 0.000000e+00 : f32
      %broadcast_in_dim3A_652 = vector.broadcast %jit3A_651 : f32 to vector<16xf32>
      %select_n3A_653 = arith.select %gt3A_591, %broadcast_in_dim3A_652, %rev3A_586 : vector<16xi1>, vector<16xf32>
      %slice3A_654 = vector.extract_strided_slice %select_n3A_653 {offsets = [0], sizes = [1], strides = [1]} : vector<16xf32> to vector<1xf32>
      %squeeze3A_655 = vector.extract %slice3A_654[0] : f32 from vector<1xf32>
      %slice3A_656 = vector.extract_strided_slice %select_n3A_653 {offsets = [1], sizes = [1], strides = [1]} : vector<16xf32> to vector<1xf32>
      %squeeze3A_657 = vector.extract %slice3A_656[0] : f32 from vector<1xf32>
      %add3A_658 = arith.addf %squeeze3A_655, %squeeze3A_657 : f32
      %slice3A_659 = vector.extract_strided_slice %select_n3A_653 {offsets = [2], sizes = [1], strides = [1]} : vector<16xf32> to vector<1xf32>
      %squeeze3A_660 = vector.extract %slice3A_659[0] : f32 from vector<1xf32>
      %add3A_661 = arith.addf %add3A_658, %squeeze3A_660 : f32
      %slice3A_662 = vector.extract_strided_slice %select_n3A_653 {offsets = [3], sizes = [1], strides = [1]} : vector<16xf32> to vector<1xf32>
      %squeeze3A_663 = vector.extract %slice3A_662[0] : f32 from vector<1xf32>
      %add3A_664 = arith.addf %add3A_661, %squeeze3A_663 : f32
      %slice3A_665 = vector.extract_strided_slice %select_n3A_653 {offsets = [4], sizes = [1], strides = [1]} : vector<16xf32> to vector<1xf32>
      %squeeze3A_666 = vector.extract %slice3A_665[0] : f32 from vector<1xf32>
      %add3A_667 = arith.addf %add3A_664, %squeeze3A_666 : f32
      %slice3A_668 = vector.extract_strided_slice %select_n3A_653 {offsets = [5], sizes = [1], strides = [1]} : vector<16xf32> to vector<1xf32>
      %squeeze3A_669 = vector.extract %slice3A_668[0] : f32 from vector<1xf32>
      %add3A_670 = arith.addf %add3A_667, %squeeze3A_669 : f32
      %slice3A_671 = vector.extract_strided_slice %select_n3A_653 {offsets = [6], sizes = [1], strides = [1]} : vector<16xf32> to vector<1xf32>
      %squeeze3A_672 = vector.extract %slice3A_671[0] : f32 from vector<1xf32>
      %add3A_673 = arith.addf %add3A_670, %squeeze3A_672 : f32
      %slice3A_674 = vector.extract_strided_slice %select_n3A_653 {offsets = [7], sizes = [1], strides = [1]} : vector<16xf32> to vector<1xf32>
      %squeeze3A_675 = vector.extract %slice3A_674[0] : f32 from vector<1xf32>
      %add3A_676 = arith.addf %add3A_673, %squeeze3A_675 : f32
      %slice3A_677 = vector.extract_strided_slice %select_n3A_653 {offsets = [8], sizes = [1], strides = [1]} : vector<16xf32> to vector<1xf32>
      %squeeze3A_678 = vector.extract %slice3A_677[0] : f32 from vector<1xf32>
      %add3A_679 = arith.addf %add3A_676, %squeeze3A_678 : f32
      %slice3A_680 = vector.extract_strided_slice %select_n3A_653 {offsets = [9], sizes = [1], strides = [1]} : vector<16xf32> to vector<1xf32>
      %squeeze3A_681 = vector.extract %slice3A_680[0] : f32 from vector<1xf32>
      %add3A_682 = arith.addf %add3A_679, %squeeze3A_681 : f32
      %slice3A_683 = vector.extract_strided_slice %select_n3A_653 {offsets = [10], sizes = [1], strides = [1]} : vector<16xf32> to vector<1xf32>
      %squeeze3A_684 = vector.extract %slice3A_683[0] : f32 from vector<1xf32>
      %add3A_685 = arith.addf %add3A_682, %squeeze3A_684 : f32
      %slice3A_686 = vector.extract_strided_slice %select_n3A_653 {offsets = [11], sizes = [1], strides = [1]} : vector<16xf32> to vector<1xf32>
      %squeeze3A_687 = vector.extract %slice3A_686[0] : f32 from vector<1xf32>
      %add3A_688 = arith.addf %add3A_685, %squeeze3A_687 : f32
      %slice3A_689 = vector.extract_strided_slice %select_n3A_653 {offsets = [12], sizes = [1], strides = [1]} : vector<16xf32> to vector<1xf32>
      %squeeze3A_690 = vector.extract %slice3A_689[0] : f32 from vector<1xf32>
      %add3A_691 = arith.addf %add3A_688, %squeeze3A_690 : f32
      %slice3A_692 = vector.extract_strided_slice %select_n3A_653 {offsets = [13], sizes = [1], strides = [1]} : vector<16xf32> to vector<1xf32>
      %squeeze3A_693 = vector.extract %slice3A_692[0] : f32 from vector<1xf32>
      %add3A_694 = arith.addf %add3A_691, %squeeze3A_693 : f32
      %slice3A_695 = vector.extract_strided_slice %select_n3A_653 {offsets = [14], sizes = [1], strides = [1]} : vector<16xf32> to vector<1xf32>
      %squeeze3A_696 = vector.extract %slice3A_695[0] : f32 from vector<1xf32>
      %add3A_697 = arith.addf %add3A_694, %squeeze3A_696 : f32
      %slice3A_698 = vector.extract_strided_slice %select_n3A_653 {offsets = [15], sizes = [1], strides = [1]} : vector<16xf32> to vector<1xf32>
      %squeeze3A_699 = vector.extract %slice3A_698[0] : f32 from vector<1xf32>
      %add3A_700 = arith.addf %add3A_697, %squeeze3A_699 : f32
      %sub3A_701 = arith.subf %sub3A_577, %add3A_700 : f32
      %shift_left3A = arith.constant 10 : i32
      %shift_left3A_702 = arith.shli %add3A_497, %shift_left3A : i32
      %or3A = arith.ori %shift_left3A_702, %add3A_650 : i32
      %scan3A_703 = arith.constant 0 : i32
      %scan3A_704 = arith.constant 0 : i32
      %scan3A_705 = arith.constant 128 : i32
      %scan3A_706 = arith.addi %scan3A_704, %scan3A_705 : i32
      %scan3A_707 = arith.constant 1 : i32
      %scan3A_708 = scf.for %scan3A_1205 = %scan3A_704 to %scan3A_706 step %scan3A_707 iter_args(%scan3A_1206 = %scan3A_703) -> (i32)  : i32 {
        %broadcast_in_dim3A_1207 = arith.constant 0.000000e+00 : f32
        %broadcast_in_dim3A_1208 = vector.broadcast %broadcast_in_dim3A_1207 : f32 to vector<16xf32>
        %mul3A_1209 = arith.constant 16 : i32
        %mul3A_1210 = arith.muli %scan3A_1205, %mul3A_1209 : i32
        %swap3A = arith.index_cast %mul3A_1210 : i32 to index
        %swap3A_1211 = tpu.vector_load %arg9[%swap3A] {strides = array<i32>} : memref<2048xf32, #tpu.memory_space<vmem>>, vector<16xf32>,
        tpu.vector_store %arg9[%swap3A], %broadcast_in_dim3A_1208 {strides = array<i32>} : memref<2048xf32, #tpu.memory_space<vmem>>, vector<16xf32>,
        %scan3A_1212 = arith.constant 0 : i32
        scf.yield %scan3A_1212 : i32
      }
      %scan3A_709 = arith.constant 128 : i32
      %parallel_loop3A_710 = arith.constant 0 : i32
      %parallel_loop3A_711 = arith.constant 65536 : i32
      %parallel_loop3A_712 = arith.constant 16 : i32
      scf.for %parallel_loop3A_1205 = %parallel_loop3A_710 to %parallel_loop3A_711 step %parallel_loop3A_712  : i32 {
        %parallel_loop3A_1206 = arith.index_cast %parallel_loop3A_1205 : i32 to index
        %parallel_loop3A_1207 = tpu.vector_load %arg6[%parallel_loop3A_1206] {strides = array<i32>} : memref<65536xf32, #tpu.memory_space<vmem>>, vector<16xf32>,
        %parallel_loop3A_1208 = tpu.bitcast %parallel_loop3A_1207 : vector<16xf32> -> vector<16xi32>
        %parallel_loop3A_1209 = arith.constant -2147483648 : i32
        %parallel_loop3A_1210 = vector.broadcast %parallel_loop3A_1209 : i32 to vector<16xi32>
        %parallel_loop3A_1211 = arith.ori %parallel_loop3A_1208, %parallel_loop3A_1210 : vector<16xi32>
        %parallel_loop3A_1212 = arith.constant -1 : i32
        %parallel_loop3A_1213 = vector.broadcast %parallel_loop3A_1212 : i32 to vector<16xi32>
        %parallel_loop3A_1214 = arith.xori %parallel_loop3A_1211, %parallel_loop3A_1213 : vector<16xi32>
        %parallel_loop3A_1215 = arith.index_cast %parallel_loop3A_1205 : i32 to index
        %parallel_loop3A_1216 = tpu.vector_load %arg6[%parallel_loop3A_1215] {strides = array<i32>} : memref<65536xf32, #tpu.memory_space<vmem>>, vector<16xf32>,
        %parallel_loop3A_1217 = math.exp %parallel_loop3A_1216 : vector<16xf32>
        %parallel_loop3A_1218 = arith.constant 11 : i32
        %parallel_loop3A_1219 = vector.broadcast %parallel_loop3A_1218 : i32 to vector<16xi32>
        %parallel_loop3A_1220 = arith.shrui %parallel_loop3A_1214, %parallel_loop3A_1219 : vector<16xi32>
        %parallel_loop3A_1221 = vector.broadcast %or3A : i32 to vector<16xi32>
        %parallel_loop3A_1222 = arith.cmpi eq, %parallel_loop3A_1220, %parallel_loop3A_1221 : vector<16xi32>
        %parallel_loop3A_1223 = arith.constant 2047 : i32
        %parallel_loop3A_1224 = vector.broadcast %parallel_loop3A_1223 : i32 to vector<16xi32>
        %parallel_loop3A_1225 = arith.andi %parallel_loop3A_1214, %parallel_loop3A_1224 : vector<16xi32>
        tpu.vector_store_idx %arg9[%parallel_loop3A_1225], %parallel_loop3A_1217 masked %parallel_loop3A_1222 {add = true} : memref<2048xf32, #tpu.memory_space<vmem>>[vector<16xi32>], vector<16xf32>, vector<16xi1>
      } {sc.loop_unroll_factor = 8 : i64, sc.parallel_access}
      %scan3A_713 = arith.constant 0 : i32
      %scan3A_714 = arith.constant 0 : i32
      %scan3A_715 = arith.constant 128 : i32
      %scan3A_716 = arith.addi %scan3A_714, %scan3A_715 : i32
      %scan3A_717 = arith.constant 1 : i32
      %scan3A_718 = scf.for %scan3A_1205 = %scan3A_714 to %scan3A_716 step %scan3A_717 iter_args(%scan3A_1206 = %scan3A_713) -> (i32)  : i32 {
        %mul3A_1207 = arith.constant 16 : i32
        %mul3A_1208 = arith.muli %scan3A_1205, %mul3A_1207 : i32
        %get3A_1209 = arith.index_cast %mul3A_1208 : i32 to index
        %get3A_1210 = tpu.vector_load %arg9[%get3A_1209] {strides = array<i32>} : memref<2048xf32, #tpu.memory_space<vmem>>, vector<16xf32>,
        %broadcast_in_dim3A_1211 = arith.constant true
        %broadcast_in_dim3A_1212 = vector.broadcast %broadcast_in_dim3A_1211 : i1 to vector<16xi1>
        %masked_cumsum3A_1213 = tpu.scan <sum>, %get3A_1210 masked %broadcast_in_dim3A_1212 : vector<16xf32>, vector<16xi1> -> vector<16xf32>
        %slice3A_1214 = vector.extract_strided_slice %masked_cumsum3A_1213 {offsets = [15], sizes = [1], strides = [1]} : vector<16xf32> to vector<1xf32>
        %squeeze3A_1215 = vector.extract %slice3A_1214[0] : f32 from vector<1xf32>
        %swap3A = arith.index_cast %scan3A_1205 : i32 to index
        %swap3A_1216 = memref.load %arg10[%swap3A] : memref<128xf32, #tpu.memory_space<smem>>
        memref.store %squeeze3A_1215, %arg10[%swap3A] : memref<128xf32, #tpu.memory_space<smem>>
        %scan3A_1217 = arith.constant 0 : i32
        scf.yield %scan3A_1217 : i32
      }
      %scan3A_719 = arith.constant 128 : i32
      %scan3A_720 = arith.constant -1 : i32
      %scan3A_721 = arith.constant 0.000000e+00 : f32
      %scan3A_722 = arith.constant 0.000000e+00 : f32
      %scan3A_723 = arith.constant 0 : i32
      %scan3A_724 = arith.constant 128 : i32
      %scan3A_725 = arith.addi %scan3A_723, %scan3A_724 : i32
      %scan3A_726 = arith.constant 1 : i32
      %scan3A_727:3 = scf.for %scan3A_1205 = %scan3A_723 to %scan3A_725 step %scan3A_726 iter_args(%scan3A_1206 = %scan3A_720, %scan3A_1207 = %scan3A_721, %scan3A_1208 = %scan3A_722) -> (i32, f32, f32)  : i32 {
        %sub3A_1209 = arith.constant 127 : i32
        %sub3A_1210 = arith.subi %sub3A_1209, %scan3A_1205 : i32
        %get3A_1211 = arith.index_cast %sub3A_1210 : i32 to index
        %get3A_1212 = memref.load %arg10[%get3A_1211] : memref<128xf32, #tpu.memory_space<smem>>
        %add3A_1213 = arith.addf %scan3A_1208, %get3A_1212 : f32
        %gt3A_1214 = arith.cmpf ogt, %add3A_1213, %sub3A_701 : f32
        %lt3A_1215 = arith.constant 0 : i32
        %lt3A_1216 = arith.cmpi slt, %scan3A_1206, %lt3A_1215 : i32
        %and3A = arith.andi %gt3A_1214, %lt3A_1216 : i1
        %select_n3A_1217 = arith.select %and3A, %sub3A_1210, %scan3A_1206 : i32
        %select_n3A_1218 = arith.select %and3A, %scan3A_1208, %scan3A_1207 : f32
        scf.yield %select_n3A_1217, %select_n3A_1218, %add3A_1213 : i32, f32, f32
      }
      %scan3A_728 = arith.constant 128 : i32
      %max3A_729 = arith.constant 0 : i32
      %max3A_730 = arith.maxsi %scan3A_727#0, %max3A_729 : i32
      %sub3A_731 = arith.subf %sub3A_701, %scan3A_727#1 : f32
      %mul3A_732 = arith.constant 16 : i32
      %mul3A_733 = arith.muli %max3A_730, %mul3A_732 : i32
      %get3A_734 = arith.index_cast %mul3A_733 : i32 to index
      %get3A_735 = tpu.vector_load %arg9[%get3A_734] {strides = array<i32>} : memref<2048xf32, #tpu.memory_space<vmem>>, vector<16xf32>,
      %rev3A_736 = arith.constant 15 : i32
      %rev3A_737 = vector.broadcast %rev3A_736 : i32 to vector<16xi32>
      %rev3A_738 = tpu.iota {dimensions = array<i32: 0>} : vector<16xi32>
      %rev3A_739 = arith.subi %rev3A_737, %rev3A_738 : vector<16xi32>
      %rev3A_740 = tpu.dynamic_gather %get3A_735[%rev3A_739] in [0] : vector<16xf32>, vector<16xi32> -> vector<16xf32>
      %broadcast_in_dim3A_741 = arith.constant true
      %broadcast_in_dim3A_742 = vector.broadcast %broadcast_in_dim3A_741 : i1 to vector<16xi1>
      %masked_cumsum3A_743 = tpu.scan <sum>, %rev3A_740 masked %broadcast_in_dim3A_742 : vector<16xf32>, vector<16xi1> -> vector<16xf32>
      %gt3A_744 = vector.broadcast %sub3A_731 : f32 to vector<16xf32>
      %gt3A_745 = arith.cmpf ogt, %masked_cumsum3A_743, %gt3A_744 : vector<16xf32>
      %jit3A_746 = arith.constant 1 : i32
      %jit3A_747 = arith.constant 0 : i32
      %broadcast_in_dim3A_748 = vector.broadcast %jit3A_746 : i32 to vector<16xi32>
      %broadcast_in_dim3A_749 = vector.broadcast %jit3A_747 : i32 to vector<16xi32>
      %select_n3A_750 = arith.select %gt3A_745, %broadcast_in_dim3A_748, %broadcast_in_dim3A_749 : vector<16xi1>, vector<16xi32>
      %slice3A_751 = vector.extract_strided_slice %select_n3A_750 {offsets = [0], sizes = [1], strides = [1]} : vector<16xi32> to vector<1xi32>
      %squeeze3A_752 = vector.extract %slice3A_751[0] : i32 from vector<1xi32>
      %slice3A_753 = vector.extract_strided_slice %select_n3A_750 {offsets = [1], sizes = [1], strides = [1]} : vector<16xi32> to vector<1xi32>
      %squeeze3A_754 = vector.extract %slice3A_753[0] : i32 from vector<1xi32>
      %add3A_755 = arith.addi %squeeze3A_752, %squeeze3A_754 : i32
      %slice3A_756 = vector.extract_strided_slice %select_n3A_750 {offsets = [2], sizes = [1], strides = [1]} : vector<16xi32> to vector<1xi32>
      %squeeze3A_757 = vector.extract %slice3A_756[0] : i32 from vector<1xi32>
      %add3A_758 = arith.addi %add3A_755, %squeeze3A_757 : i32
      %slice3A_759 = vector.extract_strided_slice %select_n3A_750 {offsets = [3], sizes = [1], strides = [1]} : vector<16xi32> to vector<1xi32>
      %squeeze3A_760 = vector.extract %slice3A_759[0] : i32 from vector<1xi32>
      %add3A_761 = arith.addi %add3A_758, %squeeze3A_760 : i32
      %slice3A_762 = vector.extract_strided_slice %select_n3A_750 {offsets = [4], sizes = [1], strides = [1]} : vector<16xi32> to vector<1xi32>
      %squeeze3A_763 = vector.extract %slice3A_762[0] : i32 from vector<1xi32>
      %add3A_764 = arith.addi %add3A_761, %squeeze3A_763 : i32
      %slice3A_765 = vector.extract_strided_slice %select_n3A_750 {offsets = [5], sizes = [1], strides = [1]} : vector<16xi32> to vector<1xi32>
      %squeeze3A_766 = vector.extract %slice3A_765[0] : i32 from vector<1xi32>
      %add3A_767 = arith.addi %add3A_764, %squeeze3A_766 : i32
      %slice3A_768 = vector.extract_strided_slice %select_n3A_750 {offsets = [6], sizes = [1], strides = [1]} : vector<16xi32> to vector<1xi32>
      %squeeze3A_769 = vector.extract %slice3A_768[0] : i32 from vector<1xi32>
      %add3A_770 = arith.addi %add3A_767, %squeeze3A_769 : i32
      %slice3A_771 = vector.extract_strided_slice %select_n3A_750 {offsets = [7], sizes = [1], strides = [1]} : vector<16xi32> to vector<1xi32>
      %squeeze3A_772 = vector.extract %slice3A_771[0] : i32 from vector<1xi32>
      %add3A_773 = arith.addi %add3A_770, %squeeze3A_772 : i32
      %slice3A_774 = vector.extract_strided_slice %select_n3A_750 {offsets = [8], sizes = [1], strides = [1]} : vector<16xi32> to vector<1xi32>
      %squeeze3A_775 = vector.extract %slice3A_774[0] : i32 from vector<1xi32>
      %add3A_776 = arith.addi %add3A_773, %squeeze3A_775 : i32
      %slice3A_777 = vector.extract_strided_slice %select_n3A_750 {offsets = [9], sizes = [1], strides = [1]} : vector<16xi32> to vector<1xi32>
      %squeeze3A_778 = vector.extract %slice3A_777[0] : i32 from vector<1xi32>
      %add3A_779 = arith.addi %add3A_776, %squeeze3A_778 : i32
      %slice3A_780 = vector.extract_strided_slice %select_n3A_750 {offsets = [10], sizes = [1], strides = [1]} : vector<16xi32> to vector<1xi32>
      %squeeze3A_781 = vector.extract %slice3A_780[0] : i32 from vector<1xi32>
      %add3A_782 = arith.addi %add3A_779, %squeeze3A_781 : i32
      %slice3A_783 = vector.extract_strided_slice %select_n3A_750 {offsets = [11], sizes = [1], strides = [1]} : vector<16xi32> to vector<1xi32>
      %squeeze3A_784 = vector.extract %slice3A_783[0] : i32 from vector<1xi32>
      %add3A_785 = arith.addi %add3A_782, %squeeze3A_784 : i32
      %slice3A_786 = vector.extract_strided_slice %select_n3A_750 {offsets = [12], sizes = [1], strides = [1]} : vector<16xi32> to vector<1xi32>
      %squeeze3A_787 = vector.extract %slice3A_786[0] : i32 from vector<1xi32>
      %add3A_788 = arith.addi %add3A_785, %squeeze3A_787 : i32
      %slice3A_789 = vector.extract_strided_slice %select_n3A_750 {offsets = [13], sizes = [1], strides = [1]} : vector<16xi32> to vector<1xi32>
      %squeeze3A_790 = vector.extract %slice3A_789[0] : i32 from vector<1xi32>
      %add3A_791 = arith.addi %add3A_788, %squeeze3A_790 : i32
      %slice3A_792 = vector.extract_strided_slice %select_n3A_750 {offsets = [14], sizes = [1], strides = [1]} : vector<16xi32> to vector<1xi32>
      %squeeze3A_793 = vector.extract %slice3A_792[0] : i32 from vector<1xi32>
      %add3A_794 = arith.addi %add3A_791, %squeeze3A_793 : i32
      %slice3A_795 = vector.extract_strided_slice %select_n3A_750 {offsets = [15], sizes = [1], strides = [1]} : vector<16xi32> to vector<1xi32>
      %squeeze3A_796 = vector.extract %slice3A_795[0] : i32 from vector<1xi32>
      %add3A_797 = arith.addi %add3A_794, %squeeze3A_796 : i32
      %max3A_798 = arith.constant 1 : i32
      %max3A_799 = arith.maxsi %add3A_797, %max3A_798 : i32
      %mul3A_800 = arith.constant 16 : i32
      %mul3A_801 = arith.muli %max3A_730, %mul3A_800 : i32
      %sub3A_802 = arith.constant 1 : i32
      %sub3A_803 = arith.subi %max3A_799, %sub3A_802 : i32
      %add3A_804 = arith.addi %mul3A_801, %sub3A_803 : i32
      %jit3A_805 = arith.constant 0.000000e+00 : f32
      %broadcast_in_dim3A_806 = vector.broadcast %jit3A_805 : f32 to vector<16xf32>
      %select_n3A_807 = arith.select %gt3A_745, %broadcast_in_dim3A_806, %rev3A_740 : vector<16xi1>, vector<16xf32>
      %slice3A_808 = vector.extract_strided_slice %select_n3A_807 {offsets = [0], sizes = [1], strides = [1]} : vector<16xf32> to vector<1xf32>
      %squeeze3A_809 = vector.extract %slice3A_808[0] : f32 from vector<1xf32>
      %slice3A_810 = vector.extract_strided_slice %select_n3A_807 {offsets = [1], sizes = [1], strides = [1]} : vector<16xf32> to vector<1xf32>
      %squeeze3A_811 = vector.extract %slice3A_810[0] : f32 from vector<1xf32>
      %add3A_812 = arith.addf %squeeze3A_809, %squeeze3A_811 : f32
      %slice3A_813 = vector.extract_strided_slice %select_n3A_807 {offsets = [2], sizes = [1], strides = [1]} : vector<16xf32> to vector<1xf32>
      %squeeze3A_814 = vector.extract %slice3A_813[0] : f32 from vector<1xf32>
      %add3A_815 = arith.addf %add3A_812, %squeeze3A_814 : f32
      %slice3A_816 = vector.extract_strided_slice %select_n3A_807 {offsets = [3], sizes = [1], strides = [1]} : vector<16xf32> to vector<1xf32>
      %squeeze3A_817 = vector.extract %slice3A_816[0] : f32 from vector<1xf32>
      %add3A_818 = arith.addf %add3A_815, %squeeze3A_817 : f32
      %slice3A_819 = vector.extract_strided_slice %select_n3A_807 {offsets = [4], sizes = [1], strides = [1]} : vector<16xf32> to vector<1xf32>
      %squeeze3A_820 = vector.extract %slice3A_819[0] : f32 from vector<1xf32>
      %add3A_821 = arith.addf %add3A_818, %squeeze3A_820 : f32
      %slice3A_822 = vector.extract_strided_slice %select_n3A_807 {offsets = [5], sizes = [1], strides = [1]} : vector<16xf32> to vector<1xf32>
      %squeeze3A_823 = vector.extract %slice3A_822[0] : f32 from vector<1xf32>
      %add3A_824 = arith.addf %add3A_821, %squeeze3A_823 : f32
      %slice3A_825 = vector.extract_strided_slice %select_n3A_807 {offsets = [6], sizes = [1], strides = [1]} : vector<16xf32> to vector<1xf32>
      %squeeze3A_826 = vector.extract %slice3A_825[0] : f32 from vector<1xf32>
      %add3A_827 = arith.addf %add3A_824, %squeeze3A_826 : f32
      %slice3A_828 = vector.extract_strided_slice %select_n3A_807 {offsets = [7], sizes = [1], strides = [1]} : vector<16xf32> to vector<1xf32>
      %squeeze3A_829 = vector.extract %slice3A_828[0] : f32 from vector<1xf32>
      %add3A_830 = arith.addf %add3A_827, %squeeze3A_829 : f32
      %slice3A_831 = vector.extract_strided_slice %select_n3A_807 {offsets = [8], sizes = [1], strides = [1]} : vector<16xf32> to vector<1xf32>
      %squeeze3A_832 = vector.extract %slice3A_831[0] : f32 from vector<1xf32>
      %add3A_833 = arith.addf %add3A_830, %squeeze3A_832 : f32
      %slice3A_834 = vector.extract_strided_slice %select_n3A_807 {offsets = [9], sizes = [1], strides = [1]} : vector<16xf32> to vector<1xf32>
      %squeeze3A_835 = vector.extract %slice3A_834[0] : f32 from vector<1xf32>
      %add3A_836 = arith.addf %add3A_833, %squeeze3A_835 : f32
      %slice3A_837 = vector.extract_strided_slice %select_n3A_807 {offsets = [10], sizes = [1], strides = [1]} : vector<16xf32> to vector<1xf32>
      %squeeze3A_838 = vector.extract %slice3A_837[0] : f32 from vector<1xf32>
      %add3A_839 = arith.addf %add3A_836, %squeeze3A_838 : f32
      %slice3A_840 = vector.extract_strided_slice %select_n3A_807 {offsets = [11], sizes = [1], strides = [1]} : vector<16xf32> to vector<1xf32>
      %squeeze3A_841 = vector.extract %slice3A_840[0] : f32 from vector<1xf32>
      %add3A_842 = arith.addf %add3A_839, %squeeze3A_841 : f32
      %slice3A_843 = vector.extract_strided_slice %select_n3A_807 {offsets = [12], sizes = [1], strides = [1]} : vector<16xf32> to vector<1xf32>
      %squeeze3A_844 = vector.extract %slice3A_843[0] : f32 from vector<1xf32>
      %add3A_845 = arith.addf %add3A_842, %squeeze3A_844 : f32
      %slice3A_846 = vector.extract_strided_slice %select_n3A_807 {offsets = [13], sizes = [1], strides = [1]} : vector<16xf32> to vector<1xf32>
      %squeeze3A_847 = vector.extract %slice3A_846[0] : f32 from vector<1xf32>
      %add3A_848 = arith.addf %add3A_845, %squeeze3A_847 : f32
      %slice3A_849 = vector.extract_strided_slice %select_n3A_807 {offsets = [14], sizes = [1], strides = [1]} : vector<16xf32> to vector<1xf32>
      %squeeze3A_850 = vector.extract %slice3A_849[0] : f32 from vector<1xf32>
      %add3A_851 = arith.addf %add3A_848, %squeeze3A_850 : f32
      %slice3A_852 = vector.extract_strided_slice %select_n3A_807 {offsets = [15], sizes = [1], strides = [1]} : vector<16xf32> to vector<1xf32>
      %squeeze3A_853 = vector.extract %slice3A_852[0] : f32 from vector<1xf32>
      %add3A_854 = arith.addf %add3A_851, %squeeze3A_853 : f32
      %sub3A_855 = arith.subf %sub3A_731, %add3A_854 : f32
      %shift_left3A_856 = arith.constant 21 : i32
      %shift_left3A_857 = arith.shli %add3A_497, %shift_left3A_856 : i32
      %shift_left3A_858 = arith.constant 11 : i32
      %shift_left3A_859 = arith.shli %add3A_650, %shift_left3A_858 : i32
      %or3A_860 = arith.ori %shift_left3A_857, %shift_left3A_859 : i32
      %or3A_861 = arith.ori %or3A_860, %add3A_804 : i32
      %parallel_loop3A_862 = arith.constant 0 : i32
      %parallel_loop3A_863 = arith.constant 65536 : i32
      %parallel_loop3A_864 = arith.constant 16 : i32
      %parallel_loop3A_865 = arith.constant 1.17647064 : f32
      scf.for %parallel_loop3A_1205 = %parallel_loop3A_862 to %parallel_loop3A_863 step %parallel_loop3A_864  : i32 {
        %parallel_loop3A_1206 = arith.index_cast %parallel_loop3A_1205 : i32 to index
        %parallel_loop3A_1207 = tpu.vector_load %arg6[%parallel_loop3A_1206] {strides = array<i32>} : memref<65536xf32, #tpu.memory_space<vmem>>, vector<16xf32>,
        %parallel_loop3A_1208 = tpu.bitcast %parallel_loop3A_1207 : vector<16xf32> -> vector<16xi32>
        %parallel_loop3A_1209 = arith.constant -2147483648 : i32
        %parallel_loop3A_1210 = vector.broadcast %parallel_loop3A_1209 : i32 to vector<16xi32>
        %parallel_loop3A_1211 = arith.ori %parallel_loop3A_1208, %parallel_loop3A_1210 : vector<16xi32>
        %parallel_loop3A_1212 = arith.constant -1 : i32
        %parallel_loop3A_1213 = vector.broadcast %parallel_loop3A_1212 : i32 to vector<16xi32>
        %parallel_loop3A_1214 = arith.xori %parallel_loop3A_1211, %parallel_loop3A_1213 : vector<16xi32>
        %parallel_loop3A_1215 = vector.broadcast %or3A_861 : i32 to vector<16xi32>
        %parallel_loop3A_1216 = arith.cmpi sge, %parallel_loop3A_1214, %parallel_loop3A_1215 : vector<16xi32>
        %parallel_loop3A_1217 = vector.broadcast %parallel_loop3A_865 : f32 to vector<16xf32>
        %parallel_loop3A_1218 = arith.mulf %parallel_loop3A_1207, %parallel_loop3A_1217 : vector<16xf32>
        %parallel_loop3A_1219 = math.exp %parallel_loop3A_1218 : vector<16xf32>
        %parallel_loop3A_1220 = arith.constant 0.000000e+00 : f32
        %parallel_loop3A_1221 = vector.broadcast %parallel_loop3A_1220 : f32 to vector<16xf32>
        %parallel_loop3A_1222 = arith.select %parallel_loop3A_1216, %parallel_loop3A_1219, %parallel_loop3A_1221 : vector<16xi1>, vector<16xf32>
        %parallel_loop3A_1223 = arith.index_cast %parallel_loop3A_1205 : i32 to index
        %parallel_loop3A_1224 = tpu.vector_load %arg6[%parallel_loop3A_1223] {strides = array<i32>} : memref<65536xf32, #tpu.memory_space<vmem>>, vector<16xf32>,
        tpu.vector_store %arg6[%parallel_loop3A_1223], %parallel_loop3A_1222 {strides = array<i32>} : memref<65536xf32, #tpu.memory_space<vmem>>, vector<16xf32>,
      } {sc.loop_unroll_factor = 8 : i64, sc.parallel_access}
      "tpu.region"() ({
        %run_scoped3A = tpu.sem_alloc : memref<!tpu.dma_semaphore, #tpu.memory_space<semaphore_mem>>
        %dma_start3A_1205 = arith.constant 0 : i32
        %dma_start3A_1206 = tpu.memref_slice %arg5[%add3A, %dma_start3A_1205] : memref<8x65536xf32, #tpu.memory_space<hbm>> -> memref<1x65536xf32, #tpu.memory_space<hbm>>
        %dma_start3A_1207 = tpu.memref_squeeze %dma_start3A_1206 : memref<1x65536xf32, #tpu.memory_space<hbm>> -> memref<65536xf32, #tpu.memory_space<hbm>>
        %dma_start3A_1208 = arith.constant 0 : i32
        %dma_start3A_1209 = tpu.memref_slice %arg5[%add3A, %dma_start3A_1208] : memref<8x65536xf32, #tpu.memory_space<hbm>> -> memref<1x65536xf32, #tpu.memory_space<hbm>>
        %dma_start3A_1210 = tpu.memref_squeeze %dma_start3A_1209 : memref<1x65536xf32, #tpu.memory_space<hbm>> -> memref<65536xf32, #tpu.memory_space<hbm>>
        tpu.enqueue_dma source(%arg6 : memref<65536xf32, #tpu.memory_space<vmem>>) target(%dma_start3A_1210 : memref<65536xf32, #tpu.memory_space<hbm>>) target_semaphore(%run_scoped3A : memref<!tpu.dma_semaphore, #tpu.memory_space<semaphore_mem>>)
        %dma_wait3A_1211 = arith.constant 0 : i32
        %dma_wait3A_1212 = tpu.memref_slice %arg5[%add3A, %dma_wait3A_1211] : memref<8x65536xf32, #tpu.memory_space<hbm>> -> memref<1x65536xf32, #tpu.memory_space<hbm>>
        %dma_wait3A_1213 = tpu.memref_squeeze %dma_wait3A_1212 : memref<1x65536xf32, #tpu.memory_space<hbm>> -> memref<65536xf32, #tpu.memory_space<hbm>>
        %dma_wait3A_1214 = arith.constant 0 : i32
        %dma_wait3A_1215 = tpu.memref_slice %arg5[%add3A, %dma_wait3A_1214] : memref<8x65536xf32, #tpu.memory_space<hbm>> -> memref<1x65536xf32, #tpu.memory_space<hbm>>
        %dma_wait3A_1216 = tpu.memref_squeeze %dma_wait3A_1215 : memref<1x65536xf32, #tpu.memory_space<hbm>> -> memref<65536xf32, #tpu.memory_space<hbm>>
        tpu.wait_dma2 semaphore(%run_scoped3A : memref<!tpu.dma_semaphore, #tpu.memory_space<semaphore_mem>>) src(%arg6 : memref<65536xf32, #tpu.memory_space<vmem>>) dst(%dma_wait3A_1216 : memref<65536xf32, #tpu.memory_space<hbm>>)
        tpu.yield
      }) : () -> ()
      "tpu.region"() ({
        %run_scoped3A = tpu.sem_alloc : memref<!tpu.dma_semaphore, #tpu.memory_space<semaphore_mem>>
        %dma_start3A_1205 = arith.constant 151552 : i32
        %dma_start3A_1206 = tpu.memref_slice %arg4[%add3A, %dma_start3A_1205] : memref<8x1000000xf32, #tpu.memory_space<hbm>> -> memref<1x65536xf32, #tpu.memory_space<hbm>>
        %dma_start3A_1207 = tpu.memref_squeeze %dma_start3A_1206 : memref<1x65536xf32, #tpu.memory_space<hbm>> -> memref<65536xf32, #tpu.memory_space<hbm>>
        %dma_start3A_1208 = arith.constant 151552 : i32
        %dma_start3A_1209 = tpu.memref_slice %arg4[%add3A, %dma_start3A_1208] : memref<8x1000000xf32, #tpu.memory_space<hbm>> -> memref<1x65536xf32, #tpu.memory_space<hbm>>
        %dma_start3A_1210 = tpu.memref_squeeze %dma_start3A_1209 : memref<1x65536xf32, #tpu.memory_space<hbm>> -> memref<65536xf32, #tpu.memory_space<hbm>>
        tpu.enqueue_dma source(%arg6 : memref<65536xf32, #tpu.memory_space<vmem>>) target(%dma_start3A_1210 : memref<65536xf32, #tpu.memory_space<hbm>>) target_semaphore(%run_scoped3A : memref<!tpu.dma_semaphore, #tpu.memory_space<semaphore_mem>>)
        %dma_wait3A_1211 = arith.constant 151552 : i32
        %dma_wait3A_1212 = tpu.memref_slice %arg4[%add3A, %dma_wait3A_1211] : memref<8x1000000xf32, #tpu.memory_space<hbm>> -> memref<1x65536xf32, #tpu.memory_space<hbm>>
        %dma_wait3A_1213 = tpu.memref_squeeze %dma_wait3A_1212 : memref<1x65536xf32, #tpu.memory_space<hbm>> -> memref<65536xf32, #tpu.memory_space<hbm>>
        %dma_wait3A_1214 = arith.constant 151552 : i32
        %dma_wait3A_1215 = tpu.memref_slice %arg4[%add3A, %dma_wait3A_1214] : memref<8x1000000xf32, #tpu.memory_space<hbm>> -> memref<1x65536xf32, #tpu.memory_space<hbm>>
        %dma_wait3A_1216 = tpu.memref_squeeze %dma_wait3A_1215 : memref<1x65536xf32, #tpu.memory_space<hbm>> -> memref<65536xf32, #tpu.memory_space<hbm>>
        tpu.wait_dma2 semaphore(%run_scoped3A : memref<!tpu.dma_semaphore, #tpu.memory_space<semaphore_mem>>) src(%arg6 : memref<65536xf32, #tpu.memory_space<vmem>>) dst(%dma_wait3A_1216 : memref<65536xf32, #tpu.memory_space<hbm>>)
        tpu.yield
      }) : () -> ()
      %dma_wait3A = arith.constant 0 : i32
      %dma_wait3A_866 = tpu.memref_slice %arg8[%dma_wait3A] : memref<28672xf32, #tpu.memory_space<vmem>> -> memref<28672xf32, #tpu.memory_space<vmem>>
      %dma_wait3A_867 = arith.constant 0 : i32
      %dma_wait3A_868 = tpu.memref_slice %arg4[%add3A, %dma_wait3A_867] : memref<8x1000000xf32, #tpu.memory_space<hbm>> -> memref<1x28672xf32, #tpu.memory_space<hbm>>
      %dma_wait3A_869 = tpu.memref_squeeze %dma_wait3A_868 : memref<1x28672xf32, #tpu.memory_space<hbm>> -> memref<28672xf32, #tpu.memory_space<hbm>>
      %dma_wait3A_870 = arith.constant 0 : i32
      %dma_wait3A_871 = tpu.memref_slice %arg4[%add3A, %dma_wait3A_870] : memref<8x1000000xf32, #tpu.memory_space<hbm>> -> memref<1x28672xf32, #tpu.memory_space<hbm>>
      %dma_wait3A_872 = tpu.memref_squeeze %dma_wait3A_871 : memref<1x28672xf32, #tpu.memory_space<hbm>> -> memref<28672xf32, #tpu.memory_space<hbm>>
      %dma_wait3A_873 = arith.constant 0 : i32
      %dma_wait3A_874 = tpu.memref_slice %arg8[%dma_wait3A_873] : memref<28672xf32, #tpu.memory_space<vmem>> -> memref<28672xf32, #tpu.memory_space<vmem>>
      tpu.wait_dma2 semaphore(%arg11 : memref<!tpu.dma_semaphore, #tpu.memory_space<semaphore_mem>>) src(%dma_wait3A_874 : memref<28672xf32, #tpu.memory_space<vmem>>) dst(%dma_wait3A_872 : memref<28672xf32, #tpu.memory_space<hbm>>)
      %dma_wait3A_875 = arith.constant 0 : i32
      %dma_wait3A_876 = tpu.memref_slice %arg8[%dma_wait3A_875] : memref<28672xf32, #tpu.memory_space<vmem>> -> memref<28672xf32, #tpu.memory_space<vmem>>
      %dma_wait3A_877 = arith.constant 28672 : i32
      %dma_wait3A_878 = tpu.memref_slice %arg4[%add3A, %dma_wait3A_877] : memref<8x1000000xf32, #tpu.memory_space<hbm>> -> memref<1x28672xf32, #tpu.memory_space<hbm>>
      %dma_wait3A_879 = tpu.memref_squeeze %dma_wait3A_878 : memref<1x28672xf32, #tpu.memory_space<hbm>> -> memref<28672xf32, #tpu.memory_space<hbm>>
      %dma_wait3A_880 = arith.constant 28672 : i32
      %dma_wait3A_881 = tpu.memref_slice %arg4[%add3A, %dma_wait3A_880] : memref<8x1000000xf32, #tpu.memory_space<hbm>> -> memref<1x28672xf32, #tpu.memory_space<hbm>>
      %dma_wait3A_882 = tpu.memref_squeeze %dma_wait3A_881 : memref<1x28672xf32, #tpu.memory_space<hbm>> -> memref<28672xf32, #tpu.memory_space<hbm>>
      %dma_wait3A_883 = arith.constant 0 : i32
      %dma_wait3A_884 = tpu.memref_slice %arg8[%dma_wait3A_883] : memref<28672xf32, #tpu.memory_space<vmem>> -> memref<28672xf32, #tpu.memory_space<vmem>>
      tpu.wait_dma2 semaphore(%arg11 : memref<!tpu.dma_semaphore, #tpu.memory_space<semaphore_mem>>) src(%dma_wait3A_884 : memref<28672xf32, #tpu.memory_space<vmem>>) dst(%dma_wait3A_882 : memref<28672xf32, #tpu.memory_space<hbm>>)
      %dma_wait3A_885 = arith.constant 0 : i32
      %dma_wait3A_886 = tpu.memref_slice %arg8[%dma_wait3A_885] : memref<28672xf32, #tpu.memory_space<vmem>> -> memref<28672xf32, #tpu.memory_space<vmem>>
      %dma_wait3A_887 = arith.constant 57344 : i32
      %dma_wait3A_888 = tpu.memref_slice %arg4[%add3A, %dma_wait3A_887] : memref<8x1000000xf32, #tpu.memory_space<hbm>> -> memref<1x28672xf32, #tpu.memory_space<hbm>>
      %dma_wait3A_889 = tpu.memref_squeeze %dma_wait3A_888 : memref<1x28672xf32, #tpu.memory_space<hbm>> -> memref<28672xf32, #tpu.memory_space<hbm>>
      %dma_wait3A_890 = arith.constant 57344 : i32
      %dma_wait3A_891 = tpu.memref_slice %arg4[%add3A, %dma_wait3A_890] : memref<8x1000000xf32, #tpu.memory_space<hbm>> -> memref<1x28672xf32, #tpu.memory_space<hbm>>
      %dma_wait3A_892 = tpu.memref_squeeze %dma_wait3A_891 : memref<1x28672xf32, #tpu.memory_space<hbm>> -> memref<28672xf32, #tpu.memory_space<hbm>>
      %dma_wait3A_893 = arith.constant 0 : i32
      %dma_wait3A_894 = tpu.memref_slice %arg8[%dma_wait3A_893] : memref<28672xf32, #tpu.memory_space<vmem>> -> memref<28672xf32, #tpu.memory_space<vmem>>
      tpu.wait_dma2 semaphore(%arg11 : memref<!tpu.dma_semaphore, #tpu.memory_space<semaphore_mem>>) src(%dma_wait3A_894 : memref<28672xf32, #tpu.memory_space<vmem>>) dst(%dma_wait3A_892 : memref<28672xf32, #tpu.memory_space<hbm>>)
      %dma_wait3A_895 = arith.constant 0 : i32
      %dma_wait3A_896 = tpu.memref_slice %arg8[%dma_wait3A_895] : memref<28672xf32, #tpu.memory_space<vmem>> -> memref<28672xf32, #tpu.memory_space<vmem>>
      %dma_wait3A_897 = arith.constant 86016 : i32
      %dma_wait3A_898 = tpu.memref_slice %arg4[%add3A, %dma_wait3A_897] : memref<8x1000000xf32, #tpu.memory_space<hbm>> -> memref<1x28672xf32, #tpu.memory_space<hbm>>
      %dma_wait3A_899 = tpu.memref_squeeze %dma_wait3A_898 : memref<1x28672xf32, #tpu.memory_space<hbm>> -> memref<28672xf32, #tpu.memory_space<hbm>>
      %dma_wait3A_900 = arith.constant 86016 : i32
      %dma_wait3A_901 = tpu.memref_slice %arg4[%add3A, %dma_wait3A_900] : memref<8x1000000xf32, #tpu.memory_space<hbm>> -> memref<1x28672xf32, #tpu.memory_space<hbm>>
      %dma_wait3A_902 = tpu.memref_squeeze %dma_wait3A_901 : memref<1x28672xf32, #tpu.memory_space<hbm>> -> memref<28672xf32, #tpu.memory_space<hbm>>
      %dma_wait3A_903 = arith.constant 0 : i32
      %dma_wait3A_904 = tpu.memref_slice %arg8[%dma_wait3A_903] : memref<28672xf32, #tpu.memory_space<vmem>> -> memref<28672xf32, #tpu.memory_space<vmem>>
      tpu.wait_dma2 semaphore(%arg11 : memref<!tpu.dma_semaphore, #tpu.memory_space<semaphore_mem>>) src(%dma_wait3A_904 : memref<28672xf32, #tpu.memory_space<vmem>>) dst(%dma_wait3A_902 : memref<28672xf32, #tpu.memory_space<hbm>>)
      %dma_wait3A_905 = arith.constant 0 : i32
      %dma_wait3A_906 = tpu.memref_slice %arg8[%dma_wait3A_905] : memref<28672xf32, #tpu.memory_space<vmem>> -> memref<28672xf32, #tpu.memory_space<vmem>>
      %dma_wait3A_907 = arith.constant 114688 : i32
      %dma_wait3A_908 = tpu.memref_slice %arg4[%add3A, %dma_wait3A_907] : memref<8x1000000xf32, #tpu.memory_space<hbm>> -> memref<1x28672xf32, #tpu.memory_space<hbm>>
      %dma_wait3A_909 = tpu.memref_squeeze %dma_wait3A_908 : memref<1x28672xf32, #tpu.memory_space<hbm>> -> memref<28672xf32, #tpu.memory_space<hbm>>
      %dma_wait3A_910 = arith.constant 114688 : i32
      %dma_wait3A_911 = tpu.memref_slice %arg4[%add3A, %dma_wait3A_910] : memref<8x1000000xf32, #tpu.memory_space<hbm>> -> memref<1x28672xf32, #tpu.memory_space<hbm>>
      %dma_wait3A_912 = tpu.memref_squeeze %dma_wait3A_911 : memref<1x28672xf32, #tpu.memory_space<hbm>> -> memref<28672xf32, #tpu.memory_space<hbm>>
      %dma_wait3A_913 = arith.constant 0 : i32
      %dma_wait3A_914 = tpu.memref_slice %arg8[%dma_wait3A_913] : memref<28672xf32, #tpu.memory_space<vmem>> -> memref<28672xf32, #tpu.memory_space<vmem>>
      tpu.wait_dma2 semaphore(%arg11 : memref<!tpu.dma_semaphore, #tpu.memory_space<semaphore_mem>>) src(%dma_wait3A_914 : memref<28672xf32, #tpu.memory_space<vmem>>) dst(%dma_wait3A_912 : memref<28672xf32, #tpu.memory_space<hbm>>)
      %dma_wait3A_915 = arith.constant 0 : i32
      %dma_wait3A_916 = tpu.memref_slice %arg8[%dma_wait3A_915] : memref<28672xf32, #tpu.memory_space<vmem>> -> memref<8192xf32, #tpu.memory_space<vmem>>
      %dma_wait3A_917 = arith.constant 143360 : i32
      %dma_wait3A_918 = tpu.memref_slice %arg4[%add3A, %dma_wait3A_917] : memref<8x1000000xf32, #tpu.memory_space<hbm>> -> memref<1x8192xf32, #tpu.memory_space<hbm>>
      %dma_wait3A_919 = tpu.memref_squeeze %dma_wait3A_918 : memref<1x8192xf32, #tpu.memory_space<hbm>> -> memref<8192xf32, #tpu.memory_space<hbm>>
      %dma_wait3A_920 = arith.constant 143360 : i32
      %dma_wait3A_921 = tpu.memref_slice %arg4[%add3A, %dma_wait3A_920] : memref<8x1000000xf32, #tpu.memory_space<hbm>> -> memref<1x8192xf32, #tpu.memory_space<hbm>>
      %dma_wait3A_922 = tpu.memref_squeeze %dma_wait3A_921 : memref<1x8192xf32, #tpu.memory_space<hbm>> -> memref<8192xf32, #tpu.memory_space<hbm>>
      %dma_wait3A_923 = arith.constant 0 : i32
      %dma_wait3A_924 = tpu.memref_slice %arg8[%dma_wait3A_923] : memref<28672xf32, #tpu.memory_space<vmem>> -> memref<8192xf32, #tpu.memory_space<vmem>>
      tpu.wait_dma2 semaphore(%arg11 : memref<!tpu.dma_semaphore, #tpu.memory_space<semaphore_mem>>) src(%dma_wait3A_924 : memref<8192xf32, #tpu.memory_space<vmem>>) dst(%dma_wait3A_922 : memref<8192xf32, #tpu.memory_space<hbm>>)
      %dma_wait3A_925 = arith.constant 0 : i32
      %dma_wait3A_926 = tpu.memref_slice %arg8[%dma_wait3A_925] : memref<28672xf32, #tpu.memory_space<vmem>> -> memref<28672xf32, #tpu.memory_space<vmem>>
      %dma_wait3A_927 = arith.constant 217088 : i32
      %dma_wait3A_928 = tpu.memref_slice %arg4[%add3A, %dma_wait3A_927] : memref<8x1000000xf32, #tpu.memory_space<hbm>> -> memref<1x28672xf32, #tpu.memory_space<hbm>>
      %dma_wait3A_929 = tpu.memref_squeeze %dma_wait3A_928 : memref<1x28672xf32, #tpu.memory_space<hbm>> -> memref<28672xf32, #tpu.memory_space<hbm>>
      %dma_wait3A_930 = arith.constant 217088 : i32
      %dma_wait3A_931 = tpu.memref_slice %arg4[%add3A, %dma_wait3A_930] : memref<8x1000000xf32, #tpu.memory_space<hbm>> -> memref<1x28672xf32, #tpu.memory_space<hbm>>
      %dma_wait3A_932 = tpu.memref_squeeze %dma_wait3A_931 : memref<1x28672xf32, #tpu.memory_space<hbm>> -> memref<28672xf32, #tpu.memory_space<hbm>>
      %dma_wait3A_933 = arith.constant 0 : i32
      %dma_wait3A_934 = tpu.memref_slice %arg8[%dma_wait3A_933] : memref<28672xf32, #tpu.memory_space<vmem>> -> memref<28672xf32, #tpu.memory_space<vmem>>
      tpu.wait_dma2 semaphore(%arg11 : memref<!tpu.dma_semaphore, #tpu.memory_space<semaphore_mem>>) src(%dma_wait3A_934 : memref<28672xf32, #tpu.memory_space<vmem>>) dst(%dma_wait3A_932 : memref<28672xf32, #tpu.memory_space<hbm>>)
      %dma_wait3A_935 = arith.constant 0 : i32
      %dma_wait3A_936 = tpu.memref_slice %arg8[%dma_wait3A_935] : memref<28672xf32, #tpu.memory_space<vmem>> -> memref<28672xf32, #tpu.memory_space<vmem>>
      %dma_wait3A_937 = arith.constant 245760 : i32
      %dma_wait3A_938 = tpu.memref_slice %arg4[%add3A, %dma_wait3A_937] : memref<8x1000000xf32, #tpu.memory_space<hbm>> -> memref<1x28672xf32, #tpu.memory_space<hbm>>
      %dma_wait3A_939 = tpu.memref_squeeze %dma_wait3A_938 : memref<1x28672xf32, #tpu.memory_space<hbm>> -> memref<28672xf32, #tpu.memory_space<hbm>>
      %dma_wait3A_940 = arith.constant 245760 : i32
      %dma_wait3A_941 = tpu.memref_slice %arg4[%add3A, %dma_wait3A_940] : memref<8x1000000xf32, #tpu.memory_space<hbm>> -> memref<1x28672xf32, #tpu.memory_space<hbm>>
      %dma_wait3A_942 = tpu.memref_squeeze %dma_wait3A_941 : memref<1x28672xf32, #tpu.memory_space<hbm>> -> memref<28672xf32, #tpu.memory_space<hbm>>
      %dma_wait3A_943 = arith.constant 0 : i32
      %dma_wait3A_944 = tpu.memref_slice %arg8[%dma_wait3A_943] : memref<28672xf32, #tpu.memory_space<vmem>> -> memref<28672xf32, #tpu.memory_space<vmem>>
      tpu.wait_dma2 semaphore(%arg11 : memref<!tpu.dma_semaphore, #tpu.memory_space<semaphore_mem>>) src(%dma_wait3A_944 : memref<28672xf32, #tpu.memory_space<vmem>>) dst(%dma_wait3A_942 : memref<28672xf32, #tpu.memory_space<hbm>>)
      %dma_wait3A_945 = arith.constant 0 : i32
      %dma_wait3A_946 = tpu.memref_slice %arg8[%dma_wait3A_945] : memref<28672xf32, #tpu.memory_space<vmem>> -> memref<28672xf32, #tpu.memory_space<vmem>>
      %dma_wait3A_947 = arith.constant 274432 : i32
      %dma_wait3A_948 = tpu.memref_slice %arg4[%add3A, %dma_wait3A_947] : memref<8x1000000xf32, #tpu.memory_space<hbm>> -> memref<1x28672xf32, #tpu.memory_space<hbm>>
      %dma_wait3A_949 = tpu.memref_squeeze %dma_wait3A_948 : memref<1x28672xf32, #tpu.memory_space<hbm>> -> memref<28672xf32, #tpu.memory_space<hbm>>
      %dma_wait3A_950 = arith.constant 274432 : i32
      %dma_wait3A_951 = tpu.memref_slice %arg4[%add3A, %dma_wait3A_950] : memref<8x1000000xf32, #tpu.memory_space<hbm>> -> memref<1x28672xf32, #tpu.memory_space<hbm>>
      %dma_wait3A_952 = tpu.memref_squeeze %dma_wait3A_951 : memref<1x28672xf32, #tpu.memory_space<hbm>> -> memref<28672xf32, #tpu.memory_space<hbm>>
      %dma_wait3A_953 = arith.constant 0 : i32
      %dma_wait3A_954 = tpu.memref_slice %arg8[%dma_wait3A_953] : memref<28672xf32, #tpu.memory_space<vmem>> -> memref<28672xf32, #tpu.memory_space<vmem>>
      tpu.wait_dma2 semaphore(%arg11 : memref<!tpu.dma_semaphore, #tpu.memory_space<semaphore_mem>>) src(%dma_wait3A_954 : memref<28672xf32, #tpu.memory_space<vmem>>) dst(%dma_wait3A_952 : memref<28672xf32, #tpu.memory_space<hbm>>)
      %dma_wait3A_955 = arith.constant 0 : i32
      %dma_wait3A_956 = tpu.memref_slice %arg8[%dma_wait3A_955] : memref<28672xf32, #tpu.memory_space<vmem>> -> memref<28672xf32, #tpu.memory_space<vmem>>
      %dma_wait3A_957 = arith.constant 303104 : i32
      %dma_wait3A_958 = tpu.memref_slice %arg4[%add3A, %dma_wait3A_957] : memref<8x1000000xf32, #tpu.memory_space<hbm>> -> memref<1x28672xf32, #tpu.memory_space<hbm>>
      %dma_wait3A_959 = tpu.memref_squeeze %dma_wait3A_958 : memref<1x28672xf32, #tpu.memory_space<hbm>> -> memref<28672xf32, #tpu.memory_space<hbm>>
      %dma_wait3A_960 = arith.constant 303104 : i32
      %dma_wait3A_961 = tpu.memref_slice %arg4[%add3A, %dma_wait3A_960] : memref<8x1000000xf32, #tpu.memory_space<hbm>> -> memref<1x28672xf32, #tpu.memory_space<hbm>>
      %dma_wait3A_962 = tpu.memref_squeeze %dma_wait3A_961 : memref<1x28672xf32, #tpu.memory_space<hbm>> -> memref<28672xf32, #tpu.memory_space<hbm>>
      %dma_wait3A_963 = arith.constant 0 : i32
      %dma_wait3A_964 = tpu.memref_slice %arg8[%dma_wait3A_963] : memref<28672xf32, #tpu.memory_space<vmem>> -> memref<28672xf32, #tpu.memory_space<vmem>>
      tpu.wait_dma2 semaphore(%arg11 : memref<!tpu.dma_semaphore, #tpu.memory_space<semaphore_mem>>) src(%dma_wait3A_964 : memref<28672xf32, #tpu.memory_space<vmem>>) dst(%dma_wait3A_962 : memref<28672xf32, #tpu.memory_space<hbm>>)
      %dma_wait3A_965 = arith.constant 0 : i32
      %dma_wait3A_966 = tpu.memref_slice %arg8[%dma_wait3A_965] : memref<28672xf32, #tpu.memory_space<vmem>> -> memref<28672xf32, #tpu.memory_space<vmem>>
      %dma_wait3A_967 = arith.constant 331776 : i32
      %dma_wait3A_968 = tpu.memref_slice %arg4[%add3A, %dma_wait3A_967] : memref<8x1000000xf32, #tpu.memory_space<hbm>> -> memref<1x28672xf32, #tpu.memory_space<hbm>>
      %dma_wait3A_969 = tpu.memref_squeeze %dma_wait3A_968 : memref<1x28672xf32, #tpu.memory_space<hbm>> -> memref<28672xf32, #tpu.memory_space<hbm>>
      %dma_wait3A_970 = arith.constant 331776 : i32
      %dma_wait3A_971 = tpu.memref_slice %arg4[%add3A, %dma_wait3A_970] : memref<8x1000000xf32, #tpu.memory_space<hbm>> -> memref<1x28672xf32, #tpu.memory_space<hbm>>
      %dma_wait3A_972 = tpu.memref_squeeze %dma_wait3A_971 : memref<1x28672xf32, #tpu.memory_space<hbm>> -> memref<28672xf32, #tpu.memory_space<hbm>>
      %dma_wait3A_973 = arith.constant 0 : i32
      %dma_wait3A_974 = tpu.memref_slice %arg8[%dma_wait3A_973] : memref<28672xf32, #tpu.memory_space<vmem>> -> memref<28672xf32, #tpu.memory_space<vmem>>
      tpu.wait_dma2 semaphore(%arg11 : memref<!tpu.dma_semaphore, #tpu.memory_space<semaphore_mem>>) src(%dma_wait3A_974 : memref<28672xf32, #tpu.memory_space<vmem>>) dst(%dma_wait3A_972 : memref<28672xf32, #tpu.memory_space<hbm>>)
      %dma_wait3A_975 = arith.constant 0 : i32
      %dma_wait3A_976 = tpu.memref_slice %arg8[%dma_wait3A_975] : memref<28672xf32, #tpu.memory_space<vmem>> -> memref<28672xf32, #tpu.memory_space<vmem>>
      %dma_wait3A_977 = arith.constant 360448 : i32
      %dma_wait3A_978 = tpu.memref_slice %arg4[%add3A, %dma_wait3A_977] : memref<8x1000000xf32, #tpu.memory_space<hbm>> -> memref<1x28672xf32, #tpu.memory_space<hbm>>
      %dma_wait3A_979 = tpu.memref_squeeze %dma_wait3A_978 : memref<1x28672xf32, #tpu.memory_space<hbm>> -> memref<28672xf32, #tpu.memory_space<hbm>>
      %dma_wait3A_980 = arith.constant 360448 : i32
      %dma_wait3A_981 = tpu.memref_slice %arg4[%add3A, %dma_wait3A_980] : memref<8x1000000xf32, #tpu.memory_space<hbm>> -> memref<1x28672xf32, #tpu.memory_space<hbm>>
      %dma_wait3A_982 = tpu.memref_squeeze %dma_wait3A_981 : memref<1x28672xf32, #tpu.memory_space<hbm>> -> memref<28672xf32, #tpu.memory_space<hbm>>
      %dma_wait3A_983 = arith.constant 0 : i32
      %dma_wait3A_984 = tpu.memref_slice %arg8[%dma_wait3A_983] : memref<28672xf32, #tpu.memory_space<vmem>> -> memref<28672xf32, #tpu.memory_space<vmem>>
      tpu.wait_dma2 semaphore(%arg11 : memref<!tpu.dma_semaphore, #tpu.memory_space<semaphore_mem>>) src(%dma_wait3A_984 : memref<28672xf32, #tpu.memory_space<vmem>>) dst(%dma_wait3A_982 : memref<28672xf32, #tpu.memory_space<hbm>>)
      %dma_wait3A_985 = arith.constant 0 : i32
      %dma_wait3A_986 = tpu.memref_slice %arg8[%dma_wait3A_985] : memref<28672xf32, #tpu.memory_space<vmem>> -> memref<28672xf32, #tpu.memory_space<vmem>>
      %dma_wait3A_987 = arith.constant 389120 : i32
      %dma_wait3A_988 = tpu.memref_slice %arg4[%add3A, %dma_wait3A_987] : memref<8x1000000xf32, #tpu.memory_space<hbm>> -> memref<1x28672xf32, #tpu.memory_space<hbm>>
      %dma_wait3A_989 = tpu.memref_squeeze %dma_wait3A_988 : memref<1x28672xf32, #tpu.memory_space<hbm>> -> memref<28672xf32, #tpu.memory_space<hbm>>
      %dma_wait3A_990 = arith.constant 389120 : i32
      %dma_wait3A_991 = tpu.memref_slice %arg4[%add3A, %dma_wait3A_990] : memref<8x1000000xf32, #tpu.memory_space<hbm>> -> memref<1x28672xf32, #tpu.memory_space<hbm>>
      %dma_wait3A_992 = tpu.memref_squeeze %dma_wait3A_991 : memref<1x28672xf32, #tpu.memory_space<hbm>> -> memref<28672xf32, #tpu.memory_space<hbm>>
      %dma_wait3A_993 = arith.constant 0 : i32
      %dma_wait3A_994 = tpu.memref_slice %arg8[%dma_wait3A_993] : memref<28672xf32, #tpu.memory_space<vmem>> -> memref<28672xf32, #tpu.memory_space<vmem>>
      tpu.wait_dma2 semaphore(%arg11 : memref<!tpu.dma_semaphore, #tpu.memory_space<semaphore_mem>>) src(%dma_wait3A_994 : memref<28672xf32, #tpu.memory_space<vmem>>) dst(%dma_wait3A_992 : memref<28672xf32, #tpu.memory_space<hbm>>)
      %dma_wait3A_995 = arith.constant 0 : i32
      %dma_wait3A_996 = tpu.memref_slice %arg8[%dma_wait3A_995] : memref<28672xf32, #tpu.memory_space<vmem>> -> memref<28672xf32, #tpu.memory_space<vmem>>
      %dma_wait3A_997 = arith.constant 417792 : i32
      %dma_wait3A_998 = tpu.memref_slice %arg4[%add3A, %dma_wait3A_997] : memref<8x1000000xf32, #tpu.memory_space<hbm>> -> memref<1x28672xf32, #tpu.memory_space<hbm>>
      %dma_wait3A_999 = tpu.memref_squeeze %dma_wait3A_998 : memref<1x28672xf32, #tpu.memory_space<hbm>> -> memref<28672xf32, #tpu.memory_space<hbm>>
      %dma_wait3A_1000 = arith.constant 417792 : i32
      %dma_wait3A_1001 = tpu.memref_slice %arg4[%add3A, %dma_wait3A_1000] : memref<8x1000000xf32, #tpu.memory_space<hbm>> -> memref<1x28672xf32, #tpu.memory_space<hbm>>
      %dma_wait3A_1002 = tpu.memref_squeeze %dma_wait3A_1001 : memref<1x28672xf32, #tpu.memory_space<hbm>> -> memref<28672xf32, #tpu.memory_space<hbm>>
      %dma_wait3A_1003 = arith.constant 0 : i32
      %dma_wait3A_1004 = tpu.memref_slice %arg8[%dma_wait3A_1003] : memref<28672xf32, #tpu.memory_space<vmem>> -> memref<28672xf32, #tpu.memory_space<vmem>>
      tpu.wait_dma2 semaphore(%arg11 : memref<!tpu.dma_semaphore, #tpu.memory_space<semaphore_mem>>) src(%dma_wait3A_1004 : memref<28672xf32, #tpu.memory_space<vmem>>) dst(%dma_wait3A_1002 : memref<28672xf32, #tpu.memory_space<hbm>>)
      %dma_wait3A_1005 = arith.constant 0 : i32
      %dma_wait3A_1006 = tpu.memref_slice %arg8[%dma_wait3A_1005] : memref<28672xf32, #tpu.memory_space<vmem>> -> memref<28672xf32, #tpu.memory_space<vmem>>
      %dma_wait3A_1007 = arith.constant 446464 : i32
      %dma_wait3A_1008 = tpu.memref_slice %arg4[%add3A, %dma_wait3A_1007] : memref<8x1000000xf32, #tpu.memory_space<hbm>> -> memref<1x28672xf32, #tpu.memory_space<hbm>>
      %dma_wait3A_1009 = tpu.memref_squeeze %dma_wait3A_1008 : memref<1x28672xf32, #tpu.memory_space<hbm>> -> memref<28672xf32, #tpu.memory_space<hbm>>
      %dma_wait3A_1010 = arith.constant 446464 : i32
      %dma_wait3A_1011 = tpu.memref_slice %arg4[%add3A, %dma_wait3A_1010] : memref<8x1000000xf32, #tpu.memory_space<hbm>> -> memref<1x28672xf32, #tpu.memory_space<hbm>>
      %dma_wait3A_1012 = tpu.memref_squeeze %dma_wait3A_1011 : memref<1x28672xf32, #tpu.memory_space<hbm>> -> memref<28672xf32, #tpu.memory_space<hbm>>
      %dma_wait3A_1013 = arith.constant 0 : i32
      %dma_wait3A_1014 = tpu.memref_slice %arg8[%dma_wait3A_1013] : memref<28672xf32, #tpu.memory_space<vmem>> -> memref<28672xf32, #tpu.memory_space<vmem>>
      tpu.wait_dma2 semaphore(%arg11 : memref<!tpu.dma_semaphore, #tpu.memory_space<semaphore_mem>>) src(%dma_wait3A_1014 : memref<28672xf32, #tpu.memory_space<vmem>>) dst(%dma_wait3A_1012 : memref<28672xf32, #tpu.memory_space<hbm>>)
      %dma_wait3A_1015 = arith.constant 0 : i32
      %dma_wait3A_1016 = tpu.memref_slice %arg8[%dma_wait3A_1015] : memref<28672xf32, #tpu.memory_space<vmem>> -> memref<28672xf32, #tpu.memory_space<vmem>>
      %dma_wait3A_1017 = arith.constant 475136 : i32
      %dma_wait3A_1018 = tpu.memref_slice %arg4[%add3A, %dma_wait3A_1017] : memref<8x1000000xf32, #tpu.memory_space<hbm>> -> memref<1x28672xf32, #tpu.memory_space<hbm>>
      %dma_wait3A_1019 = tpu.memref_squeeze %dma_wait3A_1018 : memref<1x28672xf32, #tpu.memory_space<hbm>> -> memref<28672xf32, #tpu.memory_space<hbm>>
      %dma_wait3A_1020 = arith.constant 475136 : i32
      %dma_wait3A_1021 = tpu.memref_slice %arg4[%add3A, %dma_wait3A_1020] : memref<8x1000000xf32, #tpu.memory_space<hbm>> -> memref<1x28672xf32, #tpu.memory_space<hbm>>
      %dma_wait3A_1022 = tpu.memref_squeeze %dma_wait3A_1021 : memref<1x28672xf32, #tpu.memory_space<hbm>> -> memref<28672xf32, #tpu.memory_space<hbm>>
      %dma_wait3A_1023 = arith.constant 0 : i32
      %dma_wait3A_1024 = tpu.memref_slice %arg8[%dma_wait3A_1023] : memref<28672xf32, #tpu.memory_space<vmem>> -> memref<28672xf32, #tpu.memory_space<vmem>>
      tpu.wait_dma2 semaphore(%arg11 : memref<!tpu.dma_semaphore, #tpu.memory_space<semaphore_mem>>) src(%dma_wait3A_1024 : memref<28672xf32, #tpu.memory_space<vmem>>) dst(%dma_wait3A_1022 : memref<28672xf32, #tpu.memory_space<hbm>>)
      %dma_wait3A_1025 = arith.constant 0 : i32
      %dma_wait3A_1026 = tpu.memref_slice %arg8[%dma_wait3A_1025] : memref<28672xf32, #tpu.memory_space<vmem>> -> memref<28672xf32, #tpu.memory_space<vmem>>
      %dma_wait3A_1027 = arith.constant 503808 : i32
      %dma_wait3A_1028 = tpu.memref_slice %arg4[%add3A, %dma_wait3A_1027] : memref<8x1000000xf32, #tpu.memory_space<hbm>> -> memref<1x28672xf32, #tpu.memory_space<hbm>>
      %dma_wait3A_1029 = tpu.memref_squeeze %dma_wait3A_1028 : memref<1x28672xf32, #tpu.memory_space<hbm>> -> memref<28672xf32, #tpu.memory_space<hbm>>
      %dma_wait3A_1030 = arith.constant 503808 : i32
      %dma_wait3A_1031 = tpu.memref_slice %arg4[%add3A, %dma_wait3A_1030] : memref<8x1000000xf32, #tpu.memory_space<hbm>> -> memref<1x28672xf32, #tpu.memory_space<hbm>>
      %dma_wait3A_1032 = tpu.memref_squeeze %dma_wait3A_1031 : memref<1x28672xf32, #tpu.memory_space<hbm>> -> memref<28672xf32, #tpu.memory_space<hbm>>
      %dma_wait3A_1033 = arith.constant 0 : i32
      %dma_wait3A_1034 = tpu.memref_slice %arg8[%dma_wait3A_1033] : memref<28672xf32, #tpu.memory_space<vmem>> -> memref<28672xf32, #tpu.memory_space<vmem>>
      tpu.wait_dma2 semaphore(%arg11 : memref<!tpu.dma_semaphore, #tpu.memory_space<semaphore_mem>>) src(%dma_wait3A_1034 : memref<28672xf32, #tpu.memory_space<vmem>>) dst(%dma_wait3A_1032 : memref<28672xf32, #tpu.memory_space<hbm>>)
      %dma_wait3A_1035 = arith.constant 0 : i32
      %dma_wait3A_1036 = tpu.memref_slice %arg8[%dma_wait3A_1035] : memref<28672xf32, #tpu.memory_space<vmem>> -> memref<28672xf32, #tpu.memory_space<vmem>>
      %dma_wait3A_1037 = arith.constant 532480 : i32
      %dma_wait3A_1038 = tpu.memref_slice %arg4[%add3A, %dma_wait3A_1037] : memref<8x1000000xf32, #tpu.memory_space<hbm>> -> memref<1x28672xf32, #tpu.memory_space<hbm>>
      %dma_wait3A_1039 = tpu.memref_squeeze %dma_wait3A_1038 : memref<1x28672xf32, #tpu.memory_space<hbm>> -> memref<28672xf32, #tpu.memory_space<hbm>>
      %dma_wait3A_1040 = arith.constant 532480 : i32
      %dma_wait3A_1041 = tpu.memref_slice %arg4[%add3A, %dma_wait3A_1040] : memref<8x1000000xf32, #tpu.memory_space<hbm>> -> memref<1x28672xf32, #tpu.memory_space<hbm>>
      %dma_wait3A_1042 = tpu.memref_squeeze %dma_wait3A_1041 : memref<1x28672xf32, #tpu.memory_space<hbm>> -> memref<28672xf32, #tpu.memory_space<hbm>>
      %dma_wait3A_1043 = arith.constant 0 : i32
      %dma_wait3A_1044 = tpu.memref_slice %arg8[%dma_wait3A_1043] : memref<28672xf32, #tpu.memory_space<vmem>> -> memref<28672xf32, #tpu.memory_space<vmem>>
      tpu.wait_dma2 semaphore(%arg11 : memref<!tpu.dma_semaphore, #tpu.memory_space<semaphore_mem>>) src(%dma_wait3A_1044 : memref<28672xf32, #tpu.memory_space<vmem>>) dst(%dma_wait3A_1042 : memref<28672xf32, #tpu.memory_space<hbm>>)
      %dma_wait3A_1045 = arith.constant 0 : i32
      %dma_wait3A_1046 = tpu.memref_slice %arg8[%dma_wait3A_1045] : memref<28672xf32, #tpu.memory_space<vmem>> -> memref<28672xf32, #tpu.memory_space<vmem>>
      %dma_wait3A_1047 = arith.constant 561152 : i32
      %dma_wait3A_1048 = tpu.memref_slice %arg4[%add3A, %dma_wait3A_1047] : memref<8x1000000xf32, #tpu.memory_space<hbm>> -> memref<1x28672xf32, #tpu.memory_space<hbm>>
      %dma_wait3A_1049 = tpu.memref_squeeze %dma_wait3A_1048 : memref<1x28672xf32, #tpu.memory_space<hbm>> -> memref<28672xf32, #tpu.memory_space<hbm>>
      %dma_wait3A_1050 = arith.constant 561152 : i32
      %dma_wait3A_1051 = tpu.memref_slice %arg4[%add3A, %dma_wait3A_1050] : memref<8x1000000xf32, #tpu.memory_space<hbm>> -> memref<1x28672xf32, #tpu.memory_space<hbm>>
      %dma_wait3A_1052 = tpu.memref_squeeze %dma_wait3A_1051 : memref<1x28672xf32, #tpu.memory_space<hbm>> -> memref<28672xf32, #tpu.memory_space<hbm>>
      %dma_wait3A_1053 = arith.constant 0 : i32
      %dma_wait3A_1054 = tpu.memref_slice %arg8[%dma_wait3A_1053] : memref<28672xf32, #tpu.memory_space<vmem>> -> memref<28672xf32, #tpu.memory_space<vmem>>
      tpu.wait_dma2 semaphore(%arg11 : memref<!tpu.dma_semaphore, #tpu.memory_space<semaphore_mem>>) src(%dma_wait3A_1054 : memref<28672xf32, #tpu.memory_space<vmem>>) dst(%dma_wait3A_1052 : memref<28672xf32, #tpu.memory_space<hbm>>)
      %dma_wait3A_1055 = arith.constant 0 : i32
      %dma_wait3A_1056 = tpu.memref_slice %arg8[%dma_wait3A_1055] : memref<28672xf32, #tpu.memory_space<vmem>> -> memref<28672xf32, #tpu.memory_space<vmem>>
      %dma_wait3A_1057 = arith.constant 589824 : i32
      %dma_wait3A_1058 = tpu.memref_slice %arg4[%add3A, %dma_wait3A_1057] : memref<8x1000000xf32, #tpu.memory_space<hbm>> -> memref<1x28672xf32, #tpu.memory_space<hbm>>
      %dma_wait3A_1059 = tpu.memref_squeeze %dma_wait3A_1058 : memref<1x28672xf32, #tpu.memory_space<hbm>> -> memref<28672xf32, #tpu.memory_space<hbm>>
      %dma_wait3A_1060 = arith.constant 589824 : i32
      %dma_wait3A_1061 = tpu.memref_slice %arg4[%add3A, %dma_wait3A_1060] : memref<8x1000000xf32, #tpu.memory_space<hbm>> -> memref<1x28672xf32, #tpu.memory_space<hbm>>
      %dma_wait3A_1062 = tpu.memref_squeeze %dma_wait3A_1061 : memref<1x28672xf32, #tpu.memory_space<hbm>> -> memref<28672xf32, #tpu.memory_space<hbm>>
      %dma_wait3A_1063 = arith.constant 0 : i32
      %dma_wait3A_1064 = tpu.memref_slice %arg8[%dma_wait3A_1063] : memref<28672xf32, #tpu.memory_space<vmem>> -> memref<28672xf32, #tpu.memory_space<vmem>>
      tpu.wait_dma2 semaphore(%arg11 : memref<!tpu.dma_semaphore, #tpu.memory_space<semaphore_mem>>) src(%dma_wait3A_1064 : memref<28672xf32, #tpu.memory_space<vmem>>) dst(%dma_wait3A_1062 : memref<28672xf32, #tpu.memory_space<hbm>>)
      %dma_wait3A_1065 = arith.constant 0 : i32
      %dma_wait3A_1066 = tpu.memref_slice %arg8[%dma_wait3A_1065] : memref<28672xf32, #tpu.memory_space<vmem>> -> memref<28672xf32, #tpu.memory_space<vmem>>
      %dma_wait3A_1067 = arith.constant 618496 : i32
      %dma_wait3A_1068 = tpu.memref_slice %arg4[%add3A, %dma_wait3A_1067] : memref<8x1000000xf32, #tpu.memory_space<hbm>> -> memref<1x28672xf32, #tpu.memory_space<hbm>>
      %dma_wait3A_1069 = tpu.memref_squeeze %dma_wait3A_1068 : memref<1x28672xf32, #tpu.memory_space<hbm>> -> memref<28672xf32, #tpu.memory_space<hbm>>
      %dma_wait3A_1070 = arith.constant 618496 : i32
      %dma_wait3A_1071 = tpu.memref_slice %arg4[%add3A, %dma_wait3A_1070] : memref<8x1000000xf32, #tpu.memory_space<hbm>> -> memref<1x28672xf32, #tpu.memory_space<hbm>>
      %dma_wait3A_1072 = tpu.memref_squeeze %dma_wait3A_1071 : memref<1x28672xf32, #tpu.memory_space<hbm>> -> memref<28672xf32, #tpu.memory_space<hbm>>
      %dma_wait3A_1073 = arith.constant 0 : i32
      %dma_wait3A_1074 = tpu.memref_slice %arg8[%dma_wait3A_1073] : memref<28672xf32, #tpu.memory_space<vmem>> -> memref<28672xf32, #tpu.memory_space<vmem>>
      tpu.wait_dma2 semaphore(%arg11 : memref<!tpu.dma_semaphore, #tpu.memory_space<semaphore_mem>>) src(%dma_wait3A_1074 : memref<28672xf32, #tpu.memory_space<vmem>>) dst(%dma_wait3A_1072 : memref<28672xf32, #tpu.memory_space<hbm>>)
      %dma_wait3A_1075 = arith.constant 0 : i32
      %dma_wait3A_1076 = tpu.memref_slice %arg8[%dma_wait3A_1075] : memref<28672xf32, #tpu.memory_space<vmem>> -> memref<28672xf32, #tpu.memory_space<vmem>>
      %dma_wait3A_1077 = arith.constant 647168 : i32
      %dma_wait3A_1078 = tpu.memref_slice %arg4[%add3A, %dma_wait3A_1077] : memref<8x1000000xf32, #tpu.memory_space<hbm>> -> memref<1x28672xf32, #tpu.memory_space<hbm>>
      %dma_wait3A_1079 = tpu.memref_squeeze %dma_wait3A_1078 : memref<1x28672xf32, #tpu.memory_space<hbm>> -> memref<28672xf32, #tpu.memory_space<hbm>>
      %dma_wait3A_1080 = arith.constant 647168 : i32
      %dma_wait3A_1081 = tpu.memref_slice %arg4[%add3A, %dma_wait3A_1080] : memref<8x1000000xf32, #tpu.memory_space<hbm>> -> memref<1x28672xf32, #tpu.memory_space<hbm>>
      %dma_wait3A_1082 = tpu.memref_squeeze %dma_wait3A_1081 : memref<1x28672xf32, #tpu.memory_space<hbm>> -> memref<28672xf32, #tpu.memory_space<hbm>>
      %dma_wait3A_1083 = arith.constant 0 : i32
      %dma_wait3A_1084 = tpu.memref_slice %arg8[%dma_wait3A_1083] : memref<28672xf32, #tpu.memory_space<vmem>> -> memref<28672xf32, #tpu.memory_space<vmem>>
      tpu.wait_dma2 semaphore(%arg11 : memref<!tpu.dma_semaphore, #tpu.memory_space<semaphore_mem>>) src(%dma_wait3A_1084 : memref<28672xf32, #tpu.memory_space<vmem>>) dst(%dma_wait3A_1082 : memref<28672xf32, #tpu.memory_space<hbm>>)
      %dma_wait3A_1085 = arith.constant 0 : i32
      %dma_wait3A_1086 = tpu.memref_slice %arg8[%dma_wait3A_1085] : memref<28672xf32, #tpu.memory_space<vmem>> -> memref<28672xf32, #tpu.memory_space<vmem>>
      %dma_wait3A_1087 = arith.constant 675840 : i32
      %dma_wait3A_1088 = tpu.memref_slice %arg4[%add3A, %dma_wait3A_1087] : memref<8x1000000xf32, #tpu.memory_space<hbm>> -> memref<1x28672xf32, #tpu.memory_space<hbm>>
      %dma_wait3A_1089 = tpu.memref_squeeze %dma_wait3A_1088 : memref<1x28672xf32, #tpu.memory_space<hbm>> -> memref<28672xf32, #tpu.memory_space<hbm>>
      %dma_wait3A_1090 = arith.constant 675840 : i32
      %dma_wait3A_1091 = tpu.memref_slice %arg4[%add3A, %dma_wait3A_1090] : memref<8x1000000xf32, #tpu.memory_space<hbm>> -> memref<1x28672xf32, #tpu.memory_space<hbm>>
      %dma_wait3A_1092 = tpu.memref_squeeze %dma_wait3A_1091 : memref<1x28672xf32, #tpu.memory_space<hbm>> -> memref<28672xf32, #tpu.memory_space<hbm>>
      %dma_wait3A_1093 = arith.constant 0 : i32
      %dma_wait3A_1094 = tpu.memref_slice %arg8[%dma_wait3A_1093] : memref<28672xf32, #tpu.memory_space<vmem>> -> memref<28672xf32, #tpu.memory_space<vmem>>
      tpu.wait_dma2 semaphore(%arg11 : memref<!tpu.dma_semaphore, #tpu.memory_space<semaphore_mem>>) src(%dma_wait3A_1094 : memref<28672xf32, #tpu.memory_space<vmem>>) dst(%dma_wait3A_1092 : memref<28672xf32, #tpu.memory_space<hbm>>)
      %dma_wait3A_1095 = arith.constant 0 : i32
      %dma_wait3A_1096 = tpu.memref_slice %arg8[%dma_wait3A_1095] : memref<28672xf32, #tpu.memory_space<vmem>> -> memref<28672xf32, #tpu.memory_space<vmem>>
      %dma_wait3A_1097 = arith.constant 704512 : i32
      %dma_wait3A_1098 = tpu.memref_slice %arg4[%add3A, %dma_wait3A_1097] : memref<8x1000000xf32, #tpu.memory_space<hbm>> -> memref<1x28672xf32, #tpu.memory_space<hbm>>
      %dma_wait3A_1099 = tpu.memref_squeeze %dma_wait3A_1098 : memref<1x28672xf32, #tpu.memory_space<hbm>> -> memref<28672xf32, #tpu.memory_space<hbm>>
      %dma_wait3A_1100 = arith.constant 704512 : i32
      %dma_wait3A_1101 = tpu.memref_slice %arg4[%add3A, %dma_wait3A_1100] : memref<8x1000000xf32, #tpu.memory_space<hbm>> -> memref<1x28672xf32, #tpu.memory_space<hbm>>
      %dma_wait3A_1102 = tpu.memref_squeeze %dma_wait3A_1101 : memref<1x28672xf32, #tpu.memory_space<hbm>> -> memref<28672xf32, #tpu.memory_space<hbm>>
      %dma_wait3A_1103 = arith.constant 0 : i32
      %dma_wait3A_1104 = tpu.memref_slice %arg8[%dma_wait3A_1103] : memref<28672xf32, #tpu.memory_space<vmem>> -> memref<28672xf32, #tpu.memory_space<vmem>>
      tpu.wait_dma2 semaphore(%arg11 : memref<!tpu.dma_semaphore, #tpu.memory_space<semaphore_mem>>) src(%dma_wait3A_1104 : memref<28672xf32, #tpu.memory_space<vmem>>) dst(%dma_wait3A_1102 : memref<28672xf32, #tpu.memory_space<hbm>>)
      %dma_wait3A_1105 = arith.constant 0 : i32
      %dma_wait3A_1106 = tpu.memref_slice %arg8[%dma_wait3A_1105] : memref<28672xf32, #tpu.memory_space<vmem>> -> memref<28672xf32, #tpu.memory_space<vmem>>
      %dma_wait3A_1107 = arith.constant 733184 : i32
      %dma_wait3A_1108 = tpu.memref_slice %arg4[%add3A, %dma_wait3A_1107] : memref<8x1000000xf32, #tpu.memory_space<hbm>> -> memref<1x28672xf32, #tpu.memory_space<hbm>>
      %dma_wait3A_1109 = tpu.memref_squeeze %dma_wait3A_1108 : memref<1x28672xf32, #tpu.memory_space<hbm>> -> memref<28672xf32, #tpu.memory_space<hbm>>
      %dma_wait3A_1110 = arith.constant 733184 : i32
      %dma_wait3A_1111 = tpu.memref_slice %arg4[%add3A, %dma_wait3A_1110] : memref<8x1000000xf32, #tpu.memory_space<hbm>> -> memref<1x28672xf32, #tpu.memory_space<hbm>>
      %dma_wait3A_1112 = tpu.memref_squeeze %dma_wait3A_1111 : memref<1x28672xf32, #tpu.memory_space<hbm>> -> memref<28672xf32, #tpu.memory_space<hbm>>
      %dma_wait3A_1113 = arith.constant 0 : i32
      %dma_wait3A_1114 = tpu.memref_slice %arg8[%dma_wait3A_1113] : memref<28672xf32, #tpu.memory_space<vmem>> -> memref<28672xf32, #tpu.memory_space<vmem>>
      tpu.wait_dma2 semaphore(%arg11 : memref<!tpu.dma_semaphore, #tpu.memory_space<semaphore_mem>>) src(%dma_wait3A_1114 : memref<28672xf32, #tpu.memory_space<vmem>>) dst(%dma_wait3A_1112 : memref<28672xf32, #tpu.memory_space<hbm>>)
      %dma_wait3A_1115 = arith.constant 0 : i32
      %dma_wait3A_1116 = tpu.memref_slice %arg8[%dma_wait3A_1115] : memref<28672xf32, #tpu.memory_space<vmem>> -> memref<28672xf32, #tpu.memory_space<vmem>>
      %dma_wait3A_1117 = arith.constant 761856 : i32
      %dma_wait3A_1118 = tpu.memref_slice %arg4[%add3A, %dma_wait3A_1117] : memref<8x1000000xf32, #tpu.memory_space<hbm>> -> memref<1x28672xf32, #tpu.memory_space<hbm>>
      %dma_wait3A_1119 = tpu.memref_squeeze %dma_wait3A_1118 : memref<1x28672xf32, #tpu.memory_space<hbm>> -> memref<28672xf32, #tpu.memory_space<hbm>>
      %dma_wait3A_1120 = arith.constant 761856 : i32
      %dma_wait3A_1121 = tpu.memref_slice %arg4[%add3A, %dma_wait3A_1120] : memref<8x1000000xf32, #tpu.memory_space<hbm>> -> memref<1x28672xf32, #tpu.memory_space<hbm>>
      %dma_wait3A_1122 = tpu.memref_squeeze %dma_wait3A_1121 : memref<1x28672xf32, #tpu.memory_space<hbm>> -> memref<28672xf32, #tpu.memory_space<hbm>>
      %dma_wait3A_1123 = arith.constant 0 : i32
      %dma_wait3A_1124 = tpu.memref_slice %arg8[%dma_wait3A_1123] : memref<28672xf32, #tpu.memory_space<vmem>> -> memref<28672xf32, #tpu.memory_space<vmem>>
      tpu.wait_dma2 semaphore(%arg11 : memref<!tpu.dma_semaphore, #tpu.memory_space<semaphore_mem>>) src(%dma_wait3A_1124 : memref<28672xf32, #tpu.memory_space<vmem>>) dst(%dma_wait3A_1122 : memref<28672xf32, #tpu.memory_space<hbm>>)
      %dma_wait3A_1125 = arith.constant 0 : i32
      %dma_wait3A_1126 = tpu.memref_slice %arg8[%dma_wait3A_1125] : memref<28672xf32, #tpu.memory_space<vmem>> -> memref<28672xf32, #tpu.memory_space<vmem>>
      %dma_wait3A_1127 = arith.constant 790528 : i32
      %dma_wait3A_1128 = tpu.memref_slice %arg4[%add3A, %dma_wait3A_1127] : memref<8x1000000xf32, #tpu.memory_space<hbm>> -> memref<1x28672xf32, #tpu.memory_space<hbm>>
      %dma_wait3A_1129 = tpu.memref_squeeze %dma_wait3A_1128 : memref<1x28672xf32, #tpu.memory_space<hbm>> -> memref<28672xf32, #tpu.memory_space<hbm>>
      %dma_wait3A_1130 = arith.constant 790528 : i32
      %dma_wait3A_1131 = tpu.memref_slice %arg4[%add3A, %dma_wait3A_1130] : memref<8x1000000xf32, #tpu.memory_space<hbm>> -> memref<1x28672xf32, #tpu.memory_space<hbm>>
      %dma_wait3A_1132 = tpu.memref_squeeze %dma_wait3A_1131 : memref<1x28672xf32, #tpu.memory_space<hbm>> -> memref<28672xf32, #tpu.memory_space<hbm>>
      %dma_wait3A_1133 = arith.constant 0 : i32
      %dma_wait3A_1134 = tpu.memref_slice %arg8[%dma_wait3A_1133] : memref<28672xf32, #tpu.memory_space<vmem>> -> memref<28672xf32, #tpu.memory_space<vmem>>
      tpu.wait_dma2 semaphore(%arg11 : memref<!tpu.dma_semaphore, #tpu.memory_space<semaphore_mem>>) src(%dma_wait3A_1134 : memref<28672xf32, #tpu.memory_space<vmem>>) dst(%dma_wait3A_1132 : memref<28672xf32, #tpu.memory_space<hbm>>)
      %dma_wait3A_1135 = arith.constant 0 : i32
      %dma_wait3A_1136 = tpu.memref_slice %arg8[%dma_wait3A_1135] : memref<28672xf32, #tpu.memory_space<vmem>> -> memref<28672xf32, #tpu.memory_space<vmem>>
      %dma_wait3A_1137 = arith.constant 819200 : i32
      %dma_wait3A_1138 = tpu.memref_slice %arg4[%add3A, %dma_wait3A_1137] : memref<8x1000000xf32, #tpu.memory_space<hbm>> -> memref<1x28672xf32, #tpu.memory_space<hbm>>
      %dma_wait3A_1139 = tpu.memref_squeeze %dma_wait3A_1138 : memref<1x28672xf32, #tpu.memory_space<hbm>> -> memref<28672xf32, #tpu.memory_space<hbm>>
      %dma_wait3A_1140 = arith.constant 819200 : i32
      %dma_wait3A_1141 = tpu.memref_slice %arg4[%add3A, %dma_wait3A_1140] : memref<8x1000000xf32, #tpu.memory_space<hbm>> -> memref<1x28672xf32, #tpu.memory_space<hbm>>
      %dma_wait3A_1142 = tpu.memref_squeeze %dma_wait3A_1141 : memref<1x28672xf32, #tpu.memory_space<hbm>> -> memref<28672xf32, #tpu.memory_space<hbm>>
      %dma_wait3A_1143 = arith.constant 0 : i32
      %dma_wait3A_1144 = tpu.memref_slice %arg8[%dma_wait3A_1143] : memref<28672xf32, #tpu.memory_space<vmem>> -> memref<28672xf32, #tpu.memory_space<vmem>>
      tpu.wait_dma2 semaphore(%arg11 : memref<!tpu.dma_semaphore, #tpu.memory_space<semaphore_mem>>) src(%dma_wait3A_1144 : memref<28672xf32, #tpu.memory_space<vmem>>) dst(%dma_wait3A_1142 : memref<28672xf32, #tpu.memory_space<hbm>>)
      %dma_wait3A_1145 = arith.constant 0 : i32
      %dma_wait3A_1146 = tpu.memref_slice %arg8[%dma_wait3A_1145] : memref<28672xf32, #tpu.memory_space<vmem>> -> memref<28672xf32, #tpu.memory_space<vmem>>
      %dma_wait3A_1147 = arith.constant 847872 : i32
      %dma_wait3A_1148 = tpu.memref_slice %arg4[%add3A, %dma_wait3A_1147] : memref<8x1000000xf32, #tpu.memory_space<hbm>> -> memref<1x28672xf32, #tpu.memory_space<hbm>>
      %dma_wait3A_1149 = tpu.memref_squeeze %dma_wait3A_1148 : memref<1x28672xf32, #tpu.memory_space<hbm>> -> memref<28672xf32, #tpu.memory_space<hbm>>
      %dma_wait3A_1150 = arith.constant 847872 : i32
      %dma_wait3A_1151 = tpu.memref_slice %arg4[%add3A, %dma_wait3A_1150] : memref<8x1000000xf32, #tpu.memory_space<hbm>> -> memref<1x28672xf32, #tpu.memory_space<hbm>>
      %dma_wait3A_1152 = tpu.memref_squeeze %dma_wait3A_1151 : memref<1x28672xf32, #tpu.memory_space<hbm>> -> memref<28672xf32, #tpu.memory_space<hbm>>
      %dma_wait3A_1153 = arith.constant 0 : i32
      %dma_wait3A_1154 = tpu.memref_slice %arg8[%dma_wait3A_1153] : memref<28672xf32, #tpu.memory_space<vmem>> -> memref<28672xf32, #tpu.memory_space<vmem>>
      tpu.wait_dma2 semaphore(%arg11 : memref<!tpu.dma_semaphore, #tpu.memory_space<semaphore_mem>>) src(%dma_wait3A_1154 : memref<28672xf32, #tpu.memory_space<vmem>>) dst(%dma_wait3A_1152 : memref<28672xf32, #tpu.memory_space<hbm>>)
      %dma_wait3A_1155 = arith.constant 0 : i32
      %dma_wait3A_1156 = tpu.memref_slice %arg8[%dma_wait3A_1155] : memref<28672xf32, #tpu.memory_space<vmem>> -> memref<28672xf32, #tpu.memory_space<vmem>>
      %dma_wait3A_1157 = arith.constant 876544 : i32
      %dma_wait3A_1158 = tpu.memref_slice %arg4[%add3A, %dma_wait3A_1157] : memref<8x1000000xf32, #tpu.memory_space<hbm>> -> memref<1x28672xf32, #tpu.memory_space<hbm>>
      %dma_wait3A_1159 = tpu.memref_squeeze %dma_wait3A_1158 : memref<1x28672xf32, #tpu.memory_space<hbm>> -> memref<28672xf32, #tpu.memory_space<hbm>>
      %dma_wait3A_1160 = arith.constant 876544 : i32
      %dma_wait3A_1161 = tpu.memref_slice %arg4[%add3A, %dma_wait3A_1160] : memref<8x1000000xf32, #tpu.memory_space<hbm>> -> memref<1x28672xf32, #tpu.memory_space<hbm>>
      %dma_wait3A_1162 = tpu.memref_squeeze %dma_wait3A_1161 : memref<1x28672xf32, #tpu.memory_space<hbm>> -> memref<28672xf32, #tpu.memory_space<hbm>>
      %dma_wait3A_1163 = arith.constant 0 : i32
      %dma_wait3A_1164 = tpu.memref_slice %arg8[%dma_wait3A_1163] : memref<28672xf32, #tpu.memory_space<vmem>> -> memref<28672xf32, #tpu.memory_space<vmem>>
      tpu.wait_dma2 semaphore(%arg11 : memref<!tpu.dma_semaphore, #tpu.memory_space<semaphore_mem>>) src(%dma_wait3A_1164 : memref<28672xf32, #tpu.memory_space<vmem>>) dst(%dma_wait3A_1162 : memref<28672xf32, #tpu.memory_space<hbm>>)
      %dma_wait3A_1165 = arith.constant 0 : i32
      %dma_wait3A_1166 = tpu.memref_slice %arg8[%dma_wait3A_1165] : memref<28672xf32, #tpu.memory_space<vmem>> -> memref<28672xf32, #tpu.memory_space<vmem>>
      %dma_wait3A_1167 = arith.constant 905216 : i32
      %dma_wait3A_1168 = tpu.memref_slice %arg4[%add3A, %dma_wait3A_1167] : memref<8x1000000xf32, #tpu.memory_space<hbm>> -> memref<1x28672xf32, #tpu.memory_space<hbm>>
      %dma_wait3A_1169 = tpu.memref_squeeze %dma_wait3A_1168 : memref<1x28672xf32, #tpu.memory_space<hbm>> -> memref<28672xf32, #tpu.memory_space<hbm>>
      %dma_wait3A_1170 = arith.constant 905216 : i32
      %dma_wait3A_1171 = tpu.memref_slice %arg4[%add3A, %dma_wait3A_1170] : memref<8x1000000xf32, #tpu.memory_space<hbm>> -> memref<1x28672xf32, #tpu.memory_space<hbm>>
      %dma_wait3A_1172 = tpu.memref_squeeze %dma_wait3A_1171 : memref<1x28672xf32, #tpu.memory_space<hbm>> -> memref<28672xf32, #tpu.memory_space<hbm>>
      %dma_wait3A_1173 = arith.constant 0 : i32
      %dma_wait3A_1174 = tpu.memref_slice %arg8[%dma_wait3A_1173] : memref<28672xf32, #tpu.memory_space<vmem>> -> memref<28672xf32, #tpu.memory_space<vmem>>
      tpu.wait_dma2 semaphore(%arg11 : memref<!tpu.dma_semaphore, #tpu.memory_space<semaphore_mem>>) src(%dma_wait3A_1174 : memref<28672xf32, #tpu.memory_space<vmem>>) dst(%dma_wait3A_1172 : memref<28672xf32, #tpu.memory_space<hbm>>)
      %dma_wait3A_1175 = arith.constant 0 : i32
      %dma_wait3A_1176 = tpu.memref_slice %arg8[%dma_wait3A_1175] : memref<28672xf32, #tpu.memory_space<vmem>> -> memref<28672xf32, #tpu.memory_space<vmem>>
      %dma_wait3A_1177 = arith.constant 933888 : i32
      %dma_wait3A_1178 = tpu.memref_slice %arg4[%add3A, %dma_wait3A_1177] : memref<8x1000000xf32, #tpu.memory_space<hbm>> -> memref<1x28672xf32, #tpu.memory_space<hbm>>
      %dma_wait3A_1179 = tpu.memref_squeeze %dma_wait3A_1178 : memref<1x28672xf32, #tpu.memory_space<hbm>> -> memref<28672xf32, #tpu.memory_space<hbm>>
      %dma_wait3A_1180 = arith.constant 933888 : i32
      %dma_wait3A_1181 = tpu.memref_slice %arg4[%add3A, %dma_wait3A_1180] : memref<8x1000000xf32, #tpu.memory_space<hbm>> -> memref<1x28672xf32, #tpu.memory_space<hbm>>
      %dma_wait3A_1182 = tpu.memref_squeeze %dma_wait3A_1181 : memref<1x28672xf32, #tpu.memory_space<hbm>> -> memref<28672xf32, #tpu.memory_space<hbm>>
      %dma_wait3A_1183 = arith.constant 0 : i32
      %dma_wait3A_1184 = tpu.memref_slice %arg8[%dma_wait3A_1183] : memref<28672xf32, #tpu.memory_space<vmem>> -> memref<28672xf32, #tpu.memory_space<vmem>>
      tpu.wait_dma2 semaphore(%arg11 : memref<!tpu.dma_semaphore, #tpu.memory_space<semaphore_mem>>) src(%dma_wait3A_1184 : memref<28672xf32, #tpu.memory_space<vmem>>) dst(%dma_wait3A_1182 : memref<28672xf32, #tpu.memory_space<hbm>>)
      %dma_wait3A_1185 = arith.constant 0 : i32
      %dma_wait3A_1186 = tpu.memref_slice %arg8[%dma_wait3A_1185] : memref<28672xf32, #tpu.memory_space<vmem>> -> memref<28672xf32, #tpu.memory_space<vmem>>
      %dma_wait3A_1187 = arith.constant 962560 : i32
      %dma_wait3A_1188 = tpu.memref_slice %arg4[%add3A, %dma_wait3A_1187] : memref<8x1000000xf32, #tpu.memory_space<hbm>> -> memref<1x28672xf32, #tpu.memory_space<hbm>>
      %dma_wait3A_1189 = tpu.memref_squeeze %dma_wait3A_1188 : memref<1x28672xf32, #tpu.memory_space<hbm>> -> memref<28672xf32, #tpu.memory_space<hbm>>
      %dma_wait3A_1190 = arith.constant 962560 : i32
      %dma_wait3A_1191 = tpu.memref_slice %arg4[%add3A, %dma_wait3A_1190] : memref<8x1000000xf32, #tpu.memory_space<hbm>> -> memref<1x28672xf32, #tpu.memory_space<hbm>>
      %dma_wait3A_1192 = tpu.memref_squeeze %dma_wait3A_1191 : memref<1x28672xf32, #tpu.memory_space<hbm>> -> memref<28672xf32, #tpu.memory_space<hbm>>
      %dma_wait3A_1193 = arith.constant 0 : i32
      %dma_wait3A_1194 = tpu.memref_slice %arg8[%dma_wait3A_1193] : memref<28672xf32, #tpu.memory_space<vmem>> -> memref<28672xf32, #tpu.memory_space<vmem>>
      tpu.wait_dma2 semaphore(%arg11 : memref<!tpu.dma_semaphore, #tpu.memory_space<semaphore_mem>>) src(%dma_wait3A_1194 : memref<28672xf32, #tpu.memory_space<vmem>>) dst(%dma_wait3A_1192 : memref<28672xf32, #tpu.memory_space<hbm>>)
      %dma_wait3A_1195 = arith.constant 0 : i32
      %dma_wait3A_1196 = tpu.memref_slice %arg8[%dma_wait3A_1195] : memref<28672xf32, #tpu.memory_space<vmem>> -> memref<8704xf32, #tpu.memory_space<vmem>>
      %dma_wait3A_1197 = arith.constant 991232 : i32
      %dma_wait3A_1198 = tpu.memref_slice %arg4[%add3A, %dma_wait3A_1197] : memref<8x1000000xf32, #tpu.memory_space<hbm>> -> memref<1x8704xf32, #tpu.memory_space<hbm>>
      %dma_wait3A_1199 = tpu.memref_squeeze %dma_wait3A_1198 : memref<1x8704xf32, #tpu.memory_space<hbm>> -> memref<8704xf32, #tpu.memory_space<hbm>>
      %dma_wait3A_1200 = arith.constant 991232 : i32
      %dma_wait3A_1201 = tpu.memref_slice %arg4[%add3A, %dma_wait3A_1200] : memref<8x1000000xf32, #tpu.memory_space<hbm>> -> memref<1x8704xf32, #tpu.memory_space<hbm>>
      %dma_wait3A_1202 = tpu.memref_squeeze %dma_wait3A_1201 : memref<1x8704xf32, #tpu.memory_space<hbm>> -> memref<8704xf32, #tpu.memory_space<hbm>>
      %dma_wait3A_1203 = arith.constant 0 : i32
      %dma_wait3A_1204 = tpu.memref_slice %arg8[%dma_wait3A_1203] : memref<28672xf32, #tpu.memory_space<vmem>> -> memref<8704xf32, #tpu.memory_space<vmem>>
      tpu.wait_dma2 semaphore(%arg11 : memref<!tpu.dma_semaphore, #tpu.memory_space<semaphore_mem>>) src(%dma_wait3A_1204 : memref<8704xf32, #tpu.memory_space<vmem>>) dst(%dma_wait3A_1202 : memref<8704xf32, #tpu.memory_space<hbm>>)
    } else {
    }
    return
  }
}

module attributes {stable_mosaic.version = 14 : i64} {
  func.func @_tc_kernel(%arg0: memref<8x1000000xf32, #tpu.memory_space<any>>, %arg1: memref<8x65536xf32, #tpu.memory_space<vmem>>, %arg2: memref<8x65536xf32, #tpu.memory_space<vmem>>, %arg3: memref<8x65536xf32, #tpu.memory_space<vmem>>, %arg4: memref<8x1000000xf32, #tpu.memory_space<any>>, %arg5: memref<8x128xi32, #tpu.memory_space<vmem>>, %arg6: memref<8x65536xf32, #tpu.memory_space<vmem>>, %arg7: memref<8x64xf32, #tpu.memory_space<vmem>>) attributes {dimension_semantics = [], scalar_prefetch = 0 : i64, scratch_operands = 2 : i64, tpu.core_type = #tpu.core_type<tc>} {
    %iota3A = tpu.iota {dimensions = array<i32: 1>} : vector<8x65536xi32>
    %get3A = arith.constant 0 : index
    %get3A_0 = arith.constant 0 : index
    %get3A_1 = vector.load %arg3[%get3A, %get3A_0] : memref<8x65536xf32, #tpu.memory_space<vmem>>, vector<8x65536xf32>
    %gt3A = arith.constant 0.000000e+00 : f32
    %gt3A_2 = vector.broadcast %gt3A : f32 to vector<8x65536xf32>
    %gt3A_3 = arith.cmpf ogt, %get3A_1, %gt3A_2 : vector<8x65536xf32>
    %reduce_sum3A = arith.constant dense<0.000000e+00> : vector<8xf32>
    %reduce_sum3A_4 = vector.multi_reduction <add>, %get3A_1, %reduce_sum3A [1] : vector<8x65536xf32> to vector<8xf32>
    %broadcast_in_dim3A = vector.shape_cast %reduce_sum3A_4 : vector<8xf32> to vector<8x1xf32>
    %div3A = vector.broadcast %broadcast_in_dim3A : vector<8x1xf32> to vector<8x65536xf32>
    %div3A_5 = arith.divf %get3A_1, %div3A : vector<8x65536xf32>
    %swap3A = arith.constant 0 : index
    %swap3A_6 = arith.constant 0 : index
    %swap3A_7 = vector.load %arg6[%swap3A, %swap3A_6] : memref<8x65536xf32, #tpu.memory_space<vmem>>, vector<8x65536xf32>
    tpu.vector_store %arg6[%swap3A, %swap3A_6], %div3A_5 {strides = array<i32>} : memref<8x65536xf32, #tpu.memory_space<vmem>>, vector<8x65536xf32>,
    "tpu.region"() ({
      %run_scoped3A = tpu.sem_alloc : memref<!tpu.dma_semaphore, #tpu.memory_space<semaphore_mem>>
      %dma_start3A = arith.constant 0 : i32
      %dma_start3A_306 = arith.constant 151552 : i32
      %dma_start3A_307 = tpu.memref_slice %arg4[%dma_start3A, %dma_start3A_306] : memref<8x1000000xf32, #tpu.memory_space<any>> -> memref<8x65536xf32, #tpu.memory_space<any>>
      tpu.enqueue_dma source(%arg6 : memref<8x65536xf32, #tpu.memory_space<vmem>>) target(%dma_start3A_307 : memref<8x65536xf32, #tpu.memory_space<any>>) target_semaphore(%run_scoped3A : memref<!tpu.dma_semaphore, #tpu.memory_space<semaphore_mem>>)
      %dma_wait3A = arith.constant 0 : i32
      %dma_wait3A_308 = arith.constant 151552 : i32
      %dma_wait3A_309 = tpu.memref_slice %arg4[%dma_wait3A, %dma_wait3A_308] : memref<8x1000000xf32, #tpu.memory_space<any>> -> memref<8x65536xf32, #tpu.memory_space<any>>
      tpu.wait_dma2 semaphore(%run_scoped3A : memref<!tpu.dma_semaphore, #tpu.memory_space<semaphore_mem>>) src(%arg6 : memref<8x65536xf32, #tpu.memory_space<vmem>>) dst(%dma_wait3A_309 : memref<8x65536xf32, #tpu.memory_space<any>>)
      tpu.yield
    }) : () -> ()
    %broadcast_in_dim3A_8 = arith.constant 0.000000e+00 : f32
    %broadcast_in_dim3A_9 = vector.broadcast %broadcast_in_dim3A_8 : f32 to vector<8x64xf32>
    %swap3A_10 = arith.constant 0 : index
    %swap3A_11 = arith.constant 0 : index
    %swap3A_12 = vector.load %arg7[%swap3A_10, %swap3A_11] : memref<8x64xf32, #tpu.memory_space<vmem>>, vector<8x64xf32>
    tpu.vector_store %arg7[%swap3A_10, %swap3A_11], %broadcast_in_dim3A_9 {strides = array<i32>} : memref<8x64xf32, #tpu.memory_space<vmem>>, vector<8x64xf32>,
    "tpu.region"() ({
      %run_scoped3A = tpu.sem_alloc : memref<!tpu.dma_semaphore, #tpu.memory_space<semaphore_mem>>
      %dma_start3A = arith.constant 0 : i32
      %dma_start3A_306 = arith.constant 999936 : i32
      %dma_start3A_307 = tpu.memref_slice %arg4[%dma_start3A, %dma_start3A_306] : memref<8x1000000xf32, #tpu.memory_space<any>> -> memref<8x64xf32, #tpu.memory_space<any>>
      tpu.enqueue_dma source(%arg7 : memref<8x64xf32, #tpu.memory_space<vmem>>) target(%dma_start3A_307 : memref<8x64xf32, #tpu.memory_space<any>>) target_semaphore(%run_scoped3A : memref<!tpu.dma_semaphore, #tpu.memory_space<semaphore_mem>>)
      %dma_wait3A = arith.constant 0 : i32
      %dma_wait3A_308 = arith.constant 999936 : i32
      %dma_wait3A_309 = tpu.memref_slice %arg4[%dma_wait3A, %dma_wait3A_308] : memref<8x1000000xf32, #tpu.memory_space<any>> -> memref<8x64xf32, #tpu.memory_space<any>>
      tpu.wait_dma2 semaphore(%run_scoped3A : memref<!tpu.dma_semaphore, #tpu.memory_space<semaphore_mem>>) src(%arg7 : memref<8x64xf32, #tpu.memory_space<vmem>>) dst(%dma_wait3A_309 : memref<8x64xf32, #tpu.memory_space<any>>)
      tpu.yield
    }) : () -> ()
    %get3A_13 = arith.constant 0 : index
    %get3A_14 = arith.constant 0 : index
    %get3A_15 = vector.load %arg1[%get3A_13, %get3A_14] : memref<8x65536xf32, #tpu.memory_space<vmem>>, vector<8x65536xf32>
    %get3A_16 = arith.constant 0 : index
    %get3A_17 = arith.constant 0 : index
    %get3A_18 = vector.load %arg2[%get3A_16, %get3A_17] : memref<8x65536xf32, #tpu.memory_space<vmem>>, vector<8x65536xf32>
    %sub3A = arith.subf %get3A_15, %get3A_18 : vector<8x65536xf32>
    %mul3A = arith.constant 2.000000e+00 : f32
    %mul3A_19 = vector.broadcast %mul3A : f32 to vector<8x65536xf32>
    %mul3A_20 = arith.mulf %mul3A_19, %sub3A : vector<8x65536xf32>
    %add3A = arith.addf %get3A_18, %mul3A_20 : vector<8x65536xf32>
    %div3A_21 = arith.constant 8.500000e-01 : f32
    %div3A_22 = vector.broadcast %div3A_21 : f32 to vector<8x65536xf32>
    %div3A_23 = arith.divf %add3A, %div3A_22 : vector<8x65536xf32>
    %iota3A_24 = tpu.iota {dimensions = array<i32: 0>} : vector<8x65536xi32>
    %iota3A_25 = tpu.iota {dimensions = array<i32: 1>} : vector<8x65536xi32>
    %mul3A_26 = arith.constant 1000000 : i32
    %mul3A_27 = vector.broadcast %mul3A_26 : i32 to vector<8x65536xi32>
    %mul3A_28 = arith.muli %iota3A_24, %mul3A_27 : vector<8x65536xi32>
    %add3A_29 = arith.constant 151552 : i32
    %add3A_30 = vector.broadcast %add3A_29 : i32 to vector<8x65536xi32>
    %add3A_31 = arith.addi %iota3A_25, %add3A_30 : vector<8x65536xi32>
    %add3A_32 = arith.addi %mul3A_28, %add3A_31 : vector<8x65536xi32>
    %broadcast_in_dim3A_33 = arith.constant 0 : i32
    %broadcast_in_dim3A_34 = vector.broadcast %broadcast_in_dim3A_33 : i32 to vector<8x65536xi32>
    %add3A_35 = arith.constant 0 : i32
    %add3A_36 = vector.broadcast %add3A_35 : i32 to vector<8x65536xi32>
    %add3A_37 = arith.addi %broadcast_in_dim3A_34, %add3A_36 : vector<8x65536xi32>
    %add3A_38 = arith.constant 1 : i32
    %add3A_39 = vector.broadcast %add3A_38 : i32 to vector<8x65536xi32>
    %add3A_40 = arith.addi %add3A_32, %add3A_39 : vector<8x65536xi32>
    %add3A_41 = arith.addi %add3A_37, %add3A_40 : vector<8x65536xi32>
    %shift_left3A = arith.constant 13 : i32
    %shift_left3A_42 = vector.broadcast %shift_left3A : i32 to vector<8x65536xi32>
    %shift_left3A_43 = arith.shli %add3A_40, %shift_left3A_42 : vector<8x65536xi32>
    %shift_right_logical3A = arith.constant 19 : i32
    %shift_right_logical3A_44 = vector.broadcast %shift_right_logical3A : i32 to vector<8x65536xi32>
    %shift_right_logical3A_45 = arith.shrui %add3A_40, %shift_right_logical3A_44 : vector<8x65536xi32>
    %or3A = arith.ori %shift_left3A_43, %shift_right_logical3A_45 : vector<8x65536xi32>
    %xor3A = arith.xori %add3A_41, %or3A : vector<8x65536xi32>
    %add3A_46 = arith.addi %add3A_41, %xor3A : vector<8x65536xi32>
    %shift_left3A_47 = arith.constant 15 : i32
    %shift_left3A_48 = vector.broadcast %shift_left3A_47 : i32 to vector<8x65536xi32>
    %shift_left3A_49 = arith.shli %xor3A, %shift_left3A_48 : vector<8x65536xi32>
    %shift_right_logical3A_50 = arith.constant 17 : i32
    %shift_right_logical3A_51 = vector.broadcast %shift_right_logical3A_50 : i32 to vector<8x65536xi32>
    %shift_right_logical3A_52 = arith.shrui %xor3A, %shift_right_logical3A_51 : vector<8x65536xi32>
    %or3A_53 = arith.ori %shift_left3A_49, %shift_right_logical3A_52 : vector<8x65536xi32>
    %xor3A_54 = arith.xori %add3A_46, %or3A_53 : vector<8x65536xi32>
    %add3A_55 = arith.addi %add3A_46, %xor3A_54 : vector<8x65536xi32>
    %shift_left3A_56 = arith.constant 26 : i32
    %shift_left3A_57 = vector.broadcast %shift_left3A_56 : i32 to vector<8x65536xi32>
    %shift_left3A_58 = arith.shli %xor3A_54, %shift_left3A_57 : vector<8x65536xi32>
    %shift_right_logical3A_59 = arith.constant 6 : i32
    %shift_right_logical3A_60 = vector.broadcast %shift_right_logical3A_59 : i32 to vector<8x65536xi32>
    %shift_right_logical3A_61 = arith.shrui %xor3A_54, %shift_right_logical3A_60 : vector<8x65536xi32>
    %or3A_62 = arith.ori %shift_left3A_58, %shift_right_logical3A_61 : vector<8x65536xi32>
    %xor3A_63 = arith.xori %add3A_55, %or3A_62 : vector<8x65536xi32>
    %add3A_64 = arith.addi %add3A_55, %xor3A_63 : vector<8x65536xi32>
    %shift_left3A_65 = arith.constant 6 : i32
    %shift_left3A_66 = vector.broadcast %shift_left3A_65 : i32 to vector<8x65536xi32>
    %shift_left3A_67 = arith.shli %xor3A_63, %shift_left3A_66 : vector<8x65536xi32>
    %shift_right_logical3A_68 = arith.constant 26 : i32
    %shift_right_logical3A_69 = vector.broadcast %shift_right_logical3A_68 : i32 to vector<8x65536xi32>
    %shift_right_logical3A_70 = arith.shrui %xor3A_63, %shift_right_logical3A_69 : vector<8x65536xi32>
    %or3A_71 = arith.ori %shift_left3A_67, %shift_right_logical3A_70 : vector<8x65536xi32>
    %xor3A_72 = arith.xori %add3A_64, %or3A_71 : vector<8x65536xi32>
    %add3A_73 = arith.constant 1 : i32
    %add3A_74 = vector.broadcast %add3A_73 : i32 to vector<8x65536xi32>
    %add3A_75 = arith.addi %add3A_64, %add3A_74 : vector<8x65536xi32>
    %add3A_76 = arith.constant 466688987 : i32
    %add3A_77 = vector.broadcast %add3A_76 : i32 to vector<8x65536xi32>
    %add3A_78 = arith.addi %xor3A_72, %add3A_77 : vector<8x65536xi32>
    %add3A_79 = arith.constant 1 : i32
    %add3A_80 = vector.broadcast %add3A_79 : i32 to vector<8x65536xi32>
    %add3A_81 = arith.addi %add3A_78, %add3A_80 : vector<8x65536xi32>
    %add3A_82 = arith.addi %add3A_75, %add3A_81 : vector<8x65536xi32>
    %shift_left3A_83 = arith.constant 17 : i32
    %shift_left3A_84 = vector.broadcast %shift_left3A_83 : i32 to vector<8x65536xi32>
    %shift_left3A_85 = arith.shli %add3A_81, %shift_left3A_84 : vector<8x65536xi32>
    %shift_right_logical3A_86 = arith.constant 15 : i32
    %shift_right_logical3A_87 = vector.broadcast %shift_right_logical3A_86 : i32 to vector<8x65536xi32>
    %shift_right_logical3A_88 = arith.shrui %add3A_81, %shift_right_logical3A_87 : vector<8x65536xi32>
    %or3A_89 = arith.ori %shift_left3A_85, %shift_right_logical3A_88 : vector<8x65536xi32>
    %xor3A_90 = arith.xori %add3A_82, %or3A_89 : vector<8x65536xi32>
    %add3A_91 = arith.addi %add3A_82, %xor3A_90 : vector<8x65536xi32>
    %shift_left3A_92 = arith.constant 29 : i32
    %shift_left3A_93 = vector.broadcast %shift_left3A_92 : i32 to vector<8x65536xi32>
    %shift_left3A_94 = arith.shli %xor3A_90, %shift_left3A_93 : vector<8x65536xi32>
    %shift_right_logical3A_95 = arith.constant 3 : i32
    %shift_right_logical3A_96 = vector.broadcast %shift_right_logical3A_95 : i32 to vector<8x65536xi32>
    %shift_right_logical3A_97 = arith.shrui %xor3A_90, %shift_right_logical3A_96 : vector<8x65536xi32>
    %or3A_98 = arith.ori %shift_left3A_94, %shift_right_logical3A_97 : vector<8x65536xi32>
    %xor3A_99 = arith.xori %add3A_91, %or3A_98 : vector<8x65536xi32>
    %add3A_100 = arith.addi %add3A_91, %xor3A_99 : vector<8x65536xi32>
    %shift_left3A_101 = arith.constant 16 : i32
    %shift_left3A_102 = vector.broadcast %shift_left3A_101 : i32 to vector<8x65536xi32>
    %shift_left3A_103 = arith.shli %xor3A_99, %shift_left3A_102 : vector<8x65536xi32>
    %shift_right_logical3A_104 = arith.constant 16 : i32
    %shift_right_logical3A_105 = vector.broadcast %shift_right_logical3A_104 : i32 to vector<8x65536xi32>
    %shift_right_logical3A_106 = arith.shrui %xor3A_99, %shift_right_logical3A_105 : vector<8x65536xi32>
    %or3A_107 = arith.ori %shift_left3A_103, %shift_right_logical3A_106 : vector<8x65536xi32>
    %xor3A_108 = arith.xori %add3A_100, %or3A_107 : vector<8x65536xi32>
    %add3A_109 = arith.addi %add3A_100, %xor3A_108 : vector<8x65536xi32>
    %shift_left3A_110 = arith.constant 24 : i32
    %shift_left3A_111 = vector.broadcast %shift_left3A_110 : i32 to vector<8x65536xi32>
    %shift_left3A_112 = arith.shli %xor3A_108, %shift_left3A_111 : vector<8x65536xi32>
    %shift_right_logical3A_113 = arith.constant 8 : i32
    %shift_right_logical3A_114 = vector.broadcast %shift_right_logical3A_113 : i32 to vector<8x65536xi32>
    %shift_right_logical3A_115 = arith.shrui %xor3A_108, %shift_right_logical3A_114 : vector<8x65536xi32>
    %or3A_116 = arith.ori %shift_left3A_112, %shift_right_logical3A_115 : vector<8x65536xi32>
    %xor3A_117 = arith.xori %add3A_109, %or3A_116 : vector<8x65536xi32>
    %add3A_118 = arith.constant 466688987 : i32
    %add3A_119 = vector.broadcast %add3A_118 : i32 to vector<8x65536xi32>
    %add3A_120 = arith.addi %add3A_109, %add3A_119 : vector<8x65536xi32>
    %add3A_121 = arith.constant 0 : i32
    %add3A_122 = vector.broadcast %add3A_121 : i32 to vector<8x65536xi32>
    %add3A_123 = arith.addi %xor3A_117, %add3A_122 : vector<8x65536xi32>
    %add3A_124 = arith.constant 2 : i32
    %add3A_125 = vector.broadcast %add3A_124 : i32 to vector<8x65536xi32>
    %add3A_126 = arith.addi %add3A_123, %add3A_125 : vector<8x65536xi32>
    %add3A_127 = arith.addi %add3A_120, %add3A_126 : vector<8x65536xi32>
    %shift_left3A_128 = arith.constant 13 : i32
    %shift_left3A_129 = vector.broadcast %shift_left3A_128 : i32 to vector<8x65536xi32>
    %shift_left3A_130 = arith.shli %add3A_126, %shift_left3A_129 : vector<8x65536xi32>
    %shift_right_logical3A_131 = arith.constant 19 : i32
    %shift_right_logical3A_132 = vector.broadcast %shift_right_logical3A_131 : i32 to vector<8x65536xi32>
    %shift_right_logical3A_133 = arith.shrui %add3A_126, %shift_right_logical3A_132 : vector<8x65536xi32>
    %or3A_134 = arith.ori %shift_left3A_130, %shift_right_logical3A_133 : vector<8x65536xi32>
    %xor3A_135 = arith.xori %add3A_127, %or3A_134 : vector<8x65536xi32>
    %add3A_136 = arith.addi %add3A_127, %xor3A_135 : vector<8x65536xi32>
    %shift_left3A_137 = arith.constant 15 : i32
    %shift_left3A_138 = vector.broadcast %shift_left3A_137 : i32 to vector<8x65536xi32>
    %shift_left3A_139 = arith.shli %xor3A_135, %shift_left3A_138 : vector<8x65536xi32>
    %shift_right_logical3A_140 = arith.constant 17 : i32
    %shift_right_logical3A_141 = vector.broadcast %shift_right_logical3A_140 : i32 to vector<8x65536xi32>
    %shift_right_logical3A_142 = arith.shrui %xor3A_135, %shift_right_logical3A_141 : vector<8x65536xi32>
    %or3A_143 = arith.ori %shift_left3A_139, %shift_right_logical3A_142 : vector<8x65536xi32>
    %xor3A_144 = arith.xori %add3A_136, %or3A_143 : vector<8x65536xi32>
    %add3A_145 = arith.addi %add3A_136, %xor3A_144 : vector<8x65536xi32>
    %shift_left3A_146 = arith.constant 26 : i32
    %shift_left3A_147 = vector.broadcast %shift_left3A_146 : i32 to vector<8x65536xi32>
    %shift_left3A_148 = arith.shli %xor3A_144, %shift_left3A_147 : vector<8x65536xi32>
    %shift_right_logical3A_149 = arith.constant 6 : i32
    %shift_right_logical3A_150 = vector.broadcast %shift_right_logical3A_149 : i32 to vector<8x65536xi32>
    %shift_right_logical3A_151 = arith.shrui %xor3A_144, %shift_right_logical3A_150 : vector<8x65536xi32>
    %or3A_152 = arith.ori %shift_left3A_148, %shift_right_logical3A_151 : vector<8x65536xi32>
    %xor3A_153 = arith.xori %add3A_145, %or3A_152 : vector<8x65536xi32>
    %add3A_154 = arith.addi %add3A_145, %xor3A_153 : vector<8x65536xi32>
    %shift_left3A_155 = arith.constant 6 : i32
    %shift_left3A_156 = vector.broadcast %shift_left3A_155 : i32 to vector<8x65536xi32>
    %shift_left3A_157 = arith.shli %xor3A_153, %shift_left3A_156 : vector<8x65536xi32>
    %shift_right_logical3A_158 = arith.constant 26 : i32
    %shift_right_logical3A_159 = vector.broadcast %shift_right_logical3A_158 : i32 to vector<8x65536xi32>
    %shift_right_logical3A_160 = arith.shrui %xor3A_153, %shift_right_logical3A_159 : vector<8x65536xi32>
    %or3A_161 = arith.ori %shift_left3A_157, %shift_right_logical3A_160 : vector<8x65536xi32>
    %xor3A_162 = arith.xori %add3A_154, %or3A_161 : vector<8x65536xi32>
    %add3A_163 = arith.constant 0 : i32
    %add3A_164 = vector.broadcast %add3A_163 : i32 to vector<8x65536xi32>
    %add3A_165 = arith.addi %add3A_154, %add3A_164 : vector<8x65536xi32>
    %add3A_166 = arith.constant 1 : i32
    %add3A_167 = vector.broadcast %add3A_166 : i32 to vector<8x65536xi32>
    %add3A_168 = arith.addi %xor3A_162, %add3A_167 : vector<8x65536xi32>
    %add3A_169 = arith.constant 3 : i32
    %add3A_170 = vector.broadcast %add3A_169 : i32 to vector<8x65536xi32>
    %add3A_171 = arith.addi %add3A_168, %add3A_170 : vector<8x65536xi32>
    %add3A_172 = arith.addi %add3A_165, %add3A_171 : vector<8x65536xi32>
    %shift_left3A_173 = arith.constant 17 : i32
    %shift_left3A_174 = vector.broadcast %shift_left3A_173 : i32 to vector<8x65536xi32>
    %shift_left3A_175 = arith.shli %add3A_171, %shift_left3A_174 : vector<8x65536xi32>
    %shift_right_logical3A_176 = arith.constant 15 : i32
    %shift_right_logical3A_177 = vector.broadcast %shift_right_logical3A_176 : i32 to vector<8x65536xi32>
    %shift_right_logical3A_178 = arith.shrui %add3A_171, %shift_right_logical3A_177 : vector<8x65536xi32>
    %or3A_179 = arith.ori %shift_left3A_175, %shift_right_logical3A_178 : vector<8x65536xi32>
    %xor3A_180 = arith.xori %add3A_172, %or3A_179 : vector<8x65536xi32>
    %add3A_181 = arith.addi %add3A_172, %xor3A_180 : vector<8x65536xi32>
    %shift_left3A_182 = arith.constant 29 : i32
    %shift_left3A_183 = vector.broadcast %shift_left3A_182 : i32 to vector<8x65536xi32>
    %shift_left3A_184 = arith.shli %xor3A_180, %shift_left3A_183 : vector<8x65536xi32>
    %shift_right_logical3A_185 = arith.constant 3 : i32
    %shift_right_logical3A_186 = vector.broadcast %shift_right_logical3A_185 : i32 to vector<8x65536xi32>
    %shift_right_logical3A_187 = arith.shrui %xor3A_180, %shift_right_logical3A_186 : vector<8x65536xi32>
    %or3A_188 = arith.ori %shift_left3A_184, %shift_right_logical3A_187 : vector<8x65536xi32>
    %xor3A_189 = arith.xori %add3A_181, %or3A_188 : vector<8x65536xi32>
    %add3A_190 = arith.addi %add3A_181, %xor3A_189 : vector<8x65536xi32>
    %shift_left3A_191 = arith.constant 16 : i32
    %shift_left3A_192 = vector.broadcast %shift_left3A_191 : i32 to vector<8x65536xi32>
    %shift_left3A_193 = arith.shli %xor3A_189, %shift_left3A_192 : vector<8x65536xi32>
    %shift_right_logical3A_194 = arith.constant 16 : i32
    %shift_right_logical3A_195 = vector.broadcast %shift_right_logical3A_194 : i32 to vector<8x65536xi32>
    %shift_right_logical3A_196 = arith.shrui %xor3A_189, %shift_right_logical3A_195 : vector<8x65536xi32>
    %or3A_197 = arith.ori %shift_left3A_193, %shift_right_logical3A_196 : vector<8x65536xi32>
    %xor3A_198 = arith.xori %add3A_190, %or3A_197 : vector<8x65536xi32>
    %add3A_199 = arith.addi %add3A_190, %xor3A_198 : vector<8x65536xi32>
    %shift_left3A_200 = arith.constant 24 : i32
    %shift_left3A_201 = vector.broadcast %shift_left3A_200 : i32 to vector<8x65536xi32>
    %shift_left3A_202 = arith.shli %xor3A_198, %shift_left3A_201 : vector<8x65536xi32>
    %shift_right_logical3A_203 = arith.constant 8 : i32
    %shift_right_logical3A_204 = vector.broadcast %shift_right_logical3A_203 : i32 to vector<8x65536xi32>
    %shift_right_logical3A_205 = arith.shrui %xor3A_198, %shift_right_logical3A_204 : vector<8x65536xi32>
    %or3A_206 = arith.ori %shift_left3A_202, %shift_right_logical3A_205 : vector<8x65536xi32>
    %xor3A_207 = arith.xori %add3A_199, %or3A_206 : vector<8x65536xi32>
    %add3A_208 = arith.constant 1 : i32
    %add3A_209 = vector.broadcast %add3A_208 : i32 to vector<8x65536xi32>
    %add3A_210 = arith.addi %add3A_199, %add3A_209 : vector<8x65536xi32>
    %add3A_211 = arith.constant 466688987 : i32
    %add3A_212 = vector.broadcast %add3A_211 : i32 to vector<8x65536xi32>
    %add3A_213 = arith.addi %xor3A_207, %add3A_212 : vector<8x65536xi32>
    %add3A_214 = arith.constant 4 : i32
    %add3A_215 = vector.broadcast %add3A_214 : i32 to vector<8x65536xi32>
    %add3A_216 = arith.addi %add3A_213, %add3A_215 : vector<8x65536xi32>
    %add3A_217 = arith.addi %add3A_210, %add3A_216 : vector<8x65536xi32>
    %shift_left3A_218 = arith.constant 13 : i32
    %shift_left3A_219 = vector.broadcast %shift_left3A_218 : i32 to vector<8x65536xi32>
    %shift_left3A_220 = arith.shli %add3A_216, %shift_left3A_219 : vector<8x65536xi32>
    %shift_right_logical3A_221 = arith.constant 19 : i32
    %shift_right_logical3A_222 = vector.broadcast %shift_right_logical3A_221 : i32 to vector<8x65536xi32>
    %shift_right_logical3A_223 = arith.shrui %add3A_216, %shift_right_logical3A_222 : vector<8x65536xi32>
    %or3A_224 = arith.ori %shift_left3A_220, %shift_right_logical3A_223 : vector<8x65536xi32>
    %xor3A_225 = arith.xori %add3A_217, %or3A_224 : vector<8x65536xi32>
    %add3A_226 = arith.addi %add3A_217, %xor3A_225 : vector<8x65536xi32>
    %shift_left3A_227 = arith.constant 15 : i32
    %shift_left3A_228 = vector.broadcast %shift_left3A_227 : i32 to vector<8x65536xi32>
    %shift_left3A_229 = arith.shli %xor3A_225, %shift_left3A_228 : vector<8x65536xi32>
    %shift_right_logical3A_230 = arith.constant 17 : i32
    %shift_right_logical3A_231 = vector.broadcast %shift_right_logical3A_230 : i32 to vector<8x65536xi32>
    %shift_right_logical3A_232 = arith.shrui %xor3A_225, %shift_right_logical3A_231 : vector<8x65536xi32>
    %or3A_233 = arith.ori %shift_left3A_229, %shift_right_logical3A_232 : vector<8x65536xi32>
    %xor3A_234 = arith.xori %add3A_226, %or3A_233 : vector<8x65536xi32>
    %add3A_235 = arith.addi %add3A_226, %xor3A_234 : vector<8x65536xi32>
    %shift_left3A_236 = arith.constant 26 : i32
    %shift_left3A_237 = vector.broadcast %shift_left3A_236 : i32 to vector<8x65536xi32>
    %shift_left3A_238 = arith.shli %xor3A_234, %shift_left3A_237 : vector<8x65536xi32>
    %shift_right_logical3A_239 = arith.constant 6 : i32
    %shift_right_logical3A_240 = vector.broadcast %shift_right_logical3A_239 : i32 to vector<8x65536xi32>
    %shift_right_logical3A_241 = arith.shrui %xor3A_234, %shift_right_logical3A_240 : vector<8x65536xi32>
    %or3A_242 = arith.ori %shift_left3A_238, %shift_right_logical3A_241 : vector<8x65536xi32>
    %xor3A_243 = arith.xori %add3A_235, %or3A_242 : vector<8x65536xi32>
    %add3A_244 = arith.addi %add3A_235, %xor3A_243 : vector<8x65536xi32>
    %shift_left3A_245 = arith.constant 6 : i32
    %shift_left3A_246 = vector.broadcast %shift_left3A_245 : i32 to vector<8x65536xi32>
    %shift_left3A_247 = arith.shli %xor3A_243, %shift_left3A_246 : vector<8x65536xi32>
    %shift_right_logical3A_248 = arith.constant 26 : i32
    %shift_right_logical3A_249 = vector.broadcast %shift_right_logical3A_248 : i32 to vector<8x65536xi32>
    %shift_right_logical3A_250 = arith.shrui %xor3A_243, %shift_right_logical3A_249 : vector<8x65536xi32>
    %or3A_251 = arith.ori %shift_left3A_247, %shift_right_logical3A_250 : vector<8x65536xi32>
    %xor3A_252 = arith.xori %add3A_244, %or3A_251 : vector<8x65536xi32>
    %add3A_253 = arith.constant 466688987 : i32
    %add3A_254 = vector.broadcast %add3A_253 : i32 to vector<8x65536xi32>
    %add3A_255 = arith.addi %add3A_244, %add3A_254 : vector<8x65536xi32>
    %add3A_256 = arith.constant 0 : i32
    %add3A_257 = vector.broadcast %add3A_256 : i32 to vector<8x65536xi32>
    %add3A_258 = arith.addi %xor3A_252, %add3A_257 : vector<8x65536xi32>
    %add3A_259 = arith.constant 5 : i32
    %add3A_260 = vector.broadcast %add3A_259 : i32 to vector<8x65536xi32>
    %add3A_261 = arith.addi %add3A_258, %add3A_260 : vector<8x65536xi32>
    %xor3A_262 = arith.xori %add3A_255, %add3A_261 : vector<8x65536xi32>
    %shift_right_logical3A_263 = arith.constant 9 : i32
    %shift_right_logical3A_264 = vector.broadcast %shift_right_logical3A_263 : i32 to vector<8x65536xi32>
    %shift_right_logical3A_265 = arith.shrui %xor3A_262, %shift_right_logical3A_264 : vector<8x65536xi32>
    %or3A_266 = arith.constant 1065353216 : i32
    %or3A_267 = vector.broadcast %or3A_266 : i32 to vector<8x65536xi32>
    %or3A_268 = arith.ori %shift_right_logical3A_265, %or3A_267 : vector<8x65536xi32>
    %bitcast_convert_type3A = tpu.bitcast %or3A_268 : vector<8x65536xi32> -> vector<8x65536xf32>
    %sub3A_269 = arith.constant 1.000000e+00 : f32
    %sub3A_270 = vector.broadcast %sub3A_269 : f32 to vector<8x65536xf32>
    %sub3A_271 = arith.subf %bitcast_convert_type3A, %sub3A_270 : vector<8x65536xf32>
    %sub3A_272 = arith.constant 1.000000e+00 : f32
    %sub3A_273 = arith.constant 1.17549435E-38 : f32
    %sub3A_274 = arith.subf %sub3A_272, %sub3A_273 : f32
    %mul3A_275 = vector.broadcast %sub3A_274 : f32 to vector<8x65536xf32>
    %mul3A_276 = arith.mulf %sub3A_271, %mul3A_275 : vector<8x65536xf32>
    %add3A_277 = arith.constant 1.17549435E-38 : f32
    %add3A_278 = vector.broadcast %add3A_277 : f32 to vector<8x65536xf32>
    %add3A_279 = arith.addf %mul3A_276, %add3A_278 : vector<8x65536xf32>
    %max3A = arith.constant 1.17549435E-38 : f32
    %max3A_280 = vector.broadcast %max3A : f32 to vector<8x65536xf32>
    %max3A_281 = arith.maximumf %max3A_280, %add3A_279 : vector<8x65536xf32>
    %log3A = math.log %max3A_281 : vector<8x65536xf32>
    %neg3A = arith.constant 0.000000e+00 : f32
    %neg3A_282 = vector.broadcast %neg3A : f32 to vector<8x65536xf32>
    %neg3A_283 = arith.subf %neg3A_282, %log3A : vector<8x65536xf32>
    %log3A_284 = math.log %neg3A_283 : vector<8x65536xf32>
    %neg3A_285 = arith.constant 0.000000e+00 : f32
    %neg3A_286 = vector.broadcast %neg3A_285 : f32 to vector<8x65536xf32>
    %neg3A_287 = arith.subf %neg3A_286, %log3A_284 : vector<8x65536xf32>
    %add3A_288 = arith.addf %div3A_23, %neg3A_287 : vector<8x65536xf32>
    %jit3A = arith.constant 0xFF800000 : f32
    %broadcast_in_dim3A_289 = vector.broadcast %jit3A : f32 to vector<8x65536xf32>
    %select_n3A = arith.select %gt3A_3, %add3A_288, %broadcast_in_dim3A_289 : vector<8x65536xi1>, vector<8x65536xf32>
    %reduce_max3A = arith.constant dense<0xFF800000> : vector<8xf32>
    %reduce_max3A_290 = vector.multi_reduction <maximumf>, %select_n3A, %reduce_max3A [1] : vector<8x65536xf32> to vector<8xf32>
    %broadcast_in_dim3A_291 = vector.shape_cast %reduce_max3A_290 : vector<8xf32> to vector<8x1xf32>
    %eq3A = vector.broadcast %broadcast_in_dim3A_291 : vector<8x1xf32> to vector<8x65536xf32>
    %eq3A_292 = arith.cmpf oeq, %select_n3A, %eq3A : vector<8x65536xf32>
    %jit3A_293 = arith.constant 131072 : i32
    %broadcast_in_dim3A_294 = vector.broadcast %jit3A_293 : i32 to vector<8x65536xi32>
    %select_n3A_295 = arith.select %eq3A_292, %iota3A, %broadcast_in_dim3A_294 : vector<8x65536xi1>, vector<8x65536xi32>
    %reduce_min3A = arith.constant dense<2147483647> : vector<8xi32>
    %reduce_min3A_296 = vector.multi_reduction <minsi>, %select_n3A_295, %reduce_min3A [1] : vector<8x65536xi32> to vector<8xi32>
    %broadcast_in_dim3A_297 = vector.shape_cast %reduce_min3A_296 : vector<8xi32> to vector<8x1xi32>
    %add3A_298 = arith.constant 151552 : i32
    %add3A_299 = vector.broadcast %add3A_298 : i32 to vector<8x1xi32>
    %add3A_300 = arith.addi %broadcast_in_dim3A_297, %add3A_299 : vector<8x1xi32>
    %broadcast_in_dim3A_301 = vector.shape_cast %add3A_300 : vector<8x1xi32> to vector<8x1xi32>
    %broadcast_in_dim3A_302 = vector.broadcast %broadcast_in_dim3A_301 : vector<8x1xi32> to vector<8x128xi32>
    %swap3A_303 = arith.constant 0 : index
    %swap3A_304 = arith.constant 0 : index
    %swap3A_305 = vector.load %arg5[%swap3A_303, %swap3A_304] : memref<8x128xi32, #tpu.memory_space<vmem>>, vector<8x128xi32>
    tpu.vector_store %arg5[%swap3A_303, %swap3A_304], %broadcast_in_dim3A_302 {strides = array<i32>} : memref<8x128xi32, #tpu.memory_space<vmem>>, vector<8x128xi32>,
    return
  }
}

</mosaic_0001>

<sc_bundles>
// kernel: kernel.4.cloned.1.call-start
scs
__scs_entry_jumppad:
0x0: {  	(pc) =	sbr.rel $0x88, $3  }
0x1: {  	(tag) =	ssettag $0x0;
	lr =	simm.s32 $0x1  }
0x2: {  	[smem:$0x3F9F] =	sst lr;
	_ =	strace $0xD0000000  }
0x3: {  	_ = 	snop  }
0x4: {  	_ = 	snop  }
0x5: {  	_ = 	snop  }
0x6: {  	_ = 	snop  }
0x7: {  	_ = 	snop  }
__scs_overlays_trampoline_lowered:
0x8: {  	[smem:$0x3FAE] =	sst s0  }
0x9: {  	[smem:$0x3FAF] =	sst s1  }
0xa: {  	[smem:$0x3FB0] =	sst s2  }
0xb: {  	[smem:$0x3FB1] =	sst s3  }
0xc: {  	[smem:$0x3FB2] =	sst s4  }
0xd: {  	[smem:$0x3FB3] =	sst s5  }
0xe: {  	[smem:$0x3FB4] =	sst s6  }
0xf: {  	[smem:$0x3FB5] =	sst s7  }
0x10: {  	[smem:$0x3FB6] =	sst s8  }
0x11: {  	[smem:$0x3FB7] =	sst s9;
	s0 =	simm.s32 @!p0 $0x0  }
0x12: {  	s1 =	sld [smem:$0x3F9D];
	s0 =	simm.s32 @p0 $0x1  }
0x13: {  	[smem:$0x3FB8] =	sst s0;
	s0 =	simm.s32 @!p1 $0x0  }
0x14: {  	s2 =	sld [smem:$0x3F9C];
	s0 =	simm.s32 @p1 $0x1  }
0x15: {  	[smem:$0x3FB9] =	sst s0;
	s0 =	simm.s32 @!p2 $0x0  }
0x16: {  	s3 =	sld [smem:$0x3FDB];
	s0 =	simm.s32 @p2 $0x1  }
0x17: {  	s4 =	simm.s32 $0x1BF5;
	[smem:$0x3FBB] =	sst s0  }
0x18: {  	s0 =	sld [smem:$0x3F9E];
	_ =	swait.ge [sflag:s4], $0x0  }
0x19: {  	s7 =	sld [smem:$0x3F9F]  }
0x1a: {  	s8 =	sadd.s32 $0xFFFFE003, lr  }
0x1b: {  	s9 =	sadd.s32 $0xFFFFFEF7, lr;
	s5 =	simm.s32 $0xFFFFFFFF;
	p2 =	slt.u32 s8, $0xFFFFF086  }
0x1c: {  	p1 =	slt.u32 s9, $0xF7A;
	s5 =	simm.s32 @!p2 $0x0  }
0x1d: {  	s5 =	simm.s32 @p1 $0x1;
	p0 =	seq.s32 s7, s2  }
0x1e: {  	s7 =	smul.u32 @!p0 $0xF7A, s2;
	p2 =	seq.s32 @!p0 s5, $0x0  }
0x1f: {  	s9 =	smul.u32 $0xF7A, s1;
	s8 =	simm.s32 @!p0 $0x1BF5;
	p2 =	por !p2, p0  }
0x20: {  	[sflag:s8] =	ssyncset.s32 @!p0 $0xFFFFF086;
	s6 =	sadd.s32 @!p0 s3, s7;
	s7 =	simm.s32 @!p0 $0x108  }
0x21: {  	s3 =	sadd.s32 s3, s9;
	s6 =	sadd.s32 @!p0 $0x88, s6;
	s7 =	simm.s32 @p2 $0x1082  }
0x22: {  	[simem:s7], [sflag:s8] =	dma.local @!p0 [hbm:s6], $0xF7A  }
0x23: {  	s9 =	sor.u32 $0xD0000000, s2;
	s6 =	simm.s32 $0x108;
	_ =	swait.ge @!p0 [sflag:s8], $0x0  }
0x24: {  	s3 =	sadd.s32 $0x88, s3;
	s6 =	simm.s32 @!p1 $0x1082;
	[sflag:s4] =	ssyncset.s32 $0xFFFFF086  }
0x25: {  	[simem:s6], [sflag:s4] =	dma.local [hbm:s3], $0xF7A  }
0x26: {  	[smem:$0x3F9F] =	sst s1;
	(tag) =	ssettag s2;
	_ =	strace s9  }
0x27: {  	s1 =	sld [smem:$0x3FAF]  }
0x28: {  	s2 =	sld [smem:$0x3FB0]  }
0x29: {  	s4 =	sld [smem:$0x3FB2]  }
0x2a: {  	p0 =	seq.s32 s5, $0x0;
	s5 =	sld [smem:$0x3FB3]  }
0x2b: {  	s6 =	sld [smem:$0x3FB4]  }
0x2c: {  	s7 =	sld [smem:$0x3FB5]  }
0x2d: {  	s3 =	simm.s32 $0x108;
	s8 =	sld [smem:$0x3FB6]  }
0x2e: {  	s3 =	simm.s32 @!p0 $0x1082;
	s9 =	sld [smem:$0x3FB7]  }
0x2f: {  	lr =	sadd.s32 s0, s3;
	s0 =	sld [smem:$0x3FAE]  }
0x30: {  	s3 =	sld [smem:$0x3FB1]  }
0x31: {  	[smem:$0x3FBA] =	sst s10  }
0x32: {  	s10 =	sld [smem:$0x3FB8];
	_ =	sdelay $0x3  }
0x33: {  	p0 =	seq.s32 s10, $0x1;
	s10 =	sld [smem:$0x3FBA];
	_ =	sdelay $0x3  }
0x34: {  	[smem:$0x3FBA] =	sst s10  }
0x35: {  	s10 =	sld [smem:$0x3FB9];
	_ =	sdelay $0x3  }
0x36: {  	p1 =	seq.s32 s10, $0x1;
	s10 =	sld [smem:$0x3FBA];
	_ =	sdelay $0x3  }
0x37: {  	[smem:$0x3FBA] =	sst s10  }
0x38: {  	s10 =	sld [smem:$0x3FBB]  }
0x39: {  	_ = 	snop;
	(pc) =	sbr.ind lr, $3  }
0x3a: {  	_ = 	snop  }
0x3b: {  	_ = 	snop  }
0x3c: {  	p2 =	seq.s32 s10, $0x1;
	s10 =	sld [smem:$0x3FBA]  }
0x3d: {  	_ =	shalt  }
0x3e: {  	_ =	shalt  }
0x3f: {  	_ =	shalt  }
0x40: {  	_ =	shalt  }
0x41: {  	_ =	shalt  }
0x42: {  	_ =	shalt  }
0x43: {  	_ =	shalt  }
0x44: {  	_ =	shalt  }
0x45: {  	_ =	shalt  }
0x46: {  	_ =	shalt  }
0x47: {  	_ =	shalt  }
0x48: {  	_ =	shalt  }
0x49: {  	_ =	shalt  }
0x4a: {  	_ =	shalt  }
0x4b: {  	_ =	shalt  }
0x4c: {  	_ =	shalt  }
0x4d: {  	_ =	shalt  }
0x4e: {  	_ =	shalt  }
0x4f: {  	_ =	shalt  }
0x50: {  	_ =	shalt  }
0x51: {  	_ =	shalt  }
0x52: {  	_ =	shalt  }
0x53: {  	_ =	shalt  }
0x54: {  	_ =	shalt  }
0x55: {  	_ =	shalt  }
0x56: {  	_ =	shalt  }
0x57: {  	_ =	shalt  }
0x58: {  	_ =	shalt  }
0x59: {  	_ =	shalt  }
0x5a: {  	_ =	shalt  }
0x5b: {  	_ =	shalt  }
0x5c: {  	_ =	shalt  }
0x5d: {  	_ =	shalt  }
0x5e: {  	_ =	shalt  }
0x5f: {  	_ =	shalt  }
0x60: {  	_ =	shalt  }
0x61: {  	_ =	shalt  }
0x62: {  	_ =	shalt  }
0x63: {  	_ =	shalt  }
0x64: {  	_ =	shalt  }
0x65: {  	_ =	shalt  }
0x66: {  	_ =	shalt  }
0x67: {  	_ =	shalt  }
0x68: {  	_ =	shalt  }
0x69: {  	_ =	shalt  }
0x6a: {  	_ =	shalt  }
0x6b: {  	_ =	shalt  }
0x6c: {  	_ =	shalt  }
0x6d: {  	_ =	shalt  }
0x6e: {  	_ =	shalt  }
0x6f: {  	_ =	shalt  }
0x70: {  	_ =	shalt  }
0x71: {  	_ =	shalt  }
0x72: {  	_ =	shalt  }
0x73: {  	_ =	shalt  }
0x74: {  	_ =	shalt  }
0x75: {  	_ =	shalt  }
0x76: {  	_ =	shalt  }
0x77: {  	_ =	shalt  }
0x78: {  	_ =	shalt  }
0x79: {  	_ =	shalt  }
0x7a: {  	_ =	shalt  }
0x7b: {  	_ =	shalt  }
0x7c: {  	_ =	shalt  }
0x7d: {  	_ =	shalt  }
0x7e: {  	_ =	shalt  }
0x7f: {  	_ =	shalt  }
0x80: {  	_ =	shalt  }
0x81: {  	_ =	shalt  }
0x82: {  	_ =	shalt  }
0x83: {  	_ =	shalt  }
0x84: {  	_ =	shalt  }
0x85: {  	_ =	shalt  }
0x86: {  	_ =	shalt  }
0x87: {  	_ =	shalt  }
.Lfunc_end0:
.L_simem_size_0:
called_computation_lowered:
.L_overlay_start_0:
0x88: {  	s2 =	sld [smem:$0x3FD9]  }
0x89: {  	s3 =	sld [smem:$0x3FFE];
	_ =	sdelay $0x1  }
0x8a: {  	s1 =	srdreg.scid  }
0x8b: {  	s0 =	sand.u32 $0x1, s1  }
0x8c: {  	s14 =	sshll.u32 s0, $0xA;
	s2 =	sadd.s32 s3, s2  }
0x8d: {  	s2 =	sadd.s32 s2, s14  }
0x8e: {  	[smem:$0x3FC6] =	sst s2  }
0x8f: {  	_ = 	snop  }
0x90: {  	s2 =	sld [smem:$0x3FD0];
	_ =	sdelay $0x2  }
0x91: {  	s15 =	simm.s32 $0xA;
	s4 =	simm.s32 $0x10  }
0x92: {  	[smem:s4], [sflag:s15] =	dma.local [hbm:s2], $0x1  }
0x93: {  	_ =	swait.eq [sflag:s15], $0x1  }
0x94: {  	[sflag:s15] =	ssyncset.done $0x0  }
0x95: {  	[sflag:s15] =	ssyncadd.s32 $0xFFFFFFFF  }
0x96: {  	s16 =	sld [smem:$0x10];
	(tm) =	ssettm $0x1  }
0x97: {  	s17 =	sld [smem:$0x3FFB];
	_ =	sdelay $0x3  }
0x98: {  	_ =	strace s17  }
0x99: {  	s3 =	sld [smem:$0x3FFC];
	_ =	sdelay $0x3  }
0x9a: {  	_ =	strace s3  }
0x9b: {  	s3 =	sld [smem:$0x3FFD];
	_ =	sdelay $0x3  }
0x9c: {  	_ =	strace s3  }
0x9d: {  	_ =	strace $0x8FFFFFFF  }
0x9e: {  	s18 =	sld [smem:$0x3FDB];
	_ =	sdelay $0x1  }
0x9f: {  	s19 =	simm.s32 $_scs_section_size  }
0xa0: {  	s5 =	simm.s32 $_size__tile_overlayer_lowered;
	s6 =	simm.s32 $_tile_overlayer_lowered  }
0xa1: {  	s22 =	simm.s32 $0x1BFF;
	s21 =	sshll.u32 s6, $0x1;
	s3 =	sadd.s32 s19, s18  }
0xa2: {  	s7 =	simm.s32 $0x0;
	s20 =	sshll.u32 s5, $0x1;
	s5 =	sadd.s32 s21, s3  }
0xa3: {  	[timem:s7], [sflag:s22] =	dma.local [hbm:s5], s20  }
0xa4: {  	_ =	swait.ge [sflag:s22], s20  }
0xa5: {  	s4 =	ssub.s32 $0x0, s20;
	[sflag:s22] =	ssyncset.done $0x0  }
0xa6: {  	[sflag:s22] =	ssyncadd.s32 s4;
	_ =	sdelay $0x1  }
0xa7: {  	s23 =	simm.s32 $0x1B8B  }
0xa8: {  	_ =	swait.ge [sflag:s23], $0x1  }
0xa9: {  	[sflag:s23] =	ssyncset.done $0x0  }
0xaa: {  	s25 =	simm.s32 $0x1B8E;
	s24 =	sld [smem:$0x3FFE];
	[sflag:s23] =	ssyncadd.s32 $0xFFFFFFFF  }
0xab: {  	s26 =	simm.s32 $execute0_lowered;
	[smem:$0x3FD2] =	sst s25  }
0xac: {  	s5 =	sshll.u32 s26, $0x1;
	_ =	strace $0x80000046;
	[dreg:$0x1] =	wrdreg $0xFFFFFFFF  }
0xad: {  	s28 =	simm.s32 $_size_execute0_lowered;
	s3 =	sadd.s32 s3, s5;
	[dreg:$0x0] =	wrdreg $0x0  }
0xae: {  	s5 =	sshll.u32 s28, $0x1;
	[dreg:$0x2] =	wrdreg s3  }
0xaf: {  	[dreg:$0x3] =	wrdreg s5  }
0xb0: {  	[dreg:$0x4] =	wrdreg $0xC0  }
0xb1: {  	_ =	task [dreg:s7], $0x5FFFF  }
0xb2: {  	[dreg:$0x1] =	wrdreg $0xFFFFFFFF  }
0xb3: {  	[dreg:$0x0] =	wrdreg $0x60  }
0xb4: {  	[dreg:$0x2] =	wrdreg s24  }
0xb5: {  	[dreg:$0x3] =	wrdreg s16  }
0xb6: {  	[dreg:$0x4] =	wrdreg $0x9  }
0xb7: {  	_ =	task.clear_ibuf [dreg:s7], $0x5FFFF;
	_ =	strace $0x90000046  }
0xb8: {  	s29 =	simm.s32 $0x9;
	_ =	strace $0x80000048  }
0xb9: {  	_ =	swait.ge [sflag:s29], $0x1  }
0xba: {  	[sflag:s29] =	ssyncadd.s32 $0xFFFFFFFF  }
0xbb: {  	_ =	strace $0x90000048  }
0xbc: {  	_ =	sfence  }
0xbd: {  	s30 =	sld [smem:$0x0];
	_ =	sdelay $0x2  }
0xbe: {  	s31 =	sshll.u32 s1, $0xD;
	s1 =	sshrl.u32 s1, $0x2  }
0xbf: {  	s3 =	sand.u32 $0x4000, s31;
	s1 =	sadd.s32 s1, s30  }
0xc0: {  	s0 =	sor.u32 s3, s0;
	s1 =	sshll.u32 s1, $0x11  }
0xc1: {  	s0 =	sor.u32 s1, s0  }
0xc2: {  	s0 =	sadd.s32 $0x8F2B, s0  }
0xc3: {  	[sflag:s0] =	ssyncadd.remote.s32 $0x1  }
0xc4: {  	_ =	sfence.sel $0xFFFF  }
0xc5: {  	[dreg:$0x0] =	wrdreg $0xFFFFFFFF;
	(pc) =	sbr.abs _section_cstart, $3  }
0xc6: {  	[dreg:$0x1] =	wrdreg $0xFFFFFFFF  }
0xc7: {  	_ =	task.clear_ibuf [dreg:s7], $0x2FFFF;
	_ =	strace $0x9FFFFFFF  }
0xc8: {  	(tm) =	ssettm $0x7FFFFFFF  }
0xc9: {  	_ =	shalt  }
tec
execute0_lowered:
.L_overlay_start_1:
0x0: {  	(tag) =	ssettag $0x1  }
0x1: {  	s3 =	stileid.u32  }
0x2: {  	p0 =	sgt.u32 s3, $0x3  }
.Ltmp0:
0x3: {  	_ = 	snop;
	(pc) =	sbr.rel @p0 .LBB2_37-.Ltmp0, $4  }
0x4: {  	_ = 	snop  }
0x5: {  	s0 =	rddreg [dreg:$0x0];
	s2 =	simm.s32 $0x0  }
0x6: {  	[smem:$0x7FF] =	sst s2  }
0x7: {  	s1 =	rddreg [dreg:$0x1];
	_ =	strace $0x80000047  }
0x8: {  	s3 =	srdreg.scid  }
0x9: {  	s20 =	stileid.u32;
	s6 =	sand.u32 $0x1, s3  }
0xa: {  	s3 =	sshll.u32 s20, $0x8;
	s4 =	sshll.u32 s6, $0x7  }
0xb: {  	s3 =	sor.u32 s4, s3  }
0xc: {  	s8 =	sadd.s32 $0xC00, s0;
	s7 =	sshrl.u32 s3, $0x3  }
0xd: {  	s5 =	sadd.s32 s1, s7;
	s19 =	sadd.s32 s8, s7  }
0xe: {  	s1 =	sadd.s32 $0x7000, s5;
	[dreg:$0x16] =	wrdreg s19  }
0xf: {  	s21 =	sadd.s32 $0xE000, s5;
	[dreg:$0x3] =	wrdreg s1  }
0x10: {  	s22 =	sadd.s32 $0x15000, s5;
	[dreg:$0x4] =	wrdreg s21  }
0x11: {  	s23 =	sadd.s32 $0x1C000, s5;
	[dreg:$0x5] =	wrdreg s22  }
0x12: {  	s24 =	sadd.s32 $0x23000, s5;
	[dreg:$0x6] =	wrdreg s23  }
0x13: {  	s25 =	sadd.s32 $0x35000, s5;
	[dreg:$0x7] =	wrdreg s24  }
0x14: {  	s26 =	sadd.s32 $0x3C000, s5;
	[dreg:$0x8] =	wrdreg s25  }
0x15: {  	s28 =	sadd.s32 $0x43000, s5;
	[dreg:$0x9] =	wrdreg s26  }
0x16: {  	s29 =	sadd.s32 $0x4A000, s5;
	[dreg:$0xa] =	wrdreg s28  }
0x17: {  	s30 =	sadd.s32 $0x51000, s5;
	[dreg:$0xb] =	wrdreg s29  }
0x18: {  	s31 =	sadd.s32 $0x58000, s5;
	[dreg:$0xc] =	wrdreg s30  }
0x19: {  	s9 =	sadd.s32 $0x5F000, s5;
	[dreg:$0xd] =	wrdreg s31  }
0x1a: {  	s10 =	sadd.s32 $0x66000, s5;
	[dreg:$0xe] =	wrdreg s9  }
0x1b: {  	s11 =	sadd.s32 $0x6D000, s5;
	[dreg:$0xf] =	wrdreg s10  }
0x1c: {  	s12 =	sadd.s32 $0x74000, s5;
	[dreg:$0x10] =	wrdreg s11  }
0x1d: {  	s13 =	sadd.s32 $0x7B000, s5;
	[dreg:$0x11] =	wrdreg s12  }
0x1e: {  	s14 =	ssub.s32 $0x2, s6;
	s15 =	sadd.s32 $0x82000, s5;
	[dreg:$0x12] =	wrdreg s13  }
0x1f: {  	s4 =	sadd.s32 $0x10C00, s0;
	s16 =	sadd.s32 $0x89000, s5;
	[dreg:$0x13] =	wrdreg s15  }
0x20: {  	s17 =	sshrl.u32 s14, $0x1;
	s18 =	sadd.s32 $0x90000, s5;
	[dreg:$0x14] =	wrdreg s16  }
0x21: {  	s0 =	sadd.s32 s7, s0;
	s20 =	sadd.s32 $0x97000, s5;
	[dreg:$0x15] =	wrdreg s18  }
0x22: {  	s0 =	sadd.s32 $0x20C00, s0;
	s19 =	simm.s32 $0x10000;
	[dreg:$0x17] =	wrdreg s20  }
0x23: {  	s1 =	ssub.s32 s14, s17;
	[dreg:$0x18] =	wrdreg s0;
	s22 =	sadd.s32 $0x9E000, s5  }
0x24: {  	s23 =	sadd.s32 $0xA5000, s5;
	s24 =	sadd.s32 $0xAC000, s5;
	[dreg:$0x1a] =	wrdreg s22  }
0x25: {  	s25 =	sadd.s32 $0xB3000, s5;
	s26 =	sadd.s32 $0xBA000, s5;
	[dreg:$0x1b] =	wrdreg s23  }
0x26: {  	s28 =	sadd.s32 $0xC1000, s5;
	s29 =	sadd.s32 $0xC8000, s5;
	[dreg:$0x1c] =	wrdreg s24  }
0x27: {  	v0 =	vimm.s32 $0x56575455;
	s30 =	sadd.s32 $0xCF000, s5;
	s31 =	sadd.s32 $0xD6000, s5;
	[dreg:$0x1d] =	wrdreg s25  }
0x28: {  	v1 =	vimm.s32 $0x52535051;
	v2 =	vlaneseq.u32;
	v3 =	vimm.s32 $0x5E5F5C5D;
	s11 =	sadd.s32 $0xDD000, s5;
	s12 =	sadd.s32 $0xE4000, s5;
	[dreg:$0x1e] =	wrdreg s26  }
0x29: {  	v4 =	vimm.s32 $0x5A5B5859;
	v0 =	vunpack.c.0.s8.s32 v0;
	v1 =	vunpack.c.0.s8.s32 v1;
	s13 =	sadd.s32 $0xEB000, s5;
	s14 =	sadd.s32 $0xF2000, s5;
	[dreg:$0x1f] =	wrdreg s28  }
0x2a: {  	vm0 =	vcmask $0x1F10;
	v3 =	vunpack.c.0.s8.s32 v3;
	v4 =	vunpack.c.0.s8.s32 v4;
	s15 =	sadd.s32 $0x25000, s5;
	s16 =	simm.s32 $0x80;
	[smem:$0x7FB] =	sst s29  }
0x2b: {  	v6 =	vmul.u32 $0xFFFFFFFF, v2;
	v5 =	vsel vm0, v1, v0;
	s17 =	simm.s32 $0x400;
	s18 =	simm.s32 $0x2;
	[smem:$0x7FC] =	sst s30  }
0x2c: {  	v0 =	vimm.f32 $0.0e+00;
	v1 =	vadd.s32 $0xFFFFFF8B, v2;
	v2 =	vsel vm0, v4, v3;
	s20 =	simm.s32 $0x18000;
	s21 =	smax.u32 s1, $0x1;
	[smem:$0x7FD] =	sst s31  }
0x2d: {  	v3 =	vadd.s32 $0xF, v6;
	v4 =	vimm.s32 $0x0;
	v2 =	vcombine.low v2, v5;
	s22 =	simm.s32 $0x0;
	[dreg:$0x19] =	wrdreg s21;
	s21 =	simm.s32 $0x1  }
.LBB2_2:
0x2e: {  	s0 =	simm.s32 $0x18040  }
0x2f: {  	[tilespmem:s0+$0xFFFFFFC0] =	vst v0  }
0x30: {  	[tilespmem:s0+$0x30] =	vst v0  }
0x31: {  	[tilespmem:s0+$0x20] =	vst v0  }
0x32: {  	[tilespmem:s0+$0x10] =	vst v0  }
0x33: {  	[tilespmem:s0+$0x0] =	vst v0  }
0x34: {  	[tilespmem:s0+$0xFFFFFFF0] =	vst v0  }
0x35: {  	s1 =	simm.s32 $0x0;
	[tilespmem:s0+$0xFFFFFFE0] =	vst v0  }
.LBB2_3:
0x36: {  	s1 =	sadd.s32 $0x80, s1;
	[tilespmem:s0+$0xFFFFFFD0] =	vst v0;
	s0 =	sadd.s32 $0x80, s0  }
0x37: {  	[tilespmem:s0+$0xFFFFFFC0] =	vst v0;
	p0 =	slt.u32 s1, $0x6F80  }
0x38: {  	[tilespmem:s0+$0x30] =	vst v0  }
.Ltmp1:
0x39: {  	[tilespmem:s0+$0x20] =	vst v0;
	(pc) =	sbr.rel @p0 .LBB2_3-.Ltmp1, $4  }
0x3a: {  	[tilespmem:s0+$0x10] =	vst v0  }
0x3b: {  	[tilespmem:s0+$0x0] =	vst v0  }
0x3c: {  	[tilespmem:s0+$0xFFFFFFF0] =	vst v0  }
0x3d: {  	[tilespmem:s0+$0xFFFFFFE0] =	vst v0  }
0x3e: {  	[tilespmem:s0+$0xFFFFFFD0] =	vst v0  }
0x3f: {  	s0 =	simm.s32 $0x0;
	s1 =	rddreg [dreg:$0x16]  }
0x40: {  	[tilespmem:s0], [sflag:$0x2] =	stream.strided.gather [hbm4b:s1+s16], $0x10000, s17, s16, $0x38;
	[tilespmem:$0x1F800] =	vst v63  }
0x41: {  	_ =	swait.ge [sflag:s18], $0x10000  }
0x42: {  	[sflag:s18] =	ssyncset.done $0x0  }
0x43: {  	p1 =	por $0x1, $0x1;
	v5 =	vimm.f32 $-3.402823470e+38;
	[sflag:s18] =	ssyncadd.s32 $0xFFFF0000  }
.LBB2_5:
0x44: {  	s1 =	sshll.u32 s0, $0x12  }
0x45: {  	s1 =	sor.u32 s3, s1  }
0x46: {  	s1 =	sshrl.u32 s1, $0x3  }
0x47: {  	s1 =	sadd.s32 s4, s1  }
0x48: {  	[tilespmem:s19], [sflag:$0x2] =	stream.strided.gather [hbm4b:s1+s16], $0x8000, s17, s16, $0x38;
	[tilespmem:$0x1F800] =	vst v63  }
0x49: {  	s24 =	sshll.u32 s0, $0xF;
	_ =	swait.ge [sflag:s18], $0x8000  }
0x4a: {  	s0 =	sand.u32 $0x3FFF8000, s24;
	[sflag:s18] =	ssyncset.done $0x0  }
0x4b: {  	s23 =	sor.u32 $0x40, s0;
	[sflag:s18] =	ssyncadd.s32 $0xFFFF8000  }
0x4c: {  	s25 =	simm.s32 $0x10040;
	v14 =	vld [tilespmem:s23+$0x30]  }
0x4d: {  	v6 =	vld [tilespmem:s25+$0x30]  }
0x4e: {  	v17 =	vld [tilespmem:s23+$0x20]  }
0x4f: {  	v7 =	vld [tilespmem:s25+$0x20]  }
0x50: {  	v18 =	vld [tilespmem:s23+$0x10]  }
0x51: {  	v10 =	vld [tilespmem:s25+$0x10]  }
0x52: {  	v24 =	vld [tilespmem:s23+$0x0]  }
0x53: {  	v8 =	vld [tilespmem:s25+$0x0]  }
0x54: {  	v19 =	vld [tilespmem:s23+$0xFFFFFFF0]  }
0x55: {  	v11 =	vld [tilespmem:s25+$0xFFFFFFF0]  }
0x56: {  	v27 =	vld [tilespmem:s23+$0xFFFFFFE0]  }
0x57: {  	s10 =	sadd.s32 $0xFFFFFF80, s24;
	v12 =	vld [tilespmem:s25+$0xFFFFFFE0]  }
0x58: {  	s29 =	sadd.s32 $0xE0, s10;
	s6 =	sadd.s32 $0xF0, s10;
	v26 =	vld [tilespmem:s23+$0xFFFFFFC0]  }
0x59: {  	s7 =	sadd.s32 $0xC0, s10;
	v21 =	vadd.s32 s29, v1;
	v9 =	vadd.s32 s6, v1;
	v13 =	vld [tilespmem:s25+$0xFFFFFFC0]  }
0x5a: {  	s8 =	sadd.s32 $0xD0, s10;
	v23 =	vadd.s32 s7, v1;
	vm0 =	vlt.u32 v21, $0xFA00;
	v21 =	vsub.f32 v18, v10;
	v18 =	vld [tilespmem:s23+$0xFFFFFFD0]  }
0x5b: {  	s30 =	sadd.s32 $0xB0, s10;
	s31 =	sadd.s32 $0x90, s10;
	s26 =	sadd.s32 $0xA0, s10;
	v28 =	vmov s8;
	v29 =	vadd.s32 s8, v1;
	v25 =	vsub.f32 v14, v6;
	v14 =	vld [tilespmem:s25+$0xFFFFFFD0]  }
0x5c: {  	s0 =	sadd.s32 $0x80, s10;
	v15 =	vadd.s32 s31, v1;
	v20 =	vadd.s32 s26, v1;
	v22 =	vadd.s32 s30, v1  }
0x5d: {  	v16 =	vadd.s32 s0, v1;
	vm1 =	vlt.u32 v23, $0xFA00;
	v23 =	vsub.f32 v17, v7  }
0x5e: {  	vm2 =	veq.s32 v28, v2;
	v19 =	vsub.f32 v19, v11;
	v17 =	vsub.f32 v24, v8  }
0x5f: {  	p0 =	por p1, p1;
	s26 =	simm.s32 $0x0;
	s28 =	sadd.s32 $0x80, s23;
	vm3 =	vlt.u32 v29, $0xFA00;
	v26 =	vsub.f32 v26, v13;
	v24 =	vsub.f32 v27, v12  }
.LBB2_6:
0x60: {  	v27 =	vld [tilespmem:s28+$0x30];
	v18 =	vsub.f32 v18, v14;
	vm4 =	vlt.u32 v22, $0xFA00;
	v22 =	vadd.f32 v25, v25;
	s25 =	sadd.s32 $0x80, s25  }
0x61: {  	vm5 =	vlt.u32 v20, $0xFA00;
	v20 =	vadd.f32 v23, v23;
	v25 =	vld [tilespmem:s25+$0x30];
	v26 =	vadd.f32 v26, v26  }
0x62: {  	vm6 =	vlt.u32 v15, $0xFA00;
	v15 =	vadd.f32 v21, v21;
	v23 =	vld [tilespmem:s28+$0x20];
	v18 =	vadd.f32 v18, v18  }
0x63: {  	vm7 =	vlt.u32 v16, $0xFA00;
	v16 =	vadd.f32 v24, v24;
	v21 =	vld [tilespmem:s25+$0x20];
	v13 =	vadd.f32 v26, v13  }
0x64: {  	vm2 =	vmor vm2, vm3;
	v24 =	vld [tilespmem:s28+$0x10];
	v14 =	vadd.f32 v18, v14;
	v18 =	vadd.f32 v19, v19  }
0x65: {  	v12 =	vadd.f32 v16, v12;
	v16 =	vadd.f32 v17, v17;
	v19 =	vld [tilespmem:s25+$0x10];
	v13 =	vnsel vm7, $0xFF7FFFFF, v13  }
0x66: {  	v17 =	vld [tilespmem:s28+$0x0];
	[tilespmem:s23+$0xFFFFFFC0] =	vst v13;
	v5 =	vmax.f32 v5, v13;
	v13 =	vnsel vm6, $0xFF7FFFFF, v14;
	v11 =	vadd.f32 v18, v11  }
0x67: {  	v12 =	vnsel vm5, $0xFF7FFFFF, v12;
	[tilespmem:s23+$0xFFFFFFD0] =	vst v13;
	v5 =	vmax.f32 v5, v13;
	v13 =	vadd.f32 v16, v8;
	v8 =	vld [tilespmem:s25+$0x0]  }
0x68: {  	v16 =	vadd.f32 v15, v10;
	v26 =	vld [tilespmem:s28+$0xFFFFFFF0];
	[tilespmem:s23+$0xFFFFFFE0] =	vst v12;
	v5 =	vmax.f32 v5, v12;
	v12 =	vnsel vm4, $0xFF7FFFFF, v11  }
0x69: {  	v11 =	vld [tilespmem:s25+$0xFFFFFFF0];
	[tilespmem:s23+$0xFFFFFFF0] =	vst v12;
	v5 =	vmax.f32 v5, v12;
	v12 =	vnsel vm1, $0xFF7FFFFF, v13;
	v13 =	vadd.f32 v20, v7;
	v7 =	vmovc v21  }
0x6a: {  	v14 =	vadd.f32 v22, v6;
	v6 =	vmovc v25;
	v15 =	vnsel vm2, $0xFF7FFFFF, v16;
	v28 =	vld [tilespmem:s28+$0xFFFFFFE0];
	[tilespmem:s23+$0x0] =	vst v12;
	v5 =	vmax.f32 v5, v12  }
0x6b: {  	s0 =	sadd.s32 s26, s24;
	v10 =	vmovc v19;
	v12 =	vld [tilespmem:s25+$0xFFFFFFE0];
	[tilespmem:s23+$0x10] =	vst v15;
	v5 =	vmax.f32 v5, v15;
	v13 =	vnsel vm0, $0xFF7FFFFF, v13;
	vm0 =	vlt.u32 v9, $0xFA00  }
0x6c: {  	s26 =	sadd.s32 $0x80, s26;
	s1 =	sadd.s32 $0xE0, s0;
	s6 =	sadd.s32 $0xF0, s0;
	v18 =	vld [tilespmem:s28+$0xFFFFFFD0];
	[tilespmem:s23+$0x20] =	vst v13;
	v5 =	vmax.f32 v5, v13;
	v13 =	vnsel vm0, $0xFF7FFFFF, v14  }
0x6d: {  	s7 =	sadd.s32 $0xB0, s0;
	s8 =	sadd.s32 $0xC0, s0;
	s29 =	sadd.s32 $0xD0, s0;
	v19 =	vadd.s32 s1, v1;
	v9 =	vadd.s32 s6, v1;
	v29 =	vld [tilespmem:s28+$0xFFFFFFC0];
	[tilespmem:s23+$0x30] =	vst v13;
	v5 =	vmax.f32 v5, v13  }
0x6e: {  	p1 =	slt.u32 s26, $0x7F80;
	v30 =	vmov s29;
	v31 =	vadd.s32 s29, v1;
	v21 =	vadd.s32 s8, v1;
	s1 =	sadd.s32 $0x90, s0;
	s6 =	sadd.s32 $0xA0, s0;
	v13 =	vld [tilespmem:s25+$0xFFFFFFC0]  }
.Ltmp2:
0x6f: {  	v22 =	vadd.s32 s7, v1;
	s0 =	sadd.s32 $0x80, s0;
	v15 =	vadd.s32 s1, v1;
	v20 =	vadd.s32 s6, v1;
	v14 =	vld [tilespmem:s25+$0xFFFFFFD0];
	(pc) =	sbr.rel @p1 .LBB2_6-.Ltmp2, $4  }
0x70: {  	v25 =	vsub.f32 v27, v6;
	v16 =	vadd.s32 s0, v1;
	vm0 =	vlt.u32 v19, $0xFA00;
	s23 =	smov.u32 s28  }
0x71: {  	vm1 =	vlt.u32 v21, $0xFA00;
	v23 =	vsub.f32 v23, v7;
	v21 =	vsub.f32 v24, v10  }
0x72: {  	vm2 =	veq.s32 v30, v2;
	v17 =	vsub.f32 v17, v8;
	v19 =	vsub.f32 v26, v11  }
0x73: {  	vm3 =	vlt.u32 v31, $0xFA00;
	s28 =	sadd.s32 $0x80, s28;
	v24 =	vsub.f32 v28, v12;
	v26 =	vsub.f32 v29, v13  }
0x74: {  	v18 =	vsub.f32 v18, v14;
	v54 =	vadd.f32 v25, v25  }
0x75: {  	v56 =	vadd.f32 v23, v23;
	v57 =	vadd.f32 v21, v21  }
0x76: {  	v60 =	vadd.f32 v19, v19;
	v61 =	vadd.f32 v17, v17  }
0x77: {  	vm4 =	vlt.u32 v22, $0xFA00;
	v55 =	vadd.f32 v26, v26;
	v58 =	vadd.f32 v24, v24  }
0x78: {  	vm5 =	vlt.u32 v20, $0xFA00;
	v18 =	vadd.f32 v18, v18;
	v11 =	vadd.f32 v60, v11  }
0x79: {  	vm6 =	vlt.u32 v15, $0xFA00;
	v8 =	vadd.f32 v61, v8;
	v10 =	vadd.f32 v57, v10  }
0x7a: {  	vm7 =	vlt.u32 v16, $0xFA00;
	v7 =	vadd.f32 v56, v7;
	v13 =	vadd.f32 v55, v13  }
0x7b: {  	vm2 =	vmor vm2, vm3;
	v6 =	vadd.f32 v54, v6;
	v59 =	vadd.f32 v18, v14  }
0x7c: {  	v12 =	vadd.f32 v58, v12;
	v11 =	vnsel vm4, $0xFF7FFFFF, v11;
	v13 =	vnsel vm7, $0xFF7FFFFF, v13  }
0x7d: {  	v8 =	vnsel vm1, $0xFF7FFFFF, v8;
	[tilespmem:s23+$0xFFFFFFF0] =	vst v11;
	v5 =	vmax.f32 v5, v13;
	v62 =	vnsel vm6, $0xFF7FFFFF, v59  }
0x7e: {  	v63 =	vnsel vm2, $0xFF7FFFFF, v10;
	v12 =	vnsel vm5, $0xFF7FFFFF, v12;
	[tilespmem:s23+$0x0] =	vst v8;
	v5 =	vmax.f32 v5, v62  }
0x7f: {  	vm15 =	vlt.u32 v9, $0xFA00;
	v7 =	vnsel vm0, $0xFF7FFFFF, v7;
	[tilespmem:s23+$0x10] =	vst v63;
	v5 =	vmax.f32 v5, v12  }
.Ltmp3:
0x80: {  	v6 =	vnsel vm15, $0xFF7FFFFF, v6;
	[tilespmem:s23+$0x20] =	vst v7;
	v5 =	vmax.f32 v5, v11;
	(pc) =	sbr.rel @p0 .LBB2_5-.Ltmp3, $4  }
0x81: {  	[tilespmem:s23+$0x30] =	vst v6;
	v5 =	vmax.f32 v5, v8  }
0x82: {  	[tilespmem:s23+$0xFFFFFFC0] =	vst v13;
	v5 =	vmax.f32 v5, v63  }
0x83: {  	[tilespmem:s23+$0xFFFFFFE0] =	vst v12;
	v5 =	vmax.f32 v5, v7  }
0x84: {  	s0 =	simm.s32 $0x1;
	p1 =	por $0x0, $0x0;
	[tilespmem:s23+$0xFFFFFFD0] =	vst v62;
	v5 =	vmax.f32 v5, v6  }
0x85: {  	[hbm4b:s5+s16] =	stream.strided.scatter [tilespmem:s20], [sflag:$0x1], $0x7000, s17, s16, $0x38;
	[tilespmem:$0x1F800] =	vst v63  }
0x86: {  	s0 =	rddreg [dreg:$0x3]  }
0x87: {  	s1 =	rddreg [dreg:$0x4]  }
0x88: {  	[hbm4b:s0+s16] =	stream.strided.scatter [tilespmem:s20], [sflag:$0x1], $0x7000, s17, s16, $0x38;
	[tilespmem:$0x1F800] =	vst v63  }
0x89: {  	s6 =	rddreg [dreg:$0x5]  }
0x8a: {  	[hbm4b:s1+s16] =	stream.strided.scatter [tilespmem:s20], [sflag:$0x1], $0x7000, s17, s16, $0x38;
	[tilespmem:$0x1F800] =	vst v63  }
0x8b: {  	s7 =	rddreg [dreg:$0x6]  }
0x8c: {  	[hbm4b:s6+s16] =	stream.strided.scatter [tilespmem:s20], [sflag:$0x1], $0x7000, s17, s16, $0x38;
	[tilespmem:$0x1F800] =	vst v63  }
0x8d: {  	s8 =	rddreg [dreg:$0x7]  }
0x8e: {  	[hbm4b:s7+s16] =	stream.strided.scatter [tilespmem:s20], [sflag:$0x1], $0x7000, s17, s16, $0x38;
	[tilespmem:$0x1F800] =	vst v63  }
0x8f: {  	s9 =	rddreg [dreg:$0x8]  }
0x90: {  	[hbm4b:s8+s16] =	stream.strided.scatter [tilespmem:s20], [sflag:$0x1], $0x2000, s17, s16, $0x38;
	[tilespmem:$0x1F800] =	vst v63  }
0x91: {  	s10 =	rddreg [dreg:$0x9]  }
0x92: {  	[hbm4b:s9+s16] =	stream.strided.scatter [tilespmem:s20], [sflag:$0x1], $0x7000, s17, s16, $0x38;
	[tilespmem:$0x1F800] =	vst v63  }
0x93: {  	s23 =	rddreg [dreg:$0xa]  }
0x94: {  	[hbm4b:s10+s16] =	stream.strided.scatter [tilespmem:s20], [sflag:$0x1], $0x7000, s17, s16, $0x38;
	[tilespmem:$0x1F800] =	vst v63  }
0x95: {  	s24 =	rddreg [dreg:$0xb]  }
0x96: {  	[hbm4b:s23+s16] =	stream.strided.scatter [tilespmem:s20], [sflag:$0x1], $0x7000, s17, s16, $0x38;
	[tilespmem:$0x1F800] =	vst v63  }
0x97: {  	s25 =	rddreg [dreg:$0xc]  }
0x98: {  	[hbm4b:s24+s16] =	stream.strided.scatter [tilespmem:s20], [sflag:$0x1], $0x7000, s17, s16, $0x38;
	[tilespmem:$0x1F800] =	vst v63  }
0x99: {  	s26 =	rddreg [dreg:$0xd]  }
0x9a: {  	[hbm4b:s25+s16] =	stream.strided.scatter [tilespmem:s20], [sflag:$0x1], $0x7000, s17, s16, $0x38;
	[tilespmem:$0x1F800] =	vst v63  }
0x9b: {  	s28 =	rddreg [dreg:$0xe]  }
0x9c: {  	[hbm4b:s26+s16] =	stream.strided.scatter [tilespmem:s20], [sflag:$0x1], $0x7000, s17, s16, $0x38;
	[tilespmem:$0x1F800] =	vst v63  }
0x9d: {  	s29 =	rddreg [dreg:$0xf]  }
0x9e: {  	[hbm4b:s28+s16] =	stream.strided.scatter [tilespmem:s20], [sflag:$0x1], $0x7000, s17, s16, $0x38;
	[tilespmem:$0x1F800] =	vst v63  }
0x9f: {  	s30 =	rddreg [dreg:$0x10]  }
0xa0: {  	[hbm4b:s29+s16] =	stream.strided.scatter [tilespmem:s20], [sflag:$0x1], $0x7000, s17, s16, $0x38;
	[tilespmem:$0x1F800] =	vst v63  }
0xa1: {  	s31 =	rddreg [dreg:$0x11]  }
0xa2: {  	[hbm4b:s30+s16] =	stream.strided.scatter [tilespmem:s20], [sflag:$0x1], $0x7000, s17, s16, $0x38;
	[tilespmem:$0x1F800] =	vst v63  }
0xa3: {  	s1 =	rddreg [dreg:$0x12]  }
0xa4: {  	[hbm4b:s31+s16] =	stream.strided.scatter [tilespmem:s20], [sflag:$0x1], $0x7000, s17, s16, $0x38;
	[tilespmem:$0x1F800] =	vst v63  }
0xa5: {  	s6 =	rddreg [dreg:$0x13]  }
0xa6: {  	[hbm4b:s1+s16] =	stream.strided.scatter [tilespmem:s20], [sflag:$0x1], $0x7000, s17, s16, $0x38;
	[tilespmem:$0x1F800] =	vst v63  }
0xa7: {  	s7 =	rddreg [dreg:$0x14]  }
0xa8: {  	[hbm4b:s6+s16] =	stream.strided.scatter [tilespmem:s20], [sflag:$0x1], $0x7000, s17, s16, $0x38;
	[tilespmem:$0x1F800] =	vst v63  }
0xa9: {  	s8 =	rddreg [dreg:$0x15]  }
0xaa: {  	[hbm4b:s7+s16] =	stream.strided.scatter [tilespmem:s20], [sflag:$0x1], $0x7000, s17, s16, $0x38;
	[tilespmem:$0x1F800] =	vst v63  }
0xab: {  	s9 =	rddreg [dreg:$0x17]  }
0xac: {  	[hbm4b:s8+s16] =	stream.strided.scatter [tilespmem:s20], [sflag:$0x1], $0x7000, s17, s16, $0x38;
	[tilespmem:$0x1F800] =	vst v63  }
0xad: {  	s10 =	rddreg [dreg:$0x1a]  }
0xae: {  	[hbm4b:s9+s16] =	stream.strided.scatter [tilespmem:s20], [sflag:$0x1], $0x7000, s17, s16, $0x38;
	[tilespmem:$0x1F800] =	vst v63  }
0xaf: {  	s23 =	rddreg [dreg:$0x1b]  }
0xb0: {  	[hbm4b:s10+s16] =	stream.strided.scatter [tilespmem:s20], [sflag:$0x1], $0x7000, s17, s16, $0x38;
	[tilespmem:$0x1F800] =	vst v63  }
0xb1: {  	s24 =	rddreg [dreg:$0x1c]  }
0xb2: {  	[hbm4b:s23+s16] =	stream.strided.scatter [tilespmem:s20], [sflag:$0x1], $0x7000, s17, s16, $0x38;
	[tilespmem:$0x1F800] =	vst v63  }
0xb3: {  	s25 =	rddreg [dreg:$0x1d]  }
0xb4: {  	[hbm4b:s24+s16] =	stream.strided.scatter [tilespmem:s20], [sflag:$0x1], $0x7000, s17, s16, $0x38;
	[tilespmem:$0x1F800] =	vst v63  }
0xb5: {  	s26 =	rddreg [dreg:$0x1e]  }
0xb6: {  	[hbm4b:s25+s16] =	stream.strided.scatter [tilespmem:s20], [sflag:$0x1], $0x7000, s17, s16, $0x38;
	[tilespmem:$0x1F800] =	vst v63  }
0xb7: {  	s28 =	rddreg [dreg:$0x1f]  }
0xb8: {  	[hbm4b:s26+s16] =	stream.strided.scatter [tilespmem:s20], [sflag:$0x1], $0x7000, s17, s16, $0x38;
	[tilespmem:$0x1F800] =	vst v63  }
0xb9: {  	s29 =	sld [smem:$0x7FB]  }
0xba: {  	[hbm4b:s28+s16] =	stream.strided.scatter [tilespmem:s20], [sflag:$0x1], $0x7000, s17, s16, $0x38;
	[tilespmem:$0x1F800] =	vst v63  }
0xbb: {  	s30 =	sld [smem:$0x7FC]  }
0xbc: {  	[hbm4b:s29+s16] =	stream.strided.scatter [tilespmem:s20], [sflag:$0x1], $0x7000, s17, s16, $0x38;
	[tilespmem:$0x1F800] =	vst v63  }
0xbd: {  	s31 =	sld [smem:$0x7FD]  }
0xbe: {  	[hbm4b:s30+s16] =	stream.strided.scatter [tilespmem:s20], [sflag:$0x1], $0x7000, s17, s16, $0x38;
	[tilespmem:$0x1F800] =	vst v63  }
0xbf: {  	_ = 	snop  }
0xc0: {  	[hbm4b:s31+s16] =	stream.strided.scatter [tilespmem:s20], [sflag:$0x1], $0x7000, s17, s16, $0x38;
	[tilespmem:$0x1F800] =	vst v63  }
0xc1: {  	_ = 	snop  }
0xc2: {  	[hbm4b:s11+s16] =	stream.strided.scatter [tilespmem:s20], [sflag:$0x1], $0x7000, s17, s16, $0x38;
	[tilespmem:$0x1F800] =	vst v63  }
0xc3: {  	_ = 	snop  }
0xc4: {  	[hbm4b:s12+s16] =	stream.strided.scatter [tilespmem:s20], [sflag:$0x1], $0x7000, s17, s16, $0x38;
	[tilespmem:$0x1F800] =	vst v63  }
0xc5: {  	_ = 	snop  }
0xc6: {  	[hbm4b:s13+s16] =	stream.strided.scatter [tilespmem:s20], [sflag:$0x1], $0x7000, s17, s16, $0x38;
	[tilespmem:$0x1F800] =	vst v63  }
0xc7: {  	s0 =	simm.s32 $0x40;
	s1 =	simm.s32 $0x0  }
0xc8: {  	[hbm4b:s14+s16] =	stream.strided.scatter [tilespmem:s20], [sflag:$0x1], $0x2200, s17, s16, $0x38;
	[tilespmem:$0x1F800] =	vst v63  }
.LBB2_9:
0xc9: {  	p0 =	seq.s32 s0, $0xFC0;
	[tilespmem:s1+$0x1F000] =	vst v0;
	s1 =	smov.u32 s0;
	s0 =	sadd.s32 $0x40, s0  }
.Ltmp4:
0xca: {  	(pc) =	sbr.rel @!p0 .LBB2_9-.Ltmp4, $2  }
0xcb: {  	_ =	sdelay $0x2  }
0xcc: {  	s1 =	sshra.s32 s1, $0x2  }
0xcd: {  	(v2sf) =	vpush v5, $0x0  }
0xce: {  	(v2sf) =	vpush v5, $0x1  }
0xcf: {  	(v2sf) =	vpush v5, $0x2  }
0xd0: {  	(v2sf) =	vpush v5, $0x3  }
0xd1: {  	(v2sf) =	vpush v5, $0x4  }
0xd2: {  	(v2sf) =	vpush v5, $0x5  }
0xd3: {  	(v2sf) =	vpush v5, $0x6  }
0xd4: {  	(v2sf) =	vpush v5, $0x7  }
0xd5: {  	(v2sf) =	vpush v5, $0x8  }
0xd6: {  	(v2sf) =	vpush v5, $0x9  }
0xd7: {  	(v2sf) =	vpush v5, $0xA  }
0xd8: {  	(v2sf) =	vpush v5, $0xB  }
0xd9: {  	(v2sf) =	vpush v5, $0xC  }
0xda: {  	(v2sf) =	vpush v5, $0xD  }
0xdb: {  	(v2sf) =	vpush v5, $0xE  }
0xdc: {  	s0 =	spop (v2sf);
	(v2sf) =	vpush v5, $0xF  }
0xdd: {  	s30 =	spop (v2sf)  }
0xde: {  	s0 =	smax.f32 s0, s30;
	s31 =	spop (v2sf)  }
0xdf: {  	s0 =	smax.f32 s0, s31;
	s6 =	spop (v2sf)  }
0xe0: {  	s0 =	smax.f32 s0, s6;
	s7 =	spop (v2sf)  }
0xe1: {  	s0 =	smax.f32 s0, s7;
	s8 =	spop (v2sf)  }
0xe2: {  	s0 =	smax.f32 s0, s8;
	s9 =	spop (v2sf)  }
0xe3: {  	s0 =	smax.f32 s0, s9;
	s10 =	spop (v2sf)  }
0xe4: {  	s0 =	smax.f32 s0, s10;
	s23 =	spop (v2sf)  }
0xe5: {  	s0 =	smax.f32 s0, s23;
	s24 =	spop (v2sf)  }
0xe6: {  	s0 =	smax.f32 s0, s24;
	s25 =	spop (v2sf)  }
0xe7: {  	[tilespmem:s1+$0x1F000] =	vst v0;
	s23 =	simm.s32 $0x40;
	s0 =	smax.f32 s0, s25;
	s26 =	spop (v2sf)  }
0xe8: {  	v6 =	vld [tilespmem:s23+$0x30];
	s0 =	smax.f32 s0, s26;
	s28 =	spop (v2sf)  }
0xe9: {  	v7 =	vld [tilespmem:s23+$0xFFFFFFD0];
	s0 =	smax.f32 s0, s28;
	s29 =	spop (v2sf)  }
0xea: {  	v8 =	vld [tilespmem:s23+$0xFFFFFFE0];
	s0 =	smax.f32 s0, s29;
	s30 =	spop (v2sf)  }
0xeb: {  	v10 =	vld [tilespmem:s23+$0xFFFFFFF0];
	s0 =	smax.f32 s0, s30;
	s31 =	spop (v2sf)  }
0xec: {  	v12 =	vld [tilespmem:s23+$0x0];
	s0 =	smax.f32 s0, s31  }
0xed: {  	v14 =	vld [tilespmem:s23+$0xFFFFFFC0];
	v5 =	vmov s0  }
0xee: {  	v9 =	vsub.f32 v6, v5  }
0xef: {  	v15 =	vsub.f32 v7, v5  }
0xf0: {  	v13 =	vld [tilespmem:s23+$0x10];
	v16 =	vsub.f32 v8, v5;
	v7 =	vmul.f32 $1.442695020e+00, v9  }
0xf1: {  	v6 =	vld [tilespmem:s23+$0x20];
	v10 =	vsub.f32 v10, v5;
	v8 =	vsub.f32 v12, v5;
	v17 =	vmul.f32 $1.442695020e+00, v15  }
0xf2: {  	v20 =	vsub.f32 v14, v5;
	v11 =	vand.u32 $0x7FFFFFFF, v15;
	(erf) = vpow2.f32 v7  }
0xf3: {  	v18 =	vmul.f32 $1.442695020e+00, v16;
	v12 =	vand.u32 $0x7FFFFFFF, v9;
	(erf) = vpow2.f32 v17  }
0xf4: {  	v19 =	vmul.f32 $1.442695020e+00, v10;
	v22 =	vmul.f32 $1.442695020e+00, v20;
	v12 =	vxor.u32 $0x80000000, v12  }
0xf5: {  	v7 =	vsub.f32 v13, v5;
	v13 =	vmul.f32 $1.442695020e+00, v8;
	v12 =	vxor.u32 $0xFFFFFFFF, v12  }
0xf6: {  	v6 =	vsub.f32 v6, v5;
	v12 =	vshrl.u32 v12, $0x15;
	(erf) = vpow2.f32 v18  }
0xf7: {  	[tilespmem:s23+$0xFFFFFFE0] =	vst v16;
	v17 =	vand.u32 $0x7FFFFFFF, v16;
	v16 =	vand.u32 $0x7FFFFFFF, v8;
	(erf) = vpow2.f32 v19  }
0xf8: {  	v21 =	vmul.f32 $1.442695020e+00, v7;
	v18 =	vand.u32 $0x7FFFFFFF, v10;
	(erf) = vpow2.f32 v13  }
0xf9: {  	[tilespmem:s23+$0xFFFFFFD0] =	vst v15;
	v14 =	vmul.f32 $1.442695020e+00, v6;
	v19 =	vand.u32 $0x7FFFFFFF, v20;
	(erf) = vpow2.f32 v22  }
0xfa: {  	s25 =	simm.s32 $0x0;
	s26 =	simm.s32 $0xC0;
	[tilespmem:s23+$0xFFFFFFC0] =	vst v20;
	v15 =	vand.u32 $0x7FFFFFFF, v6;
	v13 =	vand.u32 $0x7FFFFFFF, v7;
	(erf) = vpow2.f32 v21  }
.LBB2_11:
0xfb: {  	v20 =	vld [tilespmem:s26+$0x30];
	v19 =	vxor.u32 $0x80000000, v19;
	s24 =	simm.s32 $0x1F000;
	v11 =	vxor.u32 $0x80000000, v11;
	[tilespmem:s23+$0x30] =	vst v9;
	(erf) = vpow2.f32 v14;
	v9 =	vpop (erf)  }
0xfc: {  	s25 =	sadd.s32 $0x80, s25;
	v14 =	vxor.u32 $0x80000000, v17;
	v17 =	vxor.u32 $0x80000000, v18;
	v16 =	vxor.u32 $0x80000000, v16;
	[tilespmem:v12+s24+$0x0] =	vst.idx.add.f32.msk $0xffff, v9;
	v12 =	vpop (erf)  }
0xfd: {  	p0 =	slt.u32 s25, $0xFF80;
	v9 =	vxor.u32 $0xFFFFFFFF, v19;
	v19 =	vxor.u32 $0x80000000, v15;
	v18 =	vld [tilespmem:s26+$0xFFFFFFD0];
	[tilespmem:s23+$0xFFFFFFF0] =	vst v10;
	v10 =	vxor.u32 $0x80000000, v13  }
0xfe: {  	v11 =	vxor.u32 $0xFFFFFFFF, v11;
	v14 =	vxor.u32 $0xFFFFFFFF, v14;
	v17 =	vxor.u32 $0xFFFFFFFF, v17;
	v15 =	vld [tilespmem:s26+$0xFFFFFFE0];
	[tilespmem:s23+$0x0] =	vst v8  }
0xff: {  	v16 =	vxor.u32 $0xFFFFFFFF, v16;
	v8 =	vld [tilespmem:s26+$0xFFFFFFF0];
	[tilespmem:s23+$0x10] =	vst v7;
	v7 =	vxor.u32 $0xFFFFFFFF, v10;
	v10 =	vxor.u32 $0xFFFFFFFF, v19;
	v13 =	vpop (erf)  }
0x100: {  	v21 =	vshrl.u32 v9, $0x15;
	v22 =	vshrl.u32 v11, $0x15;
	v14 =	vshrl.u32 v14, $0x15;
	v19 =	vld [tilespmem:s26+$0x0];
	[tilespmem:s23+$0x20] =	vst v6;
	v23 =	vpop (erf);
	s23 =	smov.u32 s26  }
0x101: {  	v17 =	vshrl.u32 v17, $0x15;
	v16 =	vshrl.u32 v16, $0x15;
	v9 =	vsub.f32 v20, v5;
	v6 =	vld [tilespmem:s26+$0x10];
	v20 =	vpop (erf)  }
0x102: {  	v24 =	vshrl.u32 v7, $0x15;
	v25 =	vshrl.u32 v10, $0x15;
	v11 =	vsub.f32 v18, v5;
	v18 =	vld [tilespmem:s26+$0x20];
	v7 =	vpop (erf)  }
0x103: {  	v27 =	vmul.f32 $1.442695020e+00, v9;
	v26 =	vld [tilespmem:s26+$0xFFFFFFC0];
	v15 =	vsub.f32 v15, v5;
	v28 =	vpop (erf)  }
0x104: {  	[tilespmem:s26+$0xFFFFFFD0] =	vst v11;
	v29 =	vmul.f32 $1.442695020e+00, v11;
	v11 =	vand.u32 $0x7FFFFFFF, v11;
	v10 =	vsub.f32 v8, v5;
	v30 =	vpop (erf)  }
0x105: {  	v31 =	vmul.f32 $1.442695020e+00, v15;
	v8 =	vsub.f32 v19, v5;
	(erf) = vpow2.f32 v27;
	[tilespmem:v21+s24+$0x0] =	vst.idx.add.f32.msk $0xffff, v7  }
0x106: {  	v19 =	vmul.f32 $1.442695020e+00, v10;
	v7 =	vsub.f32 v6, v5;
	(erf) = vpow2.f32 v29;
	[tilespmem:v22+s24+$0x0] =	vst.idx.add.f32.msk $0xffff, v12  }
0x107: {  	v12 =	vand.u32 $0x7FFFFFFF, v9;
	[tilespmem:s26+$0xFFFFFFE0] =	vst v15;
	v21 =	vmul.f32 $1.442695020e+00, v8;
	v6 =	vsub.f32 v18, v5  }
0x108: {  	v12 =	vxor.u32 $0x80000000, v12;
	v18 =	vsub.f32 v26, v5;
	v22 =	vmul.f32 $1.442695020e+00, v7;
	[tilespmem:v14+s24+$0x0] =	vst.idx.add.f32.msk $0xffff, v13  }
.Ltmp5:
0x109: {  	v12 =	vxor.u32 $0xFFFFFFFF, v12;
	v14 =	vmul.f32 $1.442695020e+00, v6;
	(erf) = vpow2.f32 v31;
	[tilespmem:v17+s24+$0x0] =	vst.idx.add.f32.msk $0xffff, v23;
	(pc) =	sbr.rel @p0 .LBB2_11-.Ltmp5, $4  }
0x10a: {  	v12 =	vshrl.u32 v12, $0x15;
	v13 =	vmul.f32 $1.442695020e+00, v18;
	(erf) = vpow2.f32 v19;
	[tilespmem:v16+s24+$0x0] =	vst.idx.add.f32.msk $0xffff, v20  }
0x10b: {  	v17 =	vand.u32 $0x7FFFFFFF, v15;
	v19 =	vand.u32 $0x7FFFFFFF, v18;
	(erf) = vpow2.f32 v21;
	[tilespmem:v25+s24+$0x0] =	vst.idx.add.f32.msk $0xffff, v30  }
0x10c: {  	v16 =	vand.u32 $0x7FFFFFFF, v8;
	[tilespmem:s26+$0xFFFFFFC0] =	vst v18;
	v18 =	vand.u32 $0x7FFFFFFF, v10;
	(erf) = vpow2.f32 v13  }
0x10d: {  	v15 =	vand.u32 $0x7FFFFFFF, v6;
	v13 =	vand.u32 $0x7FFFFFFF, v7;
	s26 =	sadd.s32 $0x80, s26;
	(erf) = vpow2.f32 v22;
	[tilespmem:v24+s24+$0x0] =	vst.idx.add.f32.msk $0xffff, v28  }
0x10e: {  	v11 =	vxor.u32 $0x80000000, v11  }
0x10f: {  	v5 =	vxor.u32 $0x80000000, v19;
	[tilespmem:s23+$0x30] =	vst v9;
	(erf) = vpow2.f32 v14;
	v11 =	vxor.u32 $0xFFFFFFFF, v11  }
0x110: {  	v53 =	vpop (erf);
	v54 =	vxor.u32 $0x80000000, v17;
	[tilespmem:s23+$0xFFFFFFF0] =	vst v10;
	v5 =	vxor.u32 $0xFFFFFFFF, v5;
	v11 =	vshrl.u32 v11, $0x15  }
0x111: {  	v56 =	vxor.u32 $0x80000000, v18;
	[tilespmem:s23+$0x0] =	vst v8;
	v55 =	vpop (erf);
	v57 =	vxor.u32 $0xFFFFFFFF, v54;
	v5 =	vshrl.u32 v5, $0x15  }
0x112: {  	v16 =	vxor.u32 $0x80000000, v16;
	[tilespmem:v12+s24+$0x0] =	vst.idx.add.f32.msk $0xffff, v53;
	v12 =	vxor.u32 $0xFFFFFFFF, v56;
	v59 =	vshrl.u32 v57, $0x15;
	v58 =	vpop (erf)  }
0x113: {  	v15 =	vxor.u32 $0x80000000, v15;
	[tilespmem:s23+$0x10] =	vst v7;
	v16 =	vxor.u32 $0xFFFFFFFF, v16;
	v7 =	vshrl.u32 v12, $0x15;
	v60 =	vpop (erf)  }
0x114: {  	v13 =	vxor.u32 $0x80000000, v13;
	[tilespmem:s23+$0x20] =	vst v6;
	v15 =	vxor.u32 $0xFFFFFFFF, v15;
	v6 =	vshrl.u32 v16, $0x15;
	v61 =	vpop (erf)  }
0x115: {  	v13 =	vxor.u32 $0xFFFFFFFF, v13;
	v15 =	vshrl.u32 v15, $0x15;
	v62 =	vpop (erf);
	[tilespmem:v11+s24+$0x0] =	vst.idx.add.f32.msk $0xffff, v55  }
0x116: {  	[tilespmem:v5+s24+$0x0] =	vst.idx.add.f32.msk $0xffff, v62;
	v5 =	vshrl.u32 v13, $0x15  }
0x117: {  	[tilespmem:v59+s24+$0x0] =	vst.idx.add.f32.msk $0xffff, v58  }
0x118: {  	[tilespmem:v7+s24+$0x0] =	vst.idx.add.f32.msk $0xffff, v60;
	v63 =	vpop (erf)  }
0x119: {  	[tilespmem:v6+s24+$0x0] =	vst.idx.add.f32.msk $0xffff, v61;
	v7 =	vpop (erf)  }
0x11a: {  	[tilespmem:v15+s24+$0x0] =	vst.idx.add.f32.msk $0xffff, v7  }
0x11b: {  	[tilespmem:v5+s24+$0x0] =	vst.idx.add.f32.msk $0xffff, v63  }
0x11c: {  	v5 =	vld [tilespmem:s24+$0x0];
	_ =	sdelay $0x1  }
0x11d: {  	s0 =	simm.s32 $0x1F010  }
0x11e: {  	s26 =	simm.s32 $0x1F020;
	v6 =	vld [tilespmem:s0+$0x0]  }
0x11f: {  	v7 =	vld [tilespmem:s26+$0x0]  }
0x120: {  	(xrf2) =	vadd.scan.msk.f32 $0xffff, v5;
	_ =	sdelay $0x2  }
0x121: {  	(xrf2) =	vadd.scan.msk.f32 $0xffff, v6  }
0x122: {  	(xrf2) =	vadd.scan.msk.f32 $0xffff, v7;
	_ =	sdelay $0x3  }
0x123: {  	s30 =	simm.s32 $0x1F030  }
0x124: {  	v5 =	vld [tilespmem:s30+$0x0]  }
0x125: {  	v7, _, _ =	vpop (xrf2)  }
0x126: {  	(v2sf) =	vpush v7, $0xF;
	_ =	sdelay $0x1  }
0x127: {  	v7, _, _ =	vpop (xrf2)  }
0x128: {  	s31 =	simm.s32 $0x1F040;
	(xrf2) =	vadd.scan.msk.f32 $0xffff, v5;
	(v2sf) =	vpush v7, $0xF;
	v5, _, _ =	vpop (xrf2)  }
0x129: {  	v6 =	vld [tilespmem:s31+$0x0];
	(v2sf) =	vpush v5, $0xF;
	_ =	sdelay $0x4  }
0x12a: {  	(xrf2) =	vadd.scan.msk.f32 $0xffff, v6;
	_ =	sdelay $0x1  }
0x12b: {  	s28 =	simm.s32 $0x0;
	s23 =	simm.s32 $0x4  }
0x12c: {  	s25 =	simm.s32 $0xC;
	s1 =	simm.s32 $0x1F050;
	s29 =	simm.s32 $0x4  }
0x12d: {  	s26 =	simm.s32 $0x8;
	s24 =	simm.s32 $0x10;
	s0 =	simm.s32 $0x14  }
.LBB2_13:
0x12e: {  	v5 =	vld [tilespmem:s1+$0x0];
	p0 =	sne.s32 s0, $0xFC;
	s6 =	smov.u32 s0;
	s0 =	sadd.s32 $0x4, s0  }
.Ltmp6:
0x12f: {  	s7 =	sshra.s32 s28, $0x2;
	s8 =	spop (v2sf);
	(pc) =	sbr.rel @p0 .LBB2_13-.Ltmp6, $4  }
0x130: {  	s28 =	smov.u32 s29;
	s29 =	smov.u32 s26;
	[smem:s7] =	sst s8  }
0x131: {  	s26 =	smov.u32 s25;
	s25 =	smov.u32 s24;
	s24 =	smov.u32 s6;
	v6, _, _ =	vpop (xrf2)  }
0x132: {  	(v2sf) =	vpush v6, $0xF  }
0x133: {  	s1 =	sadd.s32 $0x10, s1;
	(xrf2) =	vadd.scan.msk.f32 $0xffff, v5  }
0x134: {  	_ =	sdelay $0x7  }
0x135: {  	v5, _, _ =	vpop (xrf2)  }
0x136: {  	(v2sf) =	vpush v5, $0xF;
	v5, _, _ =	vpop (xrf2)  }
0x137: {  	(v2sf) =	vpush v5, $0xF;
	_ =	sdelay $0xa  }
0x138: {  	s0 =	spop (v2sf);
	s1 =	sshra.s32 s28, $0x2  }
0x139: {  	s9 =	sshra.s32 s29, $0x2;
	[smem:s1] =	sst s0;
	s8 =	spop (v2sf)  }
0x13a: {  	s10 =	sshra.s32 s26, $0x2;
	[smem:s9] =	sst s8;
	s26 =	spop (v2sf)  }
0x13b: {  	s28 =	sshra.s32 s25, $0x2;
	[smem:s10] =	sst s26;
	s29 =	spop (v2sf)  }
0x13c: {  	s30 =	sshra.s32 s24, $0x2;
	[smem:s28] =	sst s29;
	s31 =	spop (v2sf)  }
0x13d: {  	[smem:s30] =	sst s31  }
0x13e: {  	s0 =	simm.f32 $0.0e+00;
	s1 =	sld [smem:$0x0]  }
.LBB2_15:
0x13f: {  	p0 =	sne.s32 s23, $0xFC  }
.Ltmp7:
0x140: {  	_ = 	snop;
	(pc) =	sbr.rel @p0 .LBB2_15-.Ltmp7, $4  }
0x141: {  	_ = 	snop  }
0x142: {  	s31 =	smov.u32 s23  }
0x143: {  	s0 =	sadd.f32 s1, s0;
	s1 =	sshra.s32 s31, $0x2  }
0x144: {  	s23 =	sadd.s32 $0x4, s23;
	s1 =	sld [smem:s1+$0x0]  }
0x145: {  	_ = 	snop  }
0x146: {  	s6 =	sld [smem:$0x3F]  }
0x147: {  	s0 =	sadd.f32 s1, s0  }
0x148: {  	s24 =	simm.f32 $0.0e+00  }
0x149: {  	s28 =	sadd.f32 s6, s24;
	s25 =	smul.f32 $8.999999760e-01, s0  }
0x14a: {  	_ = 	snop  }
0x14b: {  	s23 =	simm.s32 $0xFFFFFFFF;
	s26 =	simm.s32 $0x3E;
	p0 =	sgt.f32 s28, s25  }
0x14c: {  	p1 =	por $0x1, $0x1;
	s30 =	simm.s32 $0x3D;
	s7 =	sld [smem:$0x3E]  }
0x14d: {  	s29 =	simm.f32 $0.0e+00;
	s6 =	simm.s32 $0x3E;
	p0 =	por !p1, !p0  }
0x14e: {  	s0 =	simm.s32 $0x3F;
	s1 =	smov.u32 s28;
	p0 =	por !p0, !p0  }
.LBB2_17:
0x14f: {  	p1 =	sne.s32 s30, $0x0;
	s28 =	sadd.f32 s7, s28  }
0x150: {  	s23 =	smov.u32 @p0 s0;
	s0 =	smov.u32 s26;
	s26 =	smov.u32 s30  }
.Ltmp8:
0x151: {  	s30 =	sadd.s32 $0xFFFFFFFF, s30;
	s24 =	smov.u32 @p0 s29;
	(pc) =	sbr.rel @p1 .LBB2_17-.Ltmp8, $4  }
0x152: {  	s6 =	sadd.s32 $0xFFFFFFFF, s6;
	s29 =	smov.u32 s1;
	p0 =	sgt.f32 s28, s25  }
0x153: {  	p2 =	slt.s32 s23, $0x0;
	s1 =	smov.u32 s28;
	s7 =	sld [smem:s6+$0x0]  }
0x154: {  	p0 =	por !p2, !p0  }
0x155: {  	p0 =	por !p0, !p0  }
0x156: {  	s6 =	sadd.f32 s7, s28;
	_ =	sdelay $0x1  }
0x157: {  	s23 =	smov.u32 @p0 s0;
	p1 =	sgt.f32 s6, s25  }
0x158: {  	p2 =	slt.s32 s23, $0x0  }
0x159: {  	p1 =	por !p2, !p1  }
0x15a: {  	p1 =	por !p1, !p1  }
0x15b: {  	s23 =	smov.u32 @p1 s26  }
0x15c: {  	p2 =	sgt.s32 s23, $0x0  }
0x15d: {  	s23 =	simm.s32 @!p2 $0x0  }
0x15e: {  	s23 =	sshll.u32 s23, $0x4  }
0x15f: {  	v5 =	vld [tilespmem:s23+$0x1F000];
	_ =	sdelay $0x3  }
0x160: {  	s24 =	smov.u32 @p0 s29  }
0x161: {  	s0 =	simm.s32 $0x40;
	s24 =	smov.u32 @p1 s1;
	s1 =	simm.s32 $0x0;
	v5 =	vperm.xlane v5, v3  }
.LBB2_19:
0x162: {  	p0 =	seq.s32 s0, $0xFC0;
	[tilespmem:s1+$0x1F000] =	vst v0;
	s1 =	smov.u32 s0;
	s0 =	sadd.s32 $0x40, s0  }
.Ltmp9:
0x163: {  	(pc) =	sbr.rel @!p0 .LBB2_19-.Ltmp9, $2  }
0x164: {  	_ =	sdelay $0x2  }
0x165: {  	s1 =	sshra.s32 s1, $0x2  }
0x166: {  	(xrf2) =	vadd.scan.msk.f32 $0xffff, v5;
	_ =	sdelay $0x8  }
0x167: {  	s24 =	ssub.f32 s25, s24  }
0x168: {  	v6, _, _ =	vpop (xrf2)  }
0x169: {  	vm0 =	vgt.f32 v6, s24  }
0x16a: {  	v7 =	vsel vm0, $0x1, v4  }
0x16b: {  	(v2sf) =	vpush v7, $0x0  }
0x16c: {  	(v2sf) =	vpush v7, $0x1  }
0x16d: {  	(v2sf) =	vpush v7, $0x2  }
0x16e: {  	(v2sf) =	vpush v7, $0x3  }
0x16f: {  	(v2sf) =	vpush v7, $0x4  }
0x170: {  	(v2sf) =	vpush v7, $0x5  }
0x171: {  	(v2sf) =	vpush v7, $0x6  }
0x172: {  	(v2sf) =	vpush v7, $0x7  }
0x173: {  	(v2sf) =	vpush v7, $0x8  }
0x174: {  	(v2sf) =	vpush v7, $0x9  }
0x175: {  	(v2sf) =	vpush v7, $0xA  }
0x176: {  	(v2sf) =	vpush v7, $0xB  }
0x177: {  	(v2sf) =	vpush v7, $0xC  }
0x178: {  	(v2sf) =	vpush v7, $0xD  }
0x179: {  	(v2sf) =	vpush v7, $0xE  }
0x17a: {  	s0 =	spop (v2sf);
	(v2sf) =	vpush v7, $0xF  }
0x17b: {  	s8 =	spop (v2sf)  }
0x17c: {  	s0 =	sadd.s32 s8, s0;
	s9 =	spop (v2sf)  }
0x17d: {  	s0 =	sadd.s32 s9, s0;
	s10 =	spop (v2sf)  }
0x17e: {  	s0 =	sadd.s32 s10, s0;
	s25 =	spop (v2sf)  }
0x17f: {  	s0 =	sadd.s32 s25, s0;
	s26 =	spop (v2sf)  }
0x180: {  	s0 =	sadd.s32 s26, s0;
	s30 =	spop (v2sf)  }
0x181: {  	s0 =	sadd.s32 s30, s0;
	s31 =	spop (v2sf)  }
0x182: {  	s0 =	sadd.s32 s31, s0;
	s6 =	spop (v2sf)  }
0x183: {  	[tilespmem:s1+$0x1F000] =	vst v0;
	s31 =	simm.s32 $0x40;
	s0 =	sadd.s32 s6, s0;
	s7 =	spop (v2sf)  }
0x184: {  	v9 =	vld [tilespmem:s31+$0x30];
	s0 =	sadd.s32 s7, s0;
	s8 =	spop (v2sf)  }
0x185: {  	v10 =	vld [tilespmem:s31+$0xFFFFFFD0];
	s0 =	sadd.s32 s8, s0;
	s9 =	spop (v2sf)  }
0x186: {  	v11 =	vld [tilespmem:s31+$0xFFFFFFE0];
	s0 =	sadd.s32 s9, s0;
	s10 =	spop (v2sf)  }
0x187: {  	v12 =	vld [tilespmem:s31+$0xFFFFFFF0];
	s0 =	sadd.s32 s10, s0;
	s25 =	spop (v2sf)  }
0x188: {  	v13 =	vld [tilespmem:s31+$0x0];
	s0 =	sadd.s32 s25, s0;
	s26 =	spop (v2sf)  }
0x189: {  	v7 =	vmov s24;
	v15 =	vmul.f32 $1.442695020e+00, v9;
	s0 =	sadd.s32 s26, s0;
	s30 =	spop (v2sf)  }
0x18a: {  	v14 =	vld [tilespmem:s31+$0x10];
	v16 =	vand.u32 $0x7FFFFFFF, v10;
	v10 =	vmul.f32 $1.442695020e+00, v10;
	v9 =	vand.u32 $0x7FFFFFFF, v9;
	s0 =	sadd.s32 s30, s0  }
0x18b: {  	v18 =	vld [tilespmem:s31+$0xFFFFFFC0];
	v19 =	vmul.f32 $1.442695020e+00, v11;
	v9 =	vxor.u32 $0x80000000, v9;
	v16 =	vxor.u32 $0x80000000, v16;
	p0 =	sgt.s32 s0, $0x1  }
0x18c: {  	v17 =	vld [tilespmem:s31+$0x20];
	(erf) = vpow2.f32 v15;
	v15 =	vmul.f32 $1.442695020e+00, v12;
	v9 =	vxor.u32 $0xFFFFFFFF, v9;
	s0 =	simm.s32 @!p0 $0x1  }
0x18d: {  	v29 =	vxor.u32 $0xFFFFFFFF, v16;
	(erf) = vpow2.f32 v10;
	v10 =	vmul.f32 $1.442695020e+00, v13;
	s0 =	sadd.s32 s0, s23  }
0x18e: {  	v20 =	vshrl.u32 v9, $0x15;
	v9 =	vshrl.u32 v9, $0xB;
	(erf) = vpow2.f32 v19;
	s23 =	sadd.s32 $0xFFFFFFFF, s0  }
0x18f: {  	v19 =	vmul.f32 $1.442695020e+00, v14;
	(erf) = vpow2.f32 v15;
	v8 =	vmov s23  }
0x190: {  	(erf) = vpow2.f32 v10;
	vm15 =	veq.s32 v20, v8;
	v20 =	vmul.f32 $1.442695020e+00, v18  }
0x191: {  	v25 =	vshrl.u32 v29, $0x15;
	v15 =	vmul.f32 $1.442695020e+00, v17;
	(erf) = vpow2.f32 v19  }
0x192: {  	v26 =	vand.u32 $0x3FF, v9;
	v9 =	vand.u32 $0x7FFFFFFF, v18;
	(erf) = vpow2.f32 v20  }
0x193: {  	v10 =	vand.u32 $0x7FFFFFFF, v11;
	v11 =	vand.u32 $0x7FFFFFFF, v12;
	(erf) = vpow2.f32 v15  }
0x194: {  	v12 =	vand.u32 $0x7FFFFFFF, v13;
	v13 =	vand.u32 $0x7FFFFFFF, v14;
	v14 =	vand.u32 $0x7FFFFFFF, v17  }
0x195: {  	v17 =	vxor.u32 $0x80000000, v10;
	v11 =	vxor.u32 $0x80000000, v11;
	v12 =	vxor.u32 $0x80000000, v12;
	v27 =	vpop (erf)  }
0x196: {  	v13 =	vxor.u32 $0x80000000, v13;
	v14 =	vxor.u32 $0x80000000, v14;
	v15 =	vxor.u32 $0x80000000, v9;
	v9 =	vpop (erf)  }
0x197: {  	v30 =	vxor.u32 $0xFFFFFFFF, v17;
	v18 =	vxor.u32 $0xFFFFFFFF, v11;
	v16 =	vxor.u32 $0xFFFFFFFF, v12;
	v10 =	vpop (erf)  }
0x198: {  	v19 =	vxor.u32 $0xFFFFFFFF, v13;
	v23 =	vshrl.u32 v30, $0x15;
	v21 =	vshrl.u32 v18, $0x15;
	v11 =	vpop (erf)  }
0x199: {  	v24 =	vshrl.u32 v16, $0x15;
	v28 =	vxor.u32 $0xFFFFFFFF, v15;
	v15 =	vxor.u32 $0xFFFFFFFF, v14;
	v12 =	vpop (erf)  }
0x19a: {  	s25 =	simm.s32 $0x1F000;
	v20 =	vshrl.u32 v19, $0x15;
	v22 =	vshrl.u32 v28, $0x15;
	v17 =	vshrl.u32 v15, $0x15;
	v13 =	vpop (erf)  }
0x19b: {  	s28 =	simm.s32 $0x0;
	s29 =	simm.s32 $0xC0;
	v28 =	vshrl.u32 v28, $0xB;
	[tilespmem:v26+s25+$0x0] =	vst.idx.add.f32.msk vm15, v27;
	v27 =	vshrl.u32 v29, $0xB;
	v26 =	vshrl.u32 v30, $0xB;
	v14 =	vpop (erf)  }
.LBB2_21:
0x19c: {  	v29 =	vld [tilespmem:s29+$0x30];
	s28 =	sadd.s32 $0x80, s28;
	v18 =	vshrl.u32 v18, $0xB;
	v16 =	vshrl.u32 v16, $0xB;
	v19 =	vshrl.u32 v19, $0xB;
	v30 =	vpop (erf)  }
0x19d: {  	vm6 =	veq.s32 v22, v8;
	vm5 =	veq.s32 v25, v8;
	v15 =	vshrl.u32 v15, $0xB;
	v31 =	vld [tilespmem:s29+$0xFFFFFFD0];
	p0 =	slt.u32 s28, $0xFF80  }
0x19e: {  	vm4 =	veq.s32 v23, v8;
	vm3 =	veq.s32 v21, v8;
	vm2 =	veq.s32 v24, v8;
	v22 =	vld [tilespmem:s29+$0xFFFFFFE0]  }
0x19f: {  	v23 =	vand.u32 $0x3FF, v28;
	vm1 =	veq.s32 v20, v8;
	vm0 =	veq.s32 v17, v8;
	v21 =	vld [tilespmem:s29+$0xFFFFFFF0]  }
0x1a0: {  	v20 =	vand.u32 $0x3FF, v27;
	v24 =	vand.u32 $0x3FF, v26;
	v18 =	vand.u32 $0x3FF, v18;
	v17 =	vld [tilespmem:s29+$0x0]  }
0x1a1: {  	v16 =	vand.u32 $0x3FF, v16;
	v19 =	vand.u32 $0x3FF, v19;
	v25 =	vld [tilespmem:s29+$0x10];
	v26 =	vmul.f32 $1.442695020e+00, v29  }
0x1a2: {  	v15 =	vand.u32 $0x3FF, v15;
	v27 =	vand.u32 $0x7FFFFFFF, v31;
	v28 =	vmul.f32 $1.442695020e+00, v31;
	v31 =	vld [tilespmem:s29+$0x20]  }
0x1a3: {  	v29 =	vand.u32 $0x7FFFFFFF, v29;
	v32 =	vld [tilespmem:s29+$0xFFFFFFC0];
	v33 =	vmul.f32 $1.442695020e+00, v22;
	(erf) = vpow2.f32 v26  }
0x1a4: {  	v29 =	vxor.u32 $0x80000000, v29;
	v26 =	vmul.f32 $1.442695020e+00, v21;
	(erf) = vpow2.f32 v28;
	[tilespmem:v23+s25+$0x0] =	vst.idx.add.f32.msk vm6, v14  }
0x1a5: {  	v23 =	vxor.u32 $0xFFFFFFFF, v29;
	v14 =	vmul.f32 $1.442695020e+00, v17;
	(erf) = vpow2.f32 v33;
	[tilespmem:v20+s25+$0x0] =	vst.idx.add.f32.msk vm5, v9  }
0x1a6: {  	v20 =	vshrl.u32 v23, $0x15;
	v9 =	vmul.f32 $1.442695020e+00, v25;
	(erf) = vpow2.f32 v26;
	[tilespmem:v24+s25+$0x0] =	vst.idx.add.f32.msk vm4, v10  }
0x1a7: {  	vm4 =	veq.s32 v20, v8;
	v20 =	vshrl.u32 v23, $0xB;
	v10 =	vmul.f32 $1.442695020e+00, v31;
	[tilespmem:v18+s25+$0x0] =	vst.idx.add.f32.msk vm3, v11  }
0x1a8: {  	v18 =	vand.u32 $0x3FF, v20;
	v11 =	vmul.f32 $1.442695020e+00, v32;
	(erf) = vpow2.f32 v14;
	[tilespmem:v16+s25+$0x0] =	vst.idx.add.f32.msk vm2, v12  }
0x1a9: {  	v12 =	vand.u32 $0x7FFFFFFF, v32;
	v14 =	vand.u32 $0x7FFFFFFF, v22;
	(erf) = vpow2.f32 v9;
	[tilespmem:v19+s25+$0x0] =	vst.idx.add.f32.msk vm1, v13  }
0x1aa: {  	v9 =	vand.u32 $0x7FFFFFFF, v21;
	v13 =	vand.u32 $0x7FFFFFFF, v17;
	(erf) = vpow2.f32 v11;
	[tilespmem:v15+s25+$0x0] =	vst.idx.add.f32.msk vm0, v30  }
0x1ab: {  	v11 =	vand.u32 $0x7FFFFFFF, v25;
	v15 =	vand.u32 $0x7FFFFFFF, v31;
	(erf) = vpow2.f32 v10  }
0x1ac: {  	v20 =	vxor.u32 $0x80000000, v12;
	v12 =	vxor.u32 $0x80000000, v27;
	v14 =	vxor.u32 $0x80000000, v14;
	v16 =	vpop (erf)  }
0x1ad: {  	s26 =	simm.s32 $0x0;
	v17 =	vxor.u32 $0x80000000, v9;
	v13 =	vxor.u32 $0x80000000, v13;
	v19 =	vxor.u32 $0x80000000, v11;
	[tilespmem:v18+s25+$0x0] =	vst.idx.add.f32.msk vm4, v16;
	v9 =	vpop (erf)  }
0x1ae: {  	v26 =	vxor.u32 $0xFFFFFFFF, v20;
	v27 =	vxor.u32 $0xFFFFFFFF, v12;
	v12 =	vxor.u32 $0x80000000, v15;
	v10 =	vpop (erf)  }
.Ltmp10:
0x1af: {  	v14 =	vxor.u32 $0xFFFFFFFF, v14;
	v18 =	vxor.u32 $0xFFFFFFFF, v17;
	v16 =	vxor.u32 $0xFFFFFFFF, v13;
	v11 =	vpop (erf);
	(pc) =	sbr.rel @p0 .LBB2_21-.Ltmp10, $4  }
0x1b0: {  	v22 =	vshrl.u32 v26, $0x15;
	v19 =	vxor.u32 $0xFFFFFFFF, v19;
	v15 =	vxor.u32 $0xFFFFFFFF, v12  }
0x1b1: {  	v25 =	vshrl.u32 v27, $0x15;
	v23 =	vshrl.u32 v14, $0x15;
	v21 =	vshrl.u32 v18, $0x15;
	v12 =	vpop (erf)  }
0x1b2: {  	v20 =	vshrl.u32 v19, $0x15;
	v17 =	vshrl.u32 v15, $0x15;
	v24 =	vshrl.u32 v16, $0x15;
	v13 =	vpop (erf)  }
0x1b3: {  	s29 =	sadd.s32 $0x80, s29;
	v28 =	vshrl.u32 v26, $0xB;
	v27 =	vshrl.u32 v27, $0xB;
	v26 =	vshrl.u32 v14, $0xB;
	v14 =	vpop (erf)  }
0x1b4: {  	vm0 =	veq.s32 v22, v8  }
0x1b5: {  	vm1 =	veq.s32 v25, v8;
	v56 =	vand.u32 $0x3FF, v28  }
0x1b6: {  	vm2 =	veq.s32 v23, v8;
	v57 =	vand.u32 $0x3FF, v27  }
0x1b7: {  	v18 =	vshrl.u32 v18, $0xB;
	vm3 =	veq.s32 v21, v8;
	v58 =	vand.u32 $0x3FF, v26  }
0x1b8: {  	v16 =	vshrl.u32 v16, $0xB;
	vm4 =	veq.s32 v24, v8;
	v18 =	vand.u32 $0x3FF, v18  }
0x1b9: {  	v19 =	vshrl.u32 v19, $0xB;
	vm5 =	veq.s32 v20, v8;
	v16 =	vand.u32 $0x3FF, v16  }
0x1ba: {  	v15 =	vshrl.u32 v15, $0xB;
	vm6 =	veq.s32 v17, v8;
	v8 =	vand.u32 $0x3FF, v19;
	[tilespmem:v56+s25+$0x0] =	vst.idx.add.f32.msk vm0, v14  }
0x1bb: {  	v59 =	vand.u32 $0x3FF, v15;
	[tilespmem:v57+s25+$0x0] =	vst.idx.add.f32.msk vm1, v9  }
0x1bc: {  	[tilespmem:v58+s25+$0x0] =	vst.idx.add.f32.msk vm2, v10  }
0x1bd: {  	[tilespmem:v18+s25+$0x0] =	vst.idx.add.f32.msk vm3, v11  }
0x1be: {  	[tilespmem:v16+s25+$0x0] =	vst.idx.add.f32.msk vm4, v12  }
0x1bf: {  	v60 =	vpop (erf);
	[tilespmem:v8+s25+$0x0] =	vst.idx.add.f32.msk vm5, v13  }
0x1c0: {  	[tilespmem:v59+s25+$0x0] =	vst.idx.add.f32.msk vm6, v60  }
0x1c1: {  	v8 =	vld [tilespmem:s25+$0x0];
	_ =	sdelay $0x1  }
0x1c2: {  	s0 =	simm.s32 $0x1F010  }
0x1c3: {  	s10 =	simm.s32 $0x1F020;
	v9 =	vld [tilespmem:s0+$0x0]  }
0x1c4: {  	v10 =	vld [tilespmem:s10+$0x0]  }
0x1c5: {  	(xrf2) =	vadd.scan.msk.f32 $0xffff, v8;
	_ =	sdelay $0x2  }
0x1c6: {  	(xrf2) =	vadd.scan.msk.f32 $0xffff, v9  }
0x1c7: {  	(xrf2) =	vadd.scan.msk.f32 $0xffff, v10;
	_ =	sdelay $0x3  }
0x1c8: {  	s25 =	simm.s32 $0x1F030  }
0x1c9: {  	v8 =	vld [tilespmem:s25+$0x0]  }
0x1ca: {  	v62, _, _ =	vpop (xrf2)  }
0x1cb: {  	(v2sf) =	vpush v62, $0xF;
	_ =	sdelay $0x1  }
0x1cc: {  	v63, _, _ =	vpop (xrf2)  }
0x1cd: {  	s31 =	simm.s32 $0x1F040;
	(xrf2) =	vadd.scan.msk.f32 $0xffff, v8;
	(v2sf) =	vpush v63, $0xF;
	v8, _, _ =	vpop (xrf2)  }
0x1ce: {  	v61 =	vld [tilespmem:s31+$0x0];
	(v2sf) =	vpush v8, $0xF;
	_ =	sdelay $0x4  }
0x1cf: {  	(xrf2) =	vadd.scan.msk.f32 $0xffff, v61;
	_ =	sdelay $0x2  }
0x1d0: {  	s30 =	simm.s32 $0x4;
	s29 =	simm.s32 $0x8;
	s28 =	simm.s32 $0x10  }
0x1d1: {  	s1 =	simm.s32 $0x1F050;
	s0 =	simm.s32 $0x14;
	s25 =	simm.s32 $0xC  }
.LBB2_23:
0x1d2: {  	v8 =	vld [tilespmem:s1+$0x0];
	p0 =	sne.s32 s0, $0xFC;
	s6 =	smov.u32 s0;
	s0 =	sadd.s32 $0x4, s0  }
.Ltmp11:
0x1d3: {  	s7 =	sshra.s32 s26, $0x2;
	s8 =	spop (v2sf);
	(pc) =	sbr.rel @p0 .LBB2_23-.Ltmp11, $4  }
0x1d4: {  	s26 =	smov.u32 s30;
	s30 =	smov.u32 s29;
	[smem:s7] =	sst s8  }
0x1d5: {  	s29 =	smov.u32 s25;
	s25 =	smov.u32 s28;
	s28 =	smov.u32 s6;
	v9, _, _ =	vpop (xrf2)  }
0x1d6: {  	(v2sf) =	vpush v9, $0xF  }
0x1d7: {  	s1 =	sadd.s32 $0x10, s1;
	(xrf2) =	vadd.scan.msk.f32 $0xffff, v8  }
0x1d8: {  	_ =	sdelay $0x7  }
0x1d9: {  	v8, _, _ =	vpop (xrf2)  }
0x1da: {  	vm0 =	vgt.f32 v6, v7;
	(v2sf) =	vpush v8, $0xF;
	v63, _, _ =	vpop (xrf2)  }
0x1db: {  	v5 =	vsel vm0, $0x0, v5;
	(v2sf) =	vpush v63, $0xF  }
0x1dc: {  	(v2sf) =	vpush v5, $0x0  }
0x1dd: {  	(v2sf) =	vpush v5, $0x1;
	_ =	sdelay $0x1  }
0x1de: {  	(v2sf) =	vpush v5, $0x2;
	_ =	sdelay $0x1  }
0x1df: {  	(v2sf) =	vpush v5, $0x3;
	_ =	sdelay $0x1  }
0x1e0: {  	(v2sf) =	vpush v5, $0x4;
	_ =	sdelay $0x1  }
0x1e1: {  	(v2sf) =	vpush v5, $0x5  }
0x1e2: {  	s0 =	spop (v2sf)  }
0x1e3: {  	s1 =	spop (v2sf);
	(v2sf) =	vpush v5, $0x6  }
0x1e4: {  	s6 =	spop (v2sf)  }
0x1e5: {  	s7 =	spop (v2sf);
	(v2sf) =	vpush v5, $0x7  }
0x1e6: {  	s8 =	spop (v2sf)  }
0x1e7: {  	(v2sf) =	vpush v5, $0x8;
	s31 =	spop (v2sf)  }
0x1e8: {  	s9 =	spop (v2sf)  }
0x1e9: {  	(v2sf) =	vpush v5, $0x9;
	s9 =	sadd.f32 s9, s31  }
0x1ea: {  	s31 =	spop (v2sf)  }
0x1eb: {  	(v2sf) =	vpush v5, $0xA;
	s9 =	sadd.f32 s9, s31  }
0x1ec: {  	s31 =	spop (v2sf)  }
0x1ed: {  	(v2sf) =	vpush v5, $0xB;
	s9 =	sadd.f32 s9, s31  }
0x1ee: {  	s31 =	spop (v2sf)  }
0x1ef: {  	(v2sf) =	vpush v5, $0xC;
	s9 =	sadd.f32 s9, s31  }
0x1f0: {  	s31 =	spop (v2sf)  }
0x1f1: {  	(v2sf) =	vpush v5, $0xD;
	s9 =	sadd.f32 s9, s31  }
0x1f2: {  	s31 =	spop (v2sf)  }
0x1f3: {  	(v2sf) =	vpush v5, $0xE;
	s9 =	sadd.f32 s9, s31  }
0x1f4: {  	s31 =	spop (v2sf);
	(v2sf) =	vpush v5, $0xF  }
0x1f5: {  	s9 =	sadd.f32 s9, s31  }
0x1f6: {  	s31 =	spop (v2sf)  }
0x1f7: {  	s9 =	sadd.f32 s9, s31  }
0x1f8: {  	s31 =	spop (v2sf)  }
0x1f9: {  	s26 =	sshra.s32 s26, $0x2;
	s9 =	sadd.f32 s9, s31  }
0x1fa: {  	[smem:s26] =	sst s0;
	s31 =	spop (v2sf)  }
0x1fb: {  	s26 =	sshra.s32 s30, $0x2;
	s9 =	sadd.f32 s9, s31  }
0x1fc: {  	[smem:s26] =	sst s1;
	s10 =	spop (v2sf)  }
0x1fd: {  	s26 =	sshra.s32 s29, $0x2;
	s0 =	sadd.f32 s9, s10  }
0x1fe: {  	[smem:s26] =	sst s6;
	s10 =	spop (v2sf)  }
0x1ff: {  	s26 =	sshra.s32 s25, $0x2;
	s0 =	sadd.f32 s0, s10  }
0x200: {  	[smem:s26] =	sst s7;
	s10 =	spop (v2sf)  }
0x201: {  	s7 =	sshra.s32 s28, $0x2;
	s0 =	sadd.f32 s0, s10  }
0x202: {  	[smem:s7] =	sst s8;
	s6 =	spop (v2sf)  }
0x203: {  	s9 =	spop (v2sf);
	s0 =	sadd.f32 s0, s6  }
0x204: {  	s10 =	sld [smem:$0x3F];
	_ =	sdelay $0x1  }
0x205: {  	s26 =	simm.f32 $0.0e+00;
	s0 =	sadd.f32 s0, s9  }
0x206: {  	s29 =	sadd.f32 s10, s26  }
0x207: {  	s25 =	ssub.f32 s24, s0;
	_ =	sdelay $0x1  }
0x208: {  	p1 =	por $0x1, $0x1;
	s30 =	simm.f32 $0.0e+00;
	p0 =	sgt.f32 s29, s25  }
0x209: {  	s28 =	simm.s32 $0x3E;
	s31 =	simm.s32 $0x3D;
	s7 =	sld [smem:$0x3E]  }
0x20a: {  	s6 =	simm.s32 $0x3E;
	s24 =	simm.s32 $0xFFFFFFFF;
	p0 =	por !p1, !p0  }
0x20b: {  	s0 =	simm.s32 $0x3F;
	s1 =	smov.u32 s29;
	p0 =	por !p0, !p0  }
.LBB2_25:
0x20c: {  	p1 =	sne.s32 s31, $0x0;
	s29 =	sadd.f32 s7, s29  }
0x20d: {  	s24 =	smov.u32 @p0 s0;
	s0 =	smov.u32 s28;
	s28 =	smov.u32 s31  }
.Ltmp12:
0x20e: {  	s31 =	sadd.s32 $0xFFFFFFFF, s31;
	s26 =	smov.u32 @p0 s30;
	(pc) =	sbr.rel @p1 .LBB2_25-.Ltmp12, $4  }
0x20f: {  	s6 =	sadd.s32 $0xFFFFFFFF, s6;
	s30 =	smov.u32 s1;
	p0 =	sgt.f32 s29, s25  }
0x210: {  	p2 =	slt.s32 s24, $0x0;
	s1 =	smov.u32 s29;
	s7 =	sld [smem:s6+$0x0]  }
0x211: {  	p0 =	por !p2, !p0  }
0x212: {  	p0 =	por !p0, !p0  }
0x213: {  	s6 =	sadd.f32 s7, s29;
	_ =	sdelay $0x1  }
0x214: {  	s24 =	smov.u32 @p0 s0;
	p1 =	sgt.f32 s6, s25  }
0x215: {  	p2 =	slt.s32 s24, $0x0  }
0x216: {  	p1 =	por !p2, !p1  }
0x217: {  	p1 =	por !p1, !p1  }
0x218: {  	s24 =	smov.u32 @p1 s28  }
0x219: {  	p2 =	sgt.s32 s24, $0x0  }
0x21a: {  	s24 =	simm.s32 @!p2 $0x0  }
0x21b: {  	s24 =	sshll.u32 s24, $0x4  }
0x21c: {  	v5 =	vld [tilespmem:s24+$0x1F000];
	_ =	sdelay $0x3  }
0x21d: {  	s26 =	smov.u32 @p0 s30  }
0x21e: {  	s0 =	simm.s32 $0x40;
	s26 =	smov.u32 @p1 s1;
	s1 =	simm.s32 $0x0;
	v5 =	vperm.xlane v5, v3  }
.LBB2_27:
0x21f: {  	p0 =	seq.s32 s0, $0x1FC0;
	[tilespmem:s1+$0x1F000] =	vst v0;
	s1 =	smov.u32 s0;
	s0 =	sadd.s32 $0x40, s0  }
.Ltmp13:
0x220: {  	(pc) =	sbr.rel @!p0 .LBB2_27-.Ltmp13, $2  }
0x221: {  	_ =	sdelay $0x2  }
0x222: {  	s1 =	sshra.s32 s1, $0x2  }
0x223: {  	(xrf2) =	vadd.scan.msk.f32 $0xffff, v5;
	_ =	sdelay $0x8  }
0x224: {  	s25 =	ssub.f32 s25, s26  }
0x225: {  	v6, _, _ =	vpop (xrf2)  }
0x226: {  	vm0 =	vgt.f32 v6, s25  }
0x227: {  	v7 =	vsel vm0, $0x1, v4  }
0x228: {  	(v2sf) =	vpush v7, $0x0  }
0x229: {  	(v2sf) =	vpush v7, $0x1  }
0x22a: {  	(v2sf) =	vpush v7, $0x2  }
0x22b: {  	(v2sf) =	vpush v7, $0x3  }
0x22c: {  	(v2sf) =	vpush v7, $0x4  }
0x22d: {  	(v2sf) =	vpush v7, $0x5  }
0x22e: {  	(v2sf) =	vpush v7, $0x6  }
0x22f: {  	(v2sf) =	vpush v7, $0x7  }
0x230: {  	(v2sf) =	vpush v7, $0x8  }
0x231: {  	(v2sf) =	vpush v7, $0x9;
	_ =	sdelay $0x3  }
0x232: {  	(v2sf) =	vpush v7, $0xA  }
0x233: {  	(v2sf) =	vpush v7, $0xB  }
0x234: {  	(v2sf) =	vpush v7, $0xC;
	s0 =	spop (v2sf)  }
0x235: {  	(v2sf) =	vpush v7, $0xD;
	s31 =	spop (v2sf)  }
0x236: {  	(v2sf) =	vpush v7, $0xE;
	s0 =	sadd.s32 s31, s0;
	s6 =	spop (v2sf)  }
0x237: {  	(v2sf) =	vpush v7, $0xF;
	s0 =	sadd.s32 s6, s0;
	s7 =	spop (v2sf)  }
0x238: {  	s0 =	sadd.s32 s7, s0;
	s8 =	spop (v2sf)  }
0x239: {  	s0 =	sadd.s32 s8, s0;
	s9 =	spop (v2sf)  }
0x23a: {  	s0 =	sadd.s32 s9, s0;
	s10 =	spop (v2sf)  }
0x23b: {  	s0 =	sadd.s32 s10, s0;
	s26 =	spop (v2sf)  }
0x23c: {  	s0 =	sadd.s32 s26, s0;
	s28 =	spop (v2sf)  }
0x23d: {  	s0 =	sadd.s32 s28, s0;
	s31 =	spop (v2sf)  }
0x23e: {  	[tilespmem:s1+$0x1F000] =	vst v0;
	s0 =	sadd.s32 s31, s0;
	s31 =	simm.s32 $0x40  }
0x23f: {  	v9 =	vld [tilespmem:s31+$0x30]  }
0x240: {  	v10 =	vld [tilespmem:s31+$0xFFFFFFD0]  }
0x241: {  	s6 =	spop (v2sf);
	v11 =	vld [tilespmem:s31+$0xFFFFFFE0]  }
0x242: {  	s0 =	sadd.s32 s6, s0;
	s7 =	spop (v2sf);
	v12 =	vld [tilespmem:s31+$0xFFFFFFF0]  }
0x243: {  	v13 =	vld [tilespmem:s31+$0x0];
	s0 =	sadd.s32 s7, s0;
	s8 =	spop (v2sf)  }
0x244: {  	v14 =	vld [tilespmem:s31+$0x10];
	s0 =	sadd.s32 s8, s0;
	s9 =	spop (v2sf)  }
0x245: {  	v7 =	vmov s25;
	v17 =	vld [tilespmem:s31+$0x20];
	s0 =	sadd.s32 s9, s0;
	s10 =	spop (v2sf);
	v15 =	vmul.f32 $1.442695020e+00, v9  }
0x246: {  	v18 =	vld [tilespmem:s31+$0xFFFFFFC0];
	s0 =	sadd.s32 s10, s0;
	s26 =	spop (v2sf);
	v16 =	vand.u32 $0x7FFFFFFF, v10;
	v10 =	vmul.f32 $1.442695020e+00, v10;
	v19 =	vmul.f32 $1.442695020e+00, v11  }
0x247: {  	s0 =	sadd.s32 s26, s0;
	v9 =	vand.u32 $0x7FFFFFFF, v9;
	v11 =	vand.u32 $0x7FFFFFFF, v11;
	(erf) = vpow2.f32 v15  }
0x248: {  	p0 =	sgt.s32 s0, $0x1;
	v9 =	vxor.u32 $0x80000000, v9;
	v15 =	vmul.f32 $1.442695020e+00, v12;
	(erf) = vpow2.f32 v10  }
0x249: {  	s0 =	simm.s32 @!p0 $0x1;
	v20 =	vxor.u32 $0xFFFFFFFF, v9;
	v10 =	vmul.f32 $1.442695020e+00, v13;
	(erf) = vpow2.f32 v19  }
0x24a: {  	v23 =	vandn.u32 $0x7FF, v9;
	s0 =	sadd.s32 s0, s24;
	v19 =	vmul.f32 $1.442695020e+00, v14;
	(erf) = vpow2.f32 v15  }
0x24b: {  	s28 =	sshll.u32 s23, $0xA;
	v9 =	vand.u32 $0x7FFFFFFF, v18;
	s24 =	sadd.s32 $0xFFFFFFFF, s0;
	v15 =	vmul.f32 $1.442695020e+00, v17;
	(erf) = vpow2.f32 v10  }
0x24c: {  	v12 =	vand.u32 $0x7FFFFFFF, v12;
	s0 =	sor.u32 s28, s24;
	v10 =	vmul.f32 $1.442695020e+00, v18;
	(erf) = vpow2.f32 v19  }
0x24d: {  	v20 =	vshrl.u32 v20, $0xB;
	v8 =	vmov s0;
	(erf) = vpow2.f32 v15  }
0x24e: {  	v18 =	vxor.u32 $0x80000000, v9;
	v9 =	vand.u32 $0x7FFFFFFF, v14;
	(erf) = vpow2.f32 v10  }
0x24f: {  	v13 =	vand.u32 $0x7FFFFFFF, v13;
	vm15 =	veq.s32 v20, v8;
	v10 =	vand.u32 $0x7FFFFFFF, v17  }
0x250: {  	v20 =	vxor.u32 $0x80000000, v16;
	v19 =	vxor.u32 $0x80000000, v11;
	v16 =	vxor.u32 $0x80000000, v12;
	v14 =	vpop (erf)  }
0x251: {  	v12 =	vxor.u32 $0xFFFFFFFF, v18;
	v15 =	vxor.u32 $0x80000000, v9;
	v22 =	vxor.u32 $0xFFFFFFFF, v20;
	v9 =	vpop (erf)  }
0x252: {  	v25 =	vxor.u32 $0xFFFFFFFF, v19;
	v17 =	vxor.u32 $0x80000000, v13;
	v13 =	vxor.u32 $0x80000000, v10;
	v10 =	vpop (erf)  }
0x253: {  	v28 =	vxor.u32 $0xFFFFFFFF, v16;
	v26 =	vshrl.u32 v12, $0xB;
	v21 =	vxor.u32 $0xFFFFFFFF, v15;
	v11 =	vpop (erf)  }
0x254: {  	s26 =	simm.s32 $0x1F000;
	v24 =	vshrl.u32 v22, $0xB;
	v27 =	vshrl.u32 v25, $0xB;
	v29 =	vxor.u32 $0xFFFFFFFF, v17;
	v12 =	vpop (erf)  }
0x255: {  	s29 =	simm.s32 $0x0;
	s30 =	simm.s32 $0xC0;
	v25 =	vshrl.u32 v28, $0xB;
	v22 =	vxor.u32 $0xFFFFFFFF, v13;
	[tilespmem:v23+s26+$0x0] =	vst.idx.add.f32.msk vm15, v14;
	v23 =	vshrl.u32 v29, $0xB;
	v14 =	vpop (erf)  }
.LBB2_29:
0x256: {  	v28 =	vld [tilespmem:s30+$0x30];
	s29 =	sadd.s32 $0x80, s29;
	vm5 =	veq.s32 v26, v8;
	v21 =	vshrl.u32 v21, $0xB;
	v22 =	vshrl.u32 v22, $0xB;
	v26 =	vpop (erf)  }
0x257: {  	vm6 =	veq.s32 v24, v8;
	vm4 =	veq.s32 v27, v8;
	vm3 =	veq.s32 v25, v8;
	v29 =	vld [tilespmem:s30+$0xFFFFFFD0];
	p0 =	slt.u32 s29, $0xFF80;
	v24 =	vpop (erf)  }
0x258: {  	vm2 =	veq.s32 v23, v8;
	vm1 =	veq.s32 v21, v8;
	vm0 =	veq.s32 v22, v8;
	v25 =	vld [tilespmem:s30+$0xFFFFFFE0]  }
0x259: {  	v18 =	vandn.u32 $0x7FF, v18;
	v20 =	vandn.u32 $0x7FF, v20;
	v19 =	vandn.u32 $0x7FF, v19;
	v21 =	vld [tilespmem:s30+$0xFFFFFFF0]  }
0x25a: {  	v16 =	vandn.u32 $0x7FF, v16;
	v17 =	vandn.u32 $0x7FF, v17;
	v15 =	vandn.u32 $0x7FF, v15;
	v22 =	vld [tilespmem:s30+$0x0]  }
0x25b: {  	v13 =	vandn.u32 $0x7FF, v13;
	v23 =	vld [tilespmem:s30+$0x10];
	v27 =	vmul.f32 $1.442695020e+00, v28  }
0x25c: {  	v30 =	vand.u32 $0x7FFFFFFF, v29;
	v29 =	vmul.f32 $1.442695020e+00, v29;
	v31 =	vld [tilespmem:s30+$0x20]  }
0x25d: {  	v28 =	vand.u32 $0x7FFFFFFF, v28;
	v32 =	vld [tilespmem:s30+$0xFFFFFFC0];
	v33 =	vmul.f32 $1.442695020e+00, v25;
	(erf) = vpow2.f32 v27  }
0x25e: {  	v28 =	vxor.u32 $0x80000000, v28;
	v27 =	vmul.f32 $1.442695020e+00, v21;
	(erf) = vpow2.f32 v29;
	[tilespmem:v18+s26+$0x0] =	vst.idx.add.f32.msk vm5, v24  }
0x25f: {  	v24 =	vxor.u32 $0xFFFFFFFF, v28;
	v18 =	vmul.f32 $1.442695020e+00, v22;
	(erf) = vpow2.f32 v33;
	[tilespmem:v20+s26+$0x0] =	vst.idx.add.f32.msk vm6, v9  }
0x260: {  	v20 =	vshrl.u32 v24, $0xB;
	v9 =	vmul.f32 $1.442695020e+00, v23;
	(erf) = vpow2.f32 v27;
	[tilespmem:v19+s26+$0x0] =	vst.idx.add.f32.msk vm4, v10  }
0x261: {  	vm4 =	veq.s32 v20, v8;
	v10 =	vmul.f32 $1.442695020e+00, v31;
	(erf) = vpow2.f32 v18;
	[tilespmem:v16+s26+$0x0] =	vst.idx.add.f32.msk vm3, v11  }
0x262: {  	v24 =	vandn.u32 $0x7FF, v28;
	v11 =	vmul.f32 $1.442695020e+00, v32;
	(erf) = vpow2.f32 v9;
	[tilespmem:v17+s26+$0x0] =	vst.idx.add.f32.msk vm2, v12  }
0x263: {  	v9 =	vand.u32 $0x7FFFFFFF, v32;
	v12 =	vand.u32 $0x7FFFFFFF, v25;
	(erf) = vpow2.f32 v10;
	[tilespmem:v15+s26+$0x0] =	vst.idx.add.f32.msk vm1, v14  }
0x264: {  	v15 =	vand.u32 $0x7FFFFFFF, v21;
	v14 =	vand.u32 $0x7FFFFFFF, v22;
	(erf) = vpow2.f32 v11;
	[tilespmem:v13+s26+$0x0] =	vst.idx.add.f32.msk vm0, v26  }
0x265: {  	v18 =	vxor.u32 $0x80000000, v9;
	v21 =	vand.u32 $0x7FFFFFFF, v23;
	v11 =	vand.u32 $0x7FFFFFFF, v31  }
0x266: {  	v20 =	vxor.u32 $0x80000000, v30;
	v19 =	vxor.u32 $0x80000000, v12;
	v16 =	vxor.u32 $0x80000000, v15;
	v10 =	vpop (erf)  }
.Ltmp14:
0x267: {  	s28 =	simm.s32 $0x0;
	v17 =	vxor.u32 $0x80000000, v14;
	v15 =	vxor.u32 $0x80000000, v21;
	v13 =	vxor.u32 $0x80000000, v11;
	[tilespmem:v24+s26+$0x0] =	vst.idx.add.f32.msk vm4, v10;
	v9 =	vpop (erf);
	(pc) =	sbr.rel @p0 .LBB2_29-.Ltmp14, $4  }
0x268: {  	v27 =	vxor.u32 $0xFFFFFFFF, v18;
	v14 =	vxor.u32 $0xFFFFFFFF, v20;
	v23 =	vxor.u32 $0xFFFFFFFF, v19;
	v10 =	vpop (erf)  }
0x269: {  	v25 =	vxor.u32 $0xFFFFFFFF, v16;
	v28 =	vxor.u32 $0xFFFFFFFF, v17;
	v21 =	vxor.u32 $0xFFFFFFFF, v15;
	v11 =	vpop (erf)  }
0x26a: {  	v26 =	vshrl.u32 v27, $0xB;
	v22 =	vxor.u32 $0xFFFFFFFF, v13;
	v24 =	vshrl.u32 v14, $0xB;
	v12 =	vpop (erf)  }
0x26b: {  	s30 =	sadd.s32 $0x80, s30;
	v27 =	vshrl.u32 v23, $0xB;
	v25 =	vshrl.u32 v25, $0xB;
	v23 =	vshrl.u32 v28, $0xB;
	v14 =	vpop (erf)  }
0x26c: {  	vm0 =	veq.s32 v26, v8  }
0x26d: {  	vm1 =	veq.s32 v24, v8;
	v18 =	vandn.u32 $0x7FF, v18  }
0x26e: {  	vm2 =	veq.s32 v27, v8;
	v20 =	vandn.u32 $0x7FF, v20  }
0x26f: {  	vm3 =	veq.s32 v25, v8;
	v19 =	vandn.u32 $0x7FF, v19  }
0x270: {  	v21 =	vshrl.u32 v21, $0xB;
	v59 =	vpop (erf);
	vm4 =	veq.s32 v23, v8;
	v16 =	vandn.u32 $0x7FF, v16  }
0x271: {  	v22 =	vshrl.u32 v22, $0xB;
	v17 =	vandn.u32 $0x7FF, v17;
	v60 =	vpop (erf);
	vm5 =	veq.s32 v21, v8  }
0x272: {  	vm6 =	veq.s32 v22, v8;
	v8 =	vandn.u32 $0x7FF, v15;
	[tilespmem:v18+s26+$0x0] =	vst.idx.add.f32.msk vm0, v60  }
0x273: {  	v13 =	vandn.u32 $0x7FF, v13;
	[tilespmem:v20+s26+$0x0] =	vst.idx.add.f32.msk vm1, v9  }
0x274: {  	[tilespmem:v19+s26+$0x0] =	vst.idx.add.f32.msk vm2, v10  }
0x275: {  	[tilespmem:v16+s26+$0x0] =	vst.idx.add.f32.msk vm3, v11  }
0x276: {  	[tilespmem:v17+s26+$0x0] =	vst.idx.add.f32.msk vm4, v12  }
0x277: {  	[tilespmem:v8+s26+$0x0] =	vst.idx.add.f32.msk vm5, v14  }
0x278: {  	[tilespmem:v13+s26+$0x0] =	vst.idx.add.f32.msk vm6, v59  }
0x279: {  	v8 =	vld [tilespmem:s26+$0x0];
	_ =	sdelay $0x1  }
0x27a: {  	s0 =	simm.s32 $0x1F010  }
0x27b: {  	s9 =	simm.s32 $0x1F020;
	v9 =	vld [tilespmem:s0+$0x0]  }
0x27c: {  	v10 =	vld [tilespmem:s9+$0x0]  }
0x27d: {  	(xrf2) =	vadd.scan.msk.f32 $0xffff, v8;
	_ =	sdelay $0x2  }
0x27e: {  	(xrf2) =	vadd.scan.msk.f32 $0xffff, v9  }
0x27f: {  	(xrf2) =	vadd.scan.msk.f32 $0xffff, v10;
	_ =	sdelay $0x3  }
0x280: {  	s10 =	simm.s32 $0x1F030  }
0x281: {  	v8 =	vld [tilespmem:s10+$0x0]  }
0x282: {  	v62, _, _ =	vpop (xrf2)  }
0x283: {  	(v2sf) =	vpush v62, $0xF;
	_ =	sdelay $0x1  }
0x284: {  	v63, _, _ =	vpop (xrf2)  }
0x285: {  	s26 =	simm.s32 $0x1F040;
	(xrf2) =	vadd.scan.msk.f32 $0xffff, v8;
	(v2sf) =	vpush v63, $0xF;
	v8, _, _ =	vpop (xrf2)  }
0x286: {  	v61 =	vld [tilespmem:s26+$0x0];
	(v2sf) =	vpush v8, $0xF;
	_ =	sdelay $0x4  }
0x287: {  	(xrf2) =	vadd.scan.msk.f32 $0xffff, v61;
	_ =	sdelay $0x2  }
0x288: {  	s31 =	simm.s32 $0x4;
	s30 =	simm.s32 $0x8;
	s29 =	simm.s32 $0x10  }
0x289: {  	s1 =	simm.s32 $0x1F050;
	s0 =	simm.s32 $0x14;
	s26 =	simm.s32 $0xC  }
.LBB2_31:
0x28a: {  	v8 =	vld [tilespmem:s1+$0x0];
	p0 =	sne.s32 s0, $0x1FC;
	s6 =	smov.u32 s0;
	s0 =	sadd.s32 $0x4, s0  }
.Ltmp15:
0x28b: {  	s7 =	sshra.s32 s28, $0x2;
	s8 =	spop (v2sf);
	(pc) =	sbr.rel @p0 .LBB2_31-.Ltmp15, $4  }
0x28c: {  	s28 =	smov.u32 s31;
	s31 =	smov.u32 s30;
	[smem:s7] =	sst s8  }
0x28d: {  	s30 =	smov.u32 s26;
	s26 =	smov.u32 s29;
	s29 =	smov.u32 s6;
	v9, _, _ =	vpop (xrf2)  }
0x28e: {  	(v2sf) =	vpush v9, $0xF  }
0x28f: {  	s1 =	sadd.s32 $0x10, s1;
	(xrf2) =	vadd.scan.msk.f32 $0xffff, v8  }
0x290: {  	_ =	sdelay $0x7  }
0x291: {  	v8, _, _ =	vpop (xrf2)  }
0x292: {  	vm0 =	vgt.f32 v6, v7;
	(v2sf) =	vpush v8, $0xF;
	v63, _, _ =	vpop (xrf2)  }
0x293: {  	v5 =	vsel vm0, $0x0, v5;
	(v2sf) =	vpush v63, $0xF  }
0x294: {  	(v2sf) =	vpush v5, $0x0  }
0x295: {  	(v2sf) =	vpush v5, $0x1;
	_ =	sdelay $0x1  }
0x296: {  	(v2sf) =	vpush v5, $0x2;
	_ =	sdelay $0x1  }
0x297: {  	(v2sf) =	vpush v5, $0x3;
	_ =	sdelay $0x1  }
0x298: {  	(v2sf) =	vpush v5, $0x4;
	_ =	sdelay $0x1  }
0x299: {  	(v2sf) =	vpush v5, $0x5  }
0x29a: {  	s0 =	spop (v2sf)  }
0x29b: {  	s1 =	spop (v2sf);
	(v2sf) =	vpush v5, $0x6  }
0x29c: {  	s6 =	spop (v2sf)  }
0x29d: {  	s7 =	spop (v2sf);
	(v2sf) =	vpush v5, $0x7  }
0x29e: {  	s8 =	spop (v2sf)  }
0x29f: {  	(v2sf) =	vpush v5, $0x8;
	s9 =	spop (v2sf)  }
0x2a0: {  	s10 =	spop (v2sf)  }
0x2a1: {  	(v2sf) =	vpush v5, $0x9;
	s9 =	sadd.f32 s10, s9  }
0x2a2: {  	s10 =	spop (v2sf)  }
0x2a3: {  	(v2sf) =	vpush v5, $0xA;
	s9 =	sadd.f32 s9, s10  }
0x2a4: {  	s10 =	spop (v2sf)  }
0x2a5: {  	(v2sf) =	vpush v5, $0xB;
	s9 =	sadd.f32 s9, s10  }
0x2a6: {  	s10 =	spop (v2sf)  }
0x2a7: {  	s9 =	sadd.f32 s9, s10  }
0x2a8: {  	(v2sf) =	vpush v5, $0xC;
	s10 =	spop (v2sf)  }
0x2a9: {  	s9 =	sadd.f32 s9, s10  }
0x2aa: {  	(v2sf) =	vpush v5, $0xD;
	s10 =	spop (v2sf)  }
0x2ab: {  	s9 =	sadd.f32 s9, s10  }
0x2ac: {  	(v2sf) =	vpush v5, $0xE;
	s10 =	spop (v2sf)  }
0x2ad: {  	(v2sf) =	vpush v5, $0xF;
	s9 =	sadd.f32 s9, s10  }
0x2ae: {  	s10 =	spop (v2sf)  }
0x2af: {  	s9 =	sadd.f32 s9, s10  }
0x2b0: {  	s10 =	spop (v2sf)  }
0x2b1: {  	s9 =	sadd.f32 s9, s10  }
0x2b2: {  	s10 =	spop (v2sf)  }
0x2b3: {  	s9 =	sadd.f32 s9, s10;
	s10 =	sshra.s32 s28, $0x2  }
0x2b4: {  	[smem:s10] =	sst s0;
	s0 =	spop (v2sf)  }
0x2b5: {  	s10 =	sshra.s32 s31, $0x2;
	s0 =	sadd.f32 s9, s0  }
0x2b6: {  	[smem:s10] =	sst s1;
	s10 =	sshra.s32 s30, $0x2  }
0x2b7: {  	s9 =	spop (v2sf);
	[smem:s10] =	sst s6  }
0x2b8: {  	s26 =	sshra.s32 s26, $0x2;
	s0 =	sadd.f32 s0, s9  }
0x2b9: {  	s10 =	spop (v2sf);
	[smem:s26] =	sst s7  }
0x2ba: {  	s9 =	sshra.s32 s29, $0x2;
	s0 =	sadd.f32 s0, s10  }
0x2bb: {  	s7 =	spop (v2sf);
	[smem:s9] =	sst s8  }
0x2bc: {  	s10 =	spop (v2sf);
	s0 =	sadd.f32 s0, s7  }
0x2bd: {  	s26 =	sld [smem:$0x7F];
	_ =	sdelay $0x1  }
0x2be: {  	s28 =	simm.f32 $0.0e+00;
	s0 =	sadd.f32 s0, s10  }
0x2bf: {  	s30 =	sadd.f32 s26, s28  }
0x2c0: {  	s25 =	ssub.f32 s25, s0;
	_ =	sdelay $0x1  }
0x2c1: {  	p1 =	por $0x1, $0x1;
	s31 =	simm.f32 $0.0e+00;
	p0 =	sgt.f32 s30, s25  }
0x2c2: {  	s1 =	simm.s32 $0x7F;
	s6 =	simm.s32 $0x7D;
	s8 =	sld [smem:$0x7E]  }
0x2c3: {  	s29 =	simm.s32 $0x7E;
	s7 =	simm.s32 $0x7E;
	p0 =	por !p1, !p0  }
0x2c4: {  	s26 =	simm.s32 $0xFFFFFFFF;
	s0 =	smov.u32 s30;
	p0 =	por !p0, !p0  }
.LBB2_33:
0x2c5: {  	p1 =	sne.s32 s6, $0x0;
	s30 =	sadd.f32 s8, s30  }
0x2c6: {  	s26 =	smov.u32 @p0 s1;
	s1 =	smov.u32 s29;
	s29 =	smov.u32 s6  }
.Ltmp16:
0x2c7: {  	s6 =	sadd.s32 $0xFFFFFFFF, s6;
	s28 =	smov.u32 @p0 s31;
	(pc) =	sbr.rel @p1 .LBB2_33-.Ltmp16, $4  }
0x2c8: {  	s7 =	sadd.s32 $0xFFFFFFFF, s7;
	s31 =	smov.u32 s0;
	p0 =	sgt.f32 s30, s25  }
0x2c9: {  	p2 =	slt.s32 s26, $0x0;
	s0 =	smov.u32 s30;
	s8 =	sld [smem:s7+$0x0]  }
0x2ca: {  	p0 =	por !p2, !p0  }
0x2cb: {  	p0 =	por !p0, !p0  }
0x2cc: {  	s6 =	sadd.f32 s8, s30;
	_ =	sdelay $0x1  }
0x2cd: {  	s26 =	smov.u32 @p0 s1;
	p1 =	sgt.f32 s6, s25  }
0x2ce: {  	p2 =	slt.s32 s26, $0x0  }
0x2cf: {  	p1 =	por !p2, !p1  }
0x2d0: {  	p1 =	por !p1, !p1  }
0x2d1: {  	s26 =	smov.u32 @p1 s29  }
0x2d2: {  	p2 =	sgt.s32 s26, $0x0  }
0x2d3: {  	s26 =	simm.s32 @!p2 $0x0  }
0x2d4: {  	s26 =	sshll.u32 s26, $0x4  }
0x2d5: {  	v5 =	vld [tilespmem:s26+$0x1F000];
	_ =	sdelay $0x4  }
0x2d6: {  	v5 =	vperm.xlane v5, v3;
	_ =	sdelay $0x1  }
0x2d7: {  	(xrf2) =	vadd.scan.msk.f32 $0xffff, v5;
	_ =	sdelay $0x6  }
0x2d8: {  	s28 =	smov.u32 @p0 s31  }
0x2d9: {  	s28 =	smov.u32 @p1 s0  }
0x2da: {  	s0 =	ssub.f32 s25, s28  }
0x2db: {  	v5, _, _ =	vpop (xrf2)  }
0x2dc: {  	vm0 =	vgt.f32 v5, s0  }
0x2dd: {  	v5 =	vsel vm0, $0x1, v4  }
0x2de: {  	(v2sf) =	vpush v5, $0x0  }
0x2df: {  	(v2sf) =	vpush v5, $0x1  }
0x2e0: {  	(v2sf) =	vpush v5, $0x2  }
0x2e1: {  	(v2sf) =	vpush v5, $0x3  }
0x2e2: {  	(v2sf) =	vpush v5, $0x4  }
0x2e3: {  	(v2sf) =	vpush v5, $0x5  }
0x2e4: {  	(v2sf) =	vpush v5, $0x6  }
0x2e5: {  	(v2sf) =	vpush v5, $0x7  }
0x2e6: {  	(v2sf) =	vpush v5, $0x8  }
0x2e7: {  	(v2sf) =	vpush v5, $0x9  }
0x2e8: {  	(v2sf) =	vpush v5, $0xA  }
0x2e9: {  	(v2sf) =	vpush v5, $0xB  }
0x2ea: {  	(v2sf) =	vpush v5, $0xC  }
0x2eb: {  	(v2sf) =	vpush v5, $0xD;
	_ =	sdelay $0x1  }
0x2ec: {  	s7 =	spop (v2sf)  }
0x2ed: {  	s8 =	spop (v2sf)  }
0x2ee: {  	s9 =	spop (v2sf);
	s0 =	sadd.s32 s8, s7  }
0x2ef: {  	s10 =	spop (v2sf);
	s0 =	sadd.s32 s9, s0  }
0x2f0: {  	s25 =	spop (v2sf);
	s0 =	sadd.s32 s10, s0  }
0x2f1: {  	s28 =	spop (v2sf);
	s0 =	sadd.s32 s25, s0  }
0x2f2: {  	s29 =	spop (v2sf);
	s0 =	sadd.s32 s28, s0  }
0x2f3: {  	s30 =	spop (v2sf);
	s0 =	sadd.s32 s29, s0  }
0x2f4: {  	s31 =	spop (v2sf);
	s0 =	sadd.s32 s30, s0  }
0x2f5: {  	s7 =	spop (v2sf);
	s0 =	sadd.s32 s31, s0  }
0x2f6: {  	(v2sf) =	vpush v5, $0xE;
	s30 =	sshll.u32 s23, $0x15;
	s8 =	spop (v2sf);
	s0 =	sadd.s32 s7, s0  }
0x2f7: {  	(v2sf) =	vpush v5, $0xF;
	s23 =	simm.s32 $0xC0;
	s9 =	spop (v2sf);
	s0 =	sadd.s32 s8, s0  }
0x2f8: {  	v55 =	vld [tilespmem:s23+$0xFFFFFFC0];
	s10 =	spop (v2sf);
	s0 =	sadd.s32 s9, s0  }
0x2f9: {  	v56 =	vld [tilespmem:s23+$0x0];
	s25 =	spop (v2sf);
	s0 =	sadd.s32 s10, s0  }
0x2fa: {  	v22 =	vld [tilespmem:s23+$0x20];
	s0 =	sadd.s32 s25, s0;
	s25 =	simm.s32 $0x40  }
0x2fb: {  	v6 =	vld [tilespmem:s25+$0x30]  }
0x2fc: {  	v7 =	vld [tilespmem:s25+$0xFFFFFFD0]  }
0x2fd: {  	v8 =	vld [tilespmem:s25+$0xFFFFFFE0]  }
0x2fe: {  	v9 =	vld [tilespmem:s25+$0xFFFFFFF0]  }
0x2ff: {  	v10 =	vld [tilespmem:s25+$0x0]  }
0x300: {  	v11 =	vld [tilespmem:s25+$0x10]  }
0x301: {  	v14 =	vld [tilespmem:s25+$0x20]  }
0x302: {  	v60 =	vmul.f32 $1.176470640e+00, v55;
	v61 =	vmul.f32 $1.176470640e+00, v56;
	v15 =	vld [tilespmem:s25+$0xFFFFFFC0]  }
0x303: {  	v62 =	vmul.f32 $1.176470640e+00, v22;
	v22 =	vand.u32 $0x7FFFFFFF, v22;
	v12 =	vmul.f32 $1.176470640e+00, v6  }
0x304: {  	v13 =	vmul.f32 $1.176470640e+00, v7;
	v7 =	vand.u32 $0x7FFFFFFF, v7;
	v16 =	vmul.f32 $1.176470640e+00, v8  }
0x305: {  	s28 =	spop (v2sf);
	v8 =	vand.u32 $0x7FFFFFFF, v8;
	v17 =	vmul.f32 $1.176470640e+00, v9;
	v18 =	vmul.f32 $1.176470640e+00, v10  }
0x306: {  	s0 =	sadd.s32 s28, s0;
	s29 =	spop (v2sf);
	v9 =	vand.u32 $0x7FFFFFFF, v9;
	v10 =	vand.u32 $0x7FFFFFFF, v10;
	v54 =	vmul.f32 $1.176470640e+00, v11  }
0x307: {  	s0 =	sadd.s32 s29, s0;
	v11 =	vand.u32 $0x7FFFFFFF, v11;
	v19 =	vmul.f32 $1.176470640e+00, v14;
	v20 =	vmul.f32 $1.176470640e+00, v15  }
0x308: {  	p0 =	sgt.s32 s0, $0x1;
	v15 =	vand.u32 $0x7FFFFFFF, v15;
	v14 =	vand.u32 $0x7FFFFFFF, v14;
	v12 =	vmul.f32 $1.442695020e+00, v12  }
0x309: {  	s0 =	simm.s32 @!p0 $0x1;
	v6 =	vand.u32 $0x7FFFFFFF, v6;
	v7 =	vxor.u32 $0x80000000, v7;
	v15 =	vxor.u32 $0x80000000, v15  }
0x30a: {  	s31 =	sshll.u32 s24, $0xB;
	s0 =	sadd.s32 s0, s26;
	v8 =	vxor.u32 $0x80000000, v8;
	v9 =	vxor.u32 $0x80000000, v9;
	(erf) = vpow2.f32 v12  }
0x30b: {  	s1 =	sor.u32 s30, s31;
	s0 =	sadd.s32 $0xFFFFFFFF, s0;
	v6 =	vxor.u32 $0x80000000, v6;
	v10 =	vxor.u32 $0x80000000, v10;
	v13 =	vmul.f32 $1.442695020e+00, v13  }
0x30c: {  	s0 =	sor.u32 s0, s1;
	v11 =	vxor.u32 $0x80000000, v11;
	v17 =	vmul.f32 $1.442695020e+00, v17;
	v12 =	vmul.f32 $1.442695020e+00, v16  }
0x30d: {  	v5 =	vmov s0;
	v20 =	vmul.f32 $1.442695020e+00, v20;
	(erf) = vpow2.f32 v13  }
0x30e: {  	v18 =	vmul.f32 $1.442695020e+00, v18;
	v6 =	vxor.u32 $0xFFFFFFFF, v6;
	(erf) = vpow2.f32 v12  }
0x30f: {  	v7 =	vxor.u32 $0xFFFFFFFF, v7;
	v8 =	vxor.u32 $0xFFFFFFFF, v8;
	(erf) = vpow2.f32 v20  }
0x310: {  	v59 =	vld [tilespmem:s23+$0x10];
	v10 =	vxor.u32 $0xFFFFFFFF, v10;
	v16 =	vmul.f32 $1.442695020e+00, v54;
	(erf) = vpow2.f32 v17  }
0x311: {  	vm2 =	vgt.s32 v5, v8;
	v8 =	vld [tilespmem:s23+$0xFFFFFFE0];
	v13 =	vmul.f32 $1.442695020e+00, v19;
	(erf) = vpow2.f32 v18  }
0x312: {  	v9 =	vxor.u32 $0xFFFFFFFF, v9;
	vm4 =	vgt.s32 v5, v10;
	v10 =	vld [tilespmem:s23+$0xFFFFFFF0];
	(erf) = vpow2.f32 v16  }
0x313: {  	v11 =	vxor.u32 $0xFFFFFFFF, v11;
	vm0 =	vgt.s32 v5, v6;
	v6 =	vpop (erf);
	(erf) = vpow2.f32 v13;
	v13 =	vld [tilespmem:s23+$0x30]  }
0x314: {  	vm1 =	vgt.s32 v5, v7;
	vm3 =	vgt.s32 v5, v9;
	v12 =	vxor.u32 $0x80000000, v14  }
0x315: {  	vm5 =	vgt.s32 v5, v11;
	v14 =	vxor.u32 $0xFFFFFFFF, v15;
	v12 =	vxor.u32 $0xFFFFFFFF, v12  }
0x316: {  	v20 =	vand.u32 $0x7FFFFFFF, v59;
	vm6 =	vgt.s32 v5, v12;
	v21 =	vmul.f32 $1.176470640e+00, v8  }
0x317: {  	v23 =	vmul.f32 $1.176470640e+00, v10;
	v6 =	vsel vm0, $0x0, v6;
	vm0 =	vgt.s32 v5, v14;
	v14 =	vld [tilespmem:s23+$0xFFFFFFD0]  }
0x318: {  	v8 =	vand.u32 $0x7FFFFFFF, v8;
	v10 =	vand.u32 $0x7FFFFFFF, v10;
	v15 =	vmul.f32 $1.176470640e+00, v13  }
0x319: {  	v17 =	vand.u32 $0x7FFFFFFF, v56;
	v24 =	vxor.u32 $0x80000000, v8;
	v10 =	vxor.u32 $0x80000000, v10  }
0x31a: {  	v23 =	vmul.f32 $1.442695020e+00, v23;
	v16 =	vand.u32 $0x7FFFFFFF, v55;
	v7 =	vpop (erf);
	v15 =	vmul.f32 $1.442695020e+00, v15  }
0x31b: {  	v10 =	vxor.u32 $0xFFFFFFFF, v10;
	v16 =	vxor.u32 $0x80000000, v16;
	v9 =	vpop (erf);
	v7 =	vsel vm1, $0x0, v7  }
0x31c: {  	vm1 =	vmmov vm6;
	v11 =	vpop (erf);
	v57 =	vmul.f32 $1.176470640e+00, v14;
	(erf) = vpow2.f32 v15  }
0x31d: {  	v9 =	vsel vm2, $0x0, v9;
	v11 =	vsel vm0, $0x0, v11;
	v12 =	vpop (erf);
	vm0 =	vmmov vm5  }
0x31e: {  	[tilespmem:s25+$0xFFFFFFE0] =	vst v9;
	v9 =	vxor.u32 $0x80000000, v22;
	v12 =	vsel vm3, $0x0, v12;
	v18 =	vmul.f32 $1.442695020e+00, v57  }
0x31f: {  	v13 =	vand.u32 $0x7FFFFFFF, v13;
	[tilespmem:s25+$0xFFFFFFC0] =	vst v11;
	v11 =	vxor.u32 $0x80000000, v17;
	v15 =	vmul.f32 $1.442695020e+00, v21  }
0x320: {  	v14 =	vand.u32 $0x7FFFFFFF, v14;
	v21 =	vmul.f32 $1.442695020e+00, v60;
	(erf) = vpow2.f32 v18  }
0x321: {  	v8 =	vxor.u32 $0x80000000, v13;
	(erf) = vpow2.f32 v15;
	v15 =	vmul.f32 $1.176470640e+00, v59  }
0x322: {  	v58 =	vpop (erf);
	v13 =	vxor.u32 $0xFFFFFFFF, v8;
	v18 =	vmul.f32 $1.442695020e+00, v61;
	(erf) = vpow2.f32 v21  }
0x323: {  	[tilespmem:s25+$0x30] =	vst v6;
	v19 =	vsel vm4, $0x0, v58;
	v6 =	vpop (erf);
	v15 =	vmul.f32 $1.442695020e+00, v15;
	(erf) = vpow2.f32 v23  }
0x324: {  	[tilespmem:s25+$0xFFFFFFD0] =	vst v7;
	v11 =	vxor.u32 $0xFFFFFFFF, v11;
	v7 =	vpop (erf);
	v21 =	vmul.f32 $1.442695020e+00, v62;
	(erf) = vpow2.f32 v18  }
0x325: {  	[tilespmem:s25+$0xFFFFFFF0] =	vst v12;
	v14 =	vxor.u32 $0x80000000, v14;
	vm2 =	vgt.s32 v5, v13;
	(erf) = vpow2.f32 v15;
	v13 =	vpop (erf)  }
0x326: {  	v8 =	vxor.u32 $0x80000000, v20;
	[tilespmem:s25+$0x0] =	vst v19;
	(erf) = vpow2.f32 v21;
	v63 =	vsel vm2, $0x0, v13  }
0x327: {  	s24 =	simm.s32 $0x80;
	s26 =	simm.s32 $0x140;
	v12 =	vxor.u32 $0xFFFFFFFF, v14;
	v14 =	vxor.u32 $0xFFFFFFFF, v24;
	v13 =	vxor.u32 $0xFFFFFFFF, v16;
	[tilespmem:s23+$0x30] =	vst v63  }
.LBB2_35:
0x328: {  	v15 =	vld [tilespmem:s26+$0x30];
	s24 =	sadd.s32 $0x80, s24;
	vm2 =	vgt.s32 v5, v13;
	v16 =	vxor.u32 $0xFFFFFFFF, v8;
	v9 =	vxor.u32 $0xFFFFFFFF, v9  }
0x329: {  	vm3 =	vgt.s32 v5, v12;
	vm4 =	vgt.s32 v5, v14;
	vm5 =	vgt.s32 v5, v10;
	v13 =	vld [tilespmem:s26+$0xFFFFFFD0];
	p0 =	slt.u32 s24, $0xFF80;
	v10 =	vpop (erf)  }
0x32a: {  	vm6 =	vgt.s32 v5, v11;
	vm7 =	vgt.s32 v5, v16;
	vm8 =	vgt.s32 v5, v9;
	v12 =	vld [tilespmem:s26+$0xFFFFFFE0];
	v8 =	vpop (erf)  }
0x32b: {  	v14 =	vsel vm0, $0x0, v6;
	v17 =	vsel vm3, $0x0, v10;
	v9 =	vld [tilespmem:s26+$0xFFFFFFF0];
	v8 =	vsel vm4, $0x0, v8;
	v11 =	vpop (erf)  }
0x32c: {  	vm0 =	vmmov vm7;
	v16 =	vld [tilespmem:s26+$0x0];
	v18 =	vsel vm2, $0x0, v11;
	[tilespmem:s23+$0xFFFFFFD0] =	vst v17;
	v10 =	vpop (erf);
	v11 =	vsel vm1, $0x0, v7  }
0x32d: {  	vm1 =	vmmov vm8;
	v17 =	vld [tilespmem:s26+$0x10];
	v23 =	vmul.f32 $1.176470640e+00, v15;
	[tilespmem:s23+$0xFFFFFFC0] =	vst v18;
	v10 =	vsel vm5, $0x0, v10;
	v6 =	vpop (erf)  }
0x32e: {  	v18 =	vand.u32 $0x7FFFFFFF, v13;
	v13 =	vmul.f32 $1.176470640e+00, v13;
	v19 =	vld [tilespmem:s26+$0x20];
	[tilespmem:s23+$0xFFFFFFE0] =	vst v8;
	v8 =	vsel vm6, $0x0, v6;
	v6 =	vpop (erf)  }
0x32f: {  	v20 =	vld [tilespmem:s26+$0xFFFFFFC0];
	v18 =	vxor.u32 $0x80000000, v18;
	v21 =	vmul.f32 $1.176470640e+00, v12;
	v22 =	vmul.f32 $1.442695020e+00, v23;
	[tilespmem:s23+$0x0] =	vst v8;
	v7 =	vpop (erf)  }
0x330: {  	v12 =	vand.u32 $0x7FFFFFFF, v12;
	v8 =	vmul.f32 $1.442695020e+00, v13;
	v13 =	vmul.f32 $1.176470640e+00, v9  }
0x331: {  	v9 =	vand.u32 $0x7FFFFFFF, v9;
	v23 =	vmul.f32 $1.176470640e+00, v16;
	(erf) = vpow2.f32 v22;
	[tilespmem:s23+$0xFFFFFFF0] =	vst v10  }
0x332: {  	v10 =	vmul.f32 $1.442695020e+00, v21;
	v16 =	vand.u32 $0x7FFFFFFF, v16;
	v21 =	vmul.f32 $1.176470640e+00, v17  }
0x333: {  	v13 =	vmul.f32 $1.442695020e+00, v13;
	v17 =	vand.u32 $0x7FFFFFFF, v17;
	v22 =	vmul.f32 $1.176470640e+00, v19  }
0x334: {  	v23 =	vmul.f32 $1.442695020e+00, v23;
	v24 =	vand.u32 $0x7FFFFFFF, v20;
	v20 =	vmul.f32 $1.176470640e+00, v20  }
0x335: {  	v19 =	vand.u32 $0x7FFFFFFF, v19;
	v21 =	vmul.f32 $1.442695020e+00, v21;
	v22 =	vmul.f32 $1.442695020e+00, v22;
	[tilespmem:s25+$0x10] =	vst v14  }
0x336: {  	v14 =	vxor.u32 $0x80000000, v24;
	v20 =	vmul.f32 $1.442695020e+00, v20;
	(erf) = vpow2.f32 v8;
	[tilespmem:s25+$0x20] =	vst v11;
	s25 =	smov.u32 s23;
	s23 =	smov.u32 s26  }
0x337: {  	v11 =	vxor.u32 $0x80000000, v12;
	v8 =	vand.u32 $0x7FFFFFFF, v15;
	(erf) = vpow2.f32 v10  }
0x338: {  	v10 =	vxor.u32 $0x80000000, v9;
	v8 =	vxor.u32 $0x80000000, v8;
	(erf) = vpow2.f32 v20  }
.Ltmp17:
0x339: {  	v15 =	vxor.u32 $0x80000000, v16;
	v9 =	vxor.u32 $0xFFFFFFFF, v8;
	(erf) = vpow2.f32 v13;
	(pc) =	sbr.rel @p0 .LBB2_35-.Ltmp17, $4  }
0x33a: {  	v8 =	vxor.u32 $0x80000000, v17;
	vm2 =	vgt.s32 v5, v9;
	(erf) = vpow2.f32 v23;
	v12 =	vpop (erf)  }
0x33b: {  	v9 =	vxor.u32 $0x80000000, v19;
	v16 =	vsel vm2, $0x0, v12;
	(erf) = vpow2.f32 v21  }
0x33c: {  	v13 =	vxor.u32 $0xFFFFFFFF, v14;
	v12 =	vxor.u32 $0xFFFFFFFF, v18;
	[tilespmem:s26+$0x30] =	vst v16;
	(erf) = vpow2.f32 v22  }
0x33d: {  	v10 =	vxor.u32 $0xFFFFFFFF, v10;
	v14 =	vxor.u32 $0xFFFFFFFF, v11;
	v11 =	vxor.u32 $0xFFFFFFFF, v15;
	s26 =	sadd.s32 $0x80, s26  }
0x33e: {  	vm2 =	vgt.s32 v5, v12;
	vm3 =	vgt.s32 v5, v13  }
0x33f: {  	vm10 =	vgt.s32 v5, v14;
	vm11 =	vgt.s32 v5, v11;
	vm12 =	vgt.s32 v5, v10  }
0x340: {  	v8 =	vxor.u32 $0xFFFFFFFF, v8;
	v9 =	vxor.u32 $0xFFFFFFFF, v9;
	v6 =	vsel vm0, $0x0, v6  }
0x341: {  	v15 =	vpop (erf);
	vm13 =	vgt.s32 v5, v8;
	vm14 =	vgt.s32 v5, v9;
	v5 =	vsel vm1, $0x0, v7;
	[tilespmem:s25+$0x10] =	vst v6  }
0x342: {  	v55 =	vpop (erf);
	v56 =	vsel vm2, $0x0, v15;
	[tilespmem:s25+$0x20] =	vst v5  }
0x343: {  	v57 =	vpop (erf);
	[tilespmem:s23+$0xFFFFFFD0] =	vst v56;
	v60 =	vsel vm10, $0x0, v55  }
0x344: {  	v58 =	vsel vm3, $0x0, v57;
	v59 =	vpop (erf);
	[tilespmem:s23+$0xFFFFFFE0] =	vst v60  }
0x345: {  	[tilespmem:s23+$0xFFFFFFC0] =	vst v58;
	v61 =	vpop (erf);
	v63 =	vsel vm12, $0x0, v59  }
0x346: {  	vm15 =	vmmov vm13;
	v62 =	vsel vm11, $0x0, v61;
	[tilespmem:s23+$0xFFFFFFF0] =	vst v63;
	v7 =	vpop (erf)  }
0x347: {  	vm0 =	vmmov vm14;
	[tilespmem:s23+$0x0] =	vst v62;
	v6 =	vpop (erf);
	v5 =	vsel vm15, $0x0, v7  }
0x348: {  	v6 =	vsel vm0, $0x0, v6;
	[tilespmem:s23+$0x10] =	vst v5  }
0x349: {  	[tilespmem:s23+$0x20] =	vst v6  }
0x34a: {  	s0 =	rddreg [dreg:$0x18]  }
0x34b: {  	[hbm4b:s0+s16] =	stream.strided.scatter [tilespmem:s2], [sflag:$0x2], $0x10000, s17, s16, $0x38;
	[tilespmem:$0x1F800] =	vst v63  }
0x34c: {  	_ =	swait.ge [sflag:s18], $0x10000  }
0x34d: {  	[sflag:s18] =	ssyncset.done $0x0  }
0x34e: {  	[sflag:s18] =	ssyncadd.s32 $0xFFFF0000  }
0x34f: {  	[hbm4b:s15+s16] =	stream.strided.scatter [tilespmem:s2], [sflag:$0x2], $0x10000, s17, s16, $0x38;
	[tilespmem:$0x1F800] =	vst v63  }
0x350: {  	_ =	swait.ge [sflag:s18], $0x10000  }
0x351: {  	[sflag:s18] =	ssyncset.done $0x0  }
0x352: {  	[sflag:s18] =	ssyncadd.s32 $0xFFFF0000  }
0x353: {  	_ =	swait.ge [sflag:s21], $0x7000  }
0x354: {  	[sflag:s21] =	ssyncset.done $0x0  }
0x355: {  	[sflag:s21] =	ssyncadd.s32 $0xFFFF9000  }
0x356: {  	_ =	swait.ge [sflag:s21], $0x7000  }
0x357: {  	[sflag:s21] =	ssyncset.done $0x0  }
0x358: {  	[sflag:s21] =	ssyncadd.s32 $0xFFFF9000  }
0x359: {  	_ =	swait.ge [sflag:s21], $0x7000  }
0x35a: {  	[sflag:s21] =	ssyncset.done $0x0  }
0x35b: {  	[sflag:s21] =	ssyncadd.s32 $0xFFFF9000  }
0x35c: {  	_ =	swait.ge [sflag:s21], $0x7000  }
0x35d: {  	[sflag:s21] =	ssyncset.done $0x0  }
0x35e: {  	[sflag:s21] =	ssyncadd.s32 $0xFFFF9000  }
0x35f: {  	_ =	swait.ge [sflag:s21], $0x7000  }
0x360: {  	[sflag:s21] =	ssyncset.done $0x0  }
0x361: {  	[sflag:s21] =	ssyncadd.s32 $0xFFFF9000  }
0x362: {  	_ =	swait.ge [sflag:s21], $0x2000  }
0x363: {  	[sflag:s21] =	ssyncset.done $0x0  }
0x364: {  	[sflag:s21] =	ssyncadd.s32 $0xFFFFE000  }
0x365: {  	_ =	swait.ge [sflag:s21], $0x7000  }
0x366: {  	[sflag:s21] =	ssyncset.done $0x0  }
0x367: {  	[sflag:s21] =	ssyncadd.s32 $0xFFFF9000  }
0x368: {  	_ =	swait.ge [sflag:s21], $0x7000  }
0x369: {  	[sflag:s21] =	ssyncset.done $0x0  }
0x36a: {  	[sflag:s21] =	ssyncadd.s32 $0xFFFF9000  }
0x36b: {  	_ =	swait.ge [sflag:s21], $0x7000  }
0x36c: {  	[sflag:s21] =	ssyncset.done $0x0  }
0x36d: {  	[sflag:s21] =	ssyncadd.s32 $0xFFFF9000  }
0x36e: {  	_ =	swait.ge [sflag:s21], $0x7000  }
0x36f: {  	[sflag:s21] =	ssyncset.done $0x0  }
0x370: {  	[sflag:s21] =	ssyncadd.s32 $0xFFFF9000  }
0x371: {  	_ =	swait.ge [sflag:s21], $0x7000  }
0x372: {  	[sflag:s21] =	ssyncset.done $0x0  }
0x373: {  	[sflag:s21] =	ssyncadd.s32 $0xFFFF9000  }
0x374: {  	_ =	swait.ge [sflag:s21], $0x7000  }
0x375: {  	[sflag:s21] =	ssyncset.done $0x0  }
0x376: {  	[sflag:s21] =	ssyncadd.s32 $0xFFFF9000  }
0x377: {  	_ =	swait.ge [sflag:s21], $0x7000  }
0x378: {  	[sflag:s21] =	ssyncset.done $0x0  }
0x379: {  	[sflag:s21] =	ssyncadd.s32 $0xFFFF9000  }
0x37a: {  	_ =	swait.ge [sflag:s21], $0x7000  }
0x37b: {  	[sflag:s21] =	ssyncset.done $0x0  }
0x37c: {  	[sflag:s21] =	ssyncadd.s32 $0xFFFF9000  }
0x37d: {  	_ =	swait.ge [sflag:s21], $0x7000  }
0x37e: {  	[sflag:s21] =	ssyncset.done $0x0  }
0x37f: {  	[sflag:s21] =	ssyncadd.s32 $0xFFFF9000  }
0x380: {  	_ =	swait.ge [sflag:s21], $0x7000  }
0x381: {  	[sflag:s21] =	ssyncset.done $0x0  }
0x382: {  	[sflag:s21] =	ssyncadd.s32 $0xFFFF9000  }
0x383: {  	_ =	swait.ge [sflag:s21], $0x7000  }
0x384: {  	[sflag:s21] =	ssyncset.done $0x0  }
0x385: {  	[sflag:s21] =	ssyncadd.s32 $0xFFFF9000  }
0x386: {  	_ =	swait.ge [sflag:s21], $0x7000  }
0x387: {  	[sflag:s21] =	ssyncset.done $0x0  }
0x388: {  	[sflag:s21] =	ssyncadd.s32 $0xFFFF9000  }
0x389: {  	_ =	swait.ge [sflag:s21], $0x7000  }
0x38a: {  	[sflag:s21] =	ssyncset.done $0x0  }
0x38b: {  	[sflag:s21] =	ssyncadd.s32 $0xFFFF9000  }
0x38c: {  	_ =	swait.ge [sflag:s21], $0x7000  }
0x38d: {  	[sflag:s21] =	ssyncset.done $0x0  }
0x38e: {  	[sflag:s21] =	ssyncadd.s32 $0xFFFF9000  }
0x38f: {  	_ =	swait.ge [sflag:s21], $0x7000  }
0x390: {  	[sflag:s21] =	ssyncset.done $0x0  }
0x391: {  	[sflag:s21] =	ssyncadd.s32 $0xFFFF9000  }
0x392: {  	_ =	swait.ge [sflag:s21], $0x7000  }
0x393: {  	[sflag:s21] =	ssyncset.done $0x0  }
0x394: {  	[sflag:s21] =	ssyncadd.s32 $0xFFFF9000  }
0x395: {  	_ =	swait.ge [sflag:s21], $0x7000  }
0x396: {  	[sflag:s21] =	ssyncset.done $0x0  }
0x397: {  	[sflag:s21] =	ssyncadd.s32 $0xFFFF9000  }
0x398: {  	_ =	swait.ge [sflag:s21], $0x7000  }
0x399: {  	[sflag:s21] =	ssyncset.done $0x0  }
0x39a: {  	[sflag:s21] =	ssyncadd.s32 $0xFFFF9000  }
0x39b: {  	_ =	swait.ge [sflag:s21], $0x7000  }
0x39c: {  	[sflag:s21] =	ssyncset.done $0x0  }
0x39d: {  	[sflag:s21] =	ssyncadd.s32 $0xFFFF9000  }
0x39e: {  	_ =	swait.ge [sflag:s21], $0x7000  }
0x39f: {  	[sflag:s21] =	ssyncset.done $0x0  }
0x3a0: {  	[sflag:s21] =	ssyncadd.s32 $0xFFFF9000  }
0x3a1: {  	_ =	swait.ge [sflag:s21], $0x7000  }
0x3a2: {  	[sflag:s21] =	ssyncset.done $0x0  }
0x3a3: {  	[sflag:s21] =	ssyncadd.s32 $0xFFFF9000  }
0x3a4: {  	_ =	swait.ge [sflag:s21], $0x7000  }
0x3a5: {  	[sflag:s21] =	ssyncset.done $0x0  }
0x3a6: {  	[sflag:s21] =	ssyncadd.s32 $0xFFFF9000  }
0x3a7: {  	_ =	swait.ge [sflag:s21], $0x7000  }
0x3a8: {  	[sflag:s21] =	ssyncset.done $0x0  }
0x3a9: {  	[sflag:s21] =	ssyncadd.s32 $0xFFFF9000  }
0x3aa: {  	_ =	swait.ge [sflag:s21], $0x7000  }
0x3ab: {  	[sflag:s21] =	ssyncset.done $0x0  }
0x3ac: {  	[sflag:s21] =	ssyncadd.s32 $0xFFFF9000  }
0x3ad: {  	_ =	swait.ge [sflag:s21], $0x7000  }
0x3ae: {  	[sflag:s21] =	ssyncset.done $0x0  }
0x3af: {  	[sflag:s21] =	ssyncadd.s32 $0xFFFF9000  }
0x3b0: {  	_ =	swait.ge [sflag:s21], $0x7000  }
0x3b1: {  	[sflag:s21] =	ssyncset.done $0x0  }
0x3b2: {  	[sflag:s21] =	ssyncadd.s32 $0xFFFF9000  }
0x3b3: {  	_ =	swait.ge [sflag:s21], $0x7000  }
0x3b4: {  	[sflag:s21] =	ssyncset.done $0x0  }
0x3b5: {  	[sflag:s21] =	ssyncadd.s32 $0xFFFF9000  }
0x3b6: {  	_ =	swait.ge [sflag:s21], $0x2200  }
0x3b7: {  	s22 =	sadd.s32 $0x1, s22;
	s31 =	rddreg [dreg:$0x19]  }
0x3b8: {  	p0 =	sne.s32 s22, s31  }
.Ltmp18:
0x3b9: {  	_ = 	snop;
	(pc) =	sbr.rel @p0 .LBB2_2-.Ltmp18, $3  }
0x3ba: {  	_ =	sdelay $0x1  }
0x3bb: {  	[sflag:s21] =	ssyncset.done $0x0  }
0x3bc: {  	[sflag:s21] =	ssyncadd.s32 $0xFFFFDE00  }
.LBB2_37:
0x3bd: {  	_ =	sfence.sel $0x180000  }
0x3be: {  	[bflag:$0x0] =	sbarrier.arrive $0xFFFF  }
0x3bf: {  	_ =	strace $0x90000047  }
0x3c0: {  	s0 =	stileid.u32;
	[bflag:$0x2] =	sbarrier.arrive $0xFFFF  }
0x3c1: {  	p0 =	sne.s32 s0, $0x0;
	s0 =	rddreg [dreg:$0x2]  }
0x3c2: {  	s0 =	sadd.s32 @!p0 $0x100000, s0  }
0x3c3: {  	[sflag:s0] =	ssyncadd.tile.s32 @!p0 $0x1;
	_ =	shalt  }
.Lfunc_end2:
_tile_overlayer_lowered:
.L_overlay_start_2:
0x3c4: {  	(tag) =	ssettag $0x2  }
0x3c5: {  	s0 =	rddreg [dreg:$0x0];
	s2 =	stileid.u32  }
0x3c6: {  	s1 =	rddreg [dreg:$0x1];
	p0 =	sne.s32 s2, $0x0  }
0x3c7: {  	s3 =	rddreg [dreg:$0x2];
	[bflag:$0x3] =	sbarrier.arrive $0xFFFF;
	s2 =	simm.s32 @!p0 $0x1C02  }
0x3c8: {  	[timem:s3], [sflag:s2] =	dma.local @!p0 [hbm:s0], s1  }
0x3c9: {  	s0 =	simm.s32 @!p0 $0x2  }
0x3ca: {  	_ =	swait.ge @!p0 [sflag:s0], s1  }
0x3cb: {  	s1 =	ssub.s32 @!p0 $0x0, s1;
	[sflag:s0] =	ssyncset.done @!p0 $0x0  }
0x3cc: {  	[sflag:s0] =	ssyncadd.s32 @!p0 s1  }
0x3cd: {  	[bflag:$0x3] =	sbarrier.arrive $0xFFFF  }
0x3ce: {  	_ =	shalt  }

</sc_bundles>
